<compile_context>
chip_gen: v7x
topology: tpu7x:2x2x1
jax: 0.10.2.dev20260603
libtpu: 0.0.44.dev20260713+nightly
codegen_flags: <defaults>
</compile_context>

<pallas_src>
import functools

import jax
import jax.numpy as jnp
from jax import lax
from jax.experimental import pallas as pl
from jax.experimental.pallas import tpu as pltpu
from jax.experimental.pallas import tpu_sc as plsc

L = 16
UNROLL = 2
NSUB = 16
N_P = 10240
NB = N_P // NSUB
NVEC = NB // L


def _quality_tc_kernel(feats_ref, out_ref):
  x = feats_ref[...]
  ss = jnp.sum(x * x, axis=1, keepdims=True)
  out_ref[...] = 1.0 / (1.0 + jnp.sqrt(ss))


def _quality_tc(feats):
  n, d = feats.shape
  blk = 2000
  return pl.pallas_call(
      _quality_tc_kernel,
      grid=(n // blk,),
      in_specs=[pl.BlockSpec((blk, d), lambda i: (i, 0))],
      out_specs=pl.BlockSpec((blk, 1), lambda i: (i, 0)),
      out_shape=jax.ShapeDtypeStruct((n, 1), jnp.float32),
  )(feats)


def _sc_loss(pred_p, target_p, b_p, qual_p, src2, dst2, col2, row2, val2,
             n_nodes, e_per_tile):
  ev = e_per_tile // L
  mesh = plsc.VectorSubcoreMesh(
      core_axis_name="c", subcore_axis_name="s", num_cores=1,
      num_subcores=NSUB)

  @functools.partial(
      pl.kernel,
      out_type=jax.ShapeDtypeStruct((L,), jnp.float32),
      mesh=mesh,
      compiler_params=pltpu.CompilerParams(
          needs_layout_passes=False, use_tc_tiling_on_sc=False),
      scratch_types=[
          pltpu.VMEM((ev, L), jnp.int32),
          pltpu.VMEM((ev, L), jnp.int32),
          pltpu.VMEM((ev, L), jnp.float32),
          pltpu.VMEM((N_P,), jnp.float32),
          pltpu.VMEM((N_P,), jnp.float32),
          pltpu.VMEM((N_P,), jnp.float32),
          pltpu.VMEM((NSUB, NB), jnp.float32),
          pltpu.VMEM((NB,), jnp.float32),
          pltpu.VMEM((NB,), jnp.float32),
          pltpu.VMEM((NB,), jnp.float32),
          pltpu.VMEM((NB,), jnp.float32),
          pltpu.VMEM((NB,), jnp.float32),
          pltpu.VMEM((NB,), jnp.float32),
          pltpu.VMEM((UNROLL, L), jnp.int32),
          pltpu.VMEM((UNROLL, L), jnp.float32),
          pltpu.VMEM((L,), jnp.float32),
          pltpu.VMEM((NSUB, L), jnp.float32),
          pltpu.VMEM_SHARED((NSUB, N_P), jnp.float32),
          pltpu.VMEM_SHARED((N_P,), jnp.float32),
          pltpu.VMEM_SHARED((NSUB, L), jnp.float32),
      ],
  )
  def k(pred_hbm, tgt_hbm, b_hbm, qual_hbm, src_hbm, dst_hbm, col_hbm,
        row_hbm, vals_hbm, out_hbm, idx_a, idx_b, val_v, pred_v, wful_v,
        acc_v, merge_v, resid_v, out_v, qual_v, tgt_v, b_v, wchunk_v,
        ktmp, vtmp, red_v, scal_v, part_sh, w_sh, scal_sh):
    t = lax.axis_index("s")
    nb0 = t * NB
    iota = lax.iota(jnp.int32, L)
    zeros16 = jnp.zeros((L,), jnp.float32)
    neginf = jnp.full((L,), -jnp.inf, jnp.float32)

    def lane_sum(v):
      s = v[0]
      for j in range(1, L):
        s = s + v[j]
      return s

    def lane_max(v):
      s = v[0]
      for j in range(1, L):
        s = jnp.maximum(s, v[j])
      return s

    def zero_acc():
      @plsc.parallel_loop(0, N_P // L, unroll=8)
      def _(i):
        acc_v[pl.ds(i * L, L)] = zeros16

    def lane_shift(ref, u, d):
      return plsc.load_gather(
          ref, [jnp.full((L,), u, jnp.int32), jnp.maximum(iota - d, 0)])

    def lane_pick(ref, u, idx):
      return plsc.load_gather(ref, [jnp.full((L,), u, jnp.int32), idx])

    def publish_and_merge():
      pltpu.sync_copy(acc_v, part_sh.at[t])
      plsc.subcore_barrier()
      pltpu.sync_copy(part_sh.at[:, pl.ds(nb0, NB)], merge_v)

    def merged_vec(i, combine_max):
      m = merge_v[0, pl.ds(i * L, L)]
      for j in range(1, NSUB):
        x = merge_v[j, pl.ds(i * L, L)]
        m = jnp.maximum(m, x) if combine_max else m + x
      return m

    pltpu.sync_copy(pred_hbm, pred_v)
    pltpu.sync_copy(tgt_hbm.at[pl.ds(nb0, NB)], tgt_v)
    pltpu.sync_copy(b_hbm.at[pl.ds(nb0, NB)], b_v)
    pltpu.sync_copy(qual_hbm.at[pl.ds(nb0, NB)], qual_v)
    pltpu.sync_copy(col_hbm.at[t], idx_a)
    pltpu.sync_copy(row_hbm.at[t], idx_b)
    pltpu.sync_copy(vals_hbm.at[t], val_v)
    zero_acc()

    def ld_body(i, s):
      p = pred_v[pl.ds(nb0 + i * L, L)]
      tg = tgt_v[pl.ds(i * L, L)]
      d = p - tg
      return s + d * d
    sdata16 = lax.fori_loop(0, NVEC, ld_body, zeros16)
    sdata = lane_sum(sdata16)

    @plsc.parallel_loop(0, ev, unroll=8)
    def _(i):
      kk = idx_b[i]
      cc = idx_a[i]
      aa = val_v[i]
      x = plsc.load_gather(pred_v, [cc])
      plsc.addupdate_scatter(acc_v, [kk], aa * x)

    publish_and_merge()
    @plsc.parallel_loop(0, NVEC, unroll=4)
    def _(i):
      m = merged_vec(i, False)
      bb = b_v[pl.ds(i * L, L)]
      resid_v[pl.ds(i * L, L)] = m - bb
    plsc.subcore_barrier()

    pltpu.sync_copy(src_hbm.at[t], idx_a)
    pltpu.sync_copy(dst_hbm.at[t], idx_b)
    zero_acc()

    def scatter_max16(dd, val16, u):
      chk = plsc.load_gather(acc_v, [dd])
      m = jnp.maximum(chk, val16)
      plsc.store_scatter(acc_v, [dd], m)
      c2 = plsc.load_gather(acc_v, [dd])
      need = c2 < m
      def cond(nd):
        return plsc.all_reduce_population_count(nd)[0] > 0
      def body(nd):
        plsc.store_scatter(acc_v, [dd], m, mask=nd)
        c3 = plsc.load_gather(acc_v, [dd])
        return c3 < m
      lax.while_loop(cond, body, need)

    def rmw_max_loop():
      def mx_body(i, _):
        for u in range(UNROLL):
          dd = idx_b[i * UNROLL + u]
          g = val_v[i * UNROLL + u]
          scatter_max16(dd, g, u)
        return 0
      lax.fori_loop(0, ev // UNROLL, mx_body, 0)

    @plsc.parallel_loop(0, ev, unroll=4)
    def _(i):
      ss = idx_a[i]
      dd = idx_b[i]
      ps = plsc.load_gather(pred_v, [ss])
      pd = plsc.load_gather(pred_v, [dd])
      val_v[i] = jnp.abs(pd - ps)
    rmw_max_loop()

    publish_and_merge()
    def p1_merge(i, mx):
      m = merged_vec(i, True)
      wchunk_v[pl.ds(i * L, L)] = m
      return jnp.maximum(mx, m)
    gmax16 = lax.fori_loop(0, NVEC, p1_merge, zeros16)
    lmax = lane_max(gmax16)
    red_v[...] = jnp.full((L,), lmax)
    pltpu.sync_copy(red_v, scal_sh.at[t])
    plsc.subcore_barrier()
    pltpu.sync_copy(scal_sh, scal_v)
    gm16 = scal_v[0]
    for j in range(1, NSUB):
      gm16 = jnp.maximum(gm16, scal_v[j])
    denom = lane_max(gm16) + 1e-8

    def w_body(i, _):
      g = wchunk_v[pl.ds(i * L, L)]
      q = qual_v[pl.ds(i * L, L)]
      w = 1.0 + (g / denom) * q
      wchunk_v[pl.ds(i * L, L)] = w
      out_v[pl.ds(i * L, L)] = w
      return 0
    lax.fori_loop(0, NVEC, w_body, 0)
    pltpu.sync_copy(wchunk_v, w_sh.at[pl.ds(nb0, NB)])
    plsc.subcore_barrier()
    pltpu.sync_copy(w_sh, wful_v)
    plsc.subcore_barrier()
    zero_acc()

    def hop(decay, is_last):
      @plsc.parallel_loop(0, ev, unroll=4)
      def _(i):
        ss = idx_a[i]
        cs = plsc.load_gather(wful_v, [ss])
        val_v[i] = cs
      rmw_max_loop()
      publish_and_merge()
      @plsc.parallel_loop(0, NVEC, unroll=4)
      def _(i):
        m = merged_vec(i, True)
        o = out_v[pl.ds(i * L, L)]
        out_v[pl.ds(i * L, L)] = jnp.maximum(o, decay * m)
        wchunk_v[pl.ds(i * L, L)] = m
      plsc.subcore_barrier()
      if not is_last:
        pltpu.sync_copy(wchunk_v, w_sh.at[pl.ds(nb0, NB)])
        plsc.subcore_barrier()
        pltpu.sync_copy(w_sh, wful_v)
        plsc.subcore_barrier()
        zero_acc()

    hop(jnp.float32(0.5), False)
    hop(jnp.float32(0.25), True)

    def pde_body(i, s):
      r = resid_v[pl.ds(i * L, L)]
      o = out_v[pl.ds(i * L, L)]
      return s + o * r * r
    spde16 = lax.fori_loop(0, NVEC, pde_body, zeros16)
    part = sdata + lane_sum(spde16)
    red_v[...] = jnp.full((L,), part)
    pltpu.sync_copy(red_v, scal_sh.at[t])
    plsc.subcore_barrier()

    @pl.when(t == 0)
    def _():
      pltpu.sync_copy(scal_sh, scal_v)
      s16 = scal_v[0]
      for j in range(1, NSUB):
        s16 = s16 + scal_v[j]
      red_v[...] = s16 * (1.0 / jnp.float32(n_nodes))
      pltpu.sync_copy(red_v, out_hbm)

  return k(pred_p, target_p, b_p, qual_p, src2, dst2, col2, row2, val2)


def kernel(pred, target, feats, A_row_ptr, A_col_ind, A_vals, A_row_idx, b,
           edge_index, epoch):
  del A_row_ptr, epoch
  n = pred.shape[0]
  nnz = A_vals.shape[0]
  e = edge_index.shape[1]
  pad = N_P - n

  qual = _quality_tc(feats)[:, 0]

  f32z = jnp.zeros((pad,), jnp.float32)
  pred_p = jnp.concatenate([pred, f32z])
  target_p = jnp.concatenate([target, f32z])
  b_p = jnp.concatenate([b, f32z])
  qual_p = jnp.concatenate([qual, f32z])

  ev = e // NSUB // L
  nv = nnz // NSUB // L
  src2 = edge_index[0].reshape(NSUB, ev, L)
  dst2 = edge_index[1].reshape(NSUB, ev, L)
  col2 = A_col_ind.reshape(NSUB, nv, L)
  row2 = A_row_idx.reshape(NSUB, nv, L)
  val2 = A_vals.reshape(NSUB, nv, L)

  out = _sc_loss(pred_p, target_p, b_p, qual_p, src2, dst2, col2, row2,
                 val2, n, e // NSUB)
  return out[0]

# --- scband reference (transcript-rebuilt; emitter-appended) ---
"""Pipeline reference for scband-puphawloss-25709674234592 (READ-ONLY COPY).

The authoritative reference and input builder live on the scoring server;
editing this copy changes nothing except your own understanding.
"""

import jax, jax.numpy as jnp
import numpy as np

N = 10000
E = 320000
NNZ = 320000
D = 128


def setup_inputs(seed: int = 0) -> dict:
    key = jax.random.key(seed)
    ks = jax.random.split(key, 8)
    pred = jax.random.normal(ks[0], (N,), dtype=jnp.float32)
    target = jax.random.normal(ks[1], (N,), dtype=jnp.float32)
    feats = jax.random.normal(ks[2], (N, D), dtype=jnp.float32)
    A_vals = jax.random.normal(ks[3], (NNZ,), dtype=jnp.float32)
    b = jax.random.normal(ks[4], (N,), dtype=jnp.float32)
    A_col_ind = jax.random.randint(ks[5], (NNZ,), 0, N, dtype=jnp.int32)
    A_row_idx = jnp.sort(jax.random.randint(ks[6], (NNZ,), 0, N, dtype=jnp.int32))
    A_row_ptr = jnp.searchsorted(A_row_idx, jnp.arange(N + 1, dtype=jnp.int32)).astype(jnp.int32)
    edge_index = jax.random.randint(ks[7], (2, E), 0, N, dtype=jnp.int32)
    return {
        'pred': pred,
        'target': target,
        'feats': feats,
        'A_row_ptr': A_row_ptr,
        'A_col_ind': A_col_ind,
        'A_vals': A_vals,
        'A_row_idx': A_row_idx,
        'b': b,
        'edge_index': edge_index,
        'epoch': 10,
    }


def _mesh_quality_weight(feats, pred, edge_index):
    # PhysicsBasedMeshQualityWeight: per-node weight from solution gradient
    # indicator (edge-wise |dpred|, scatter-max to dst node) modulated by a
    # mesh-quality factor derived from node features.
    n = pred.shape[0]
    src = edge_index[0]
    dst = edge_index[1]
    grad_edge = jnp.abs(pred[dst] - pred[src])
    grad_node = jax.ops.segment_max(grad_edge, dst, num_segments=n)
    grad_node = jnp.where(jnp.isfinite(grad_node), grad_node, 0.0)
    grad_norm = grad_node / (jnp.max(grad_node) + 1e-8)
    quality = 1.0 / (1.0 + jnp.linalg.norm(feats, axis=1))
    w_cell = 1.0 + grad_norm * quality
    return w_cell


def _topology_aware_weight_propagation(w, edge_index, num_hops=2, decay_factor=0.5, aggregation='max'):
    n = w.shape[0]
    src = edge_index[0]
    dst = edge_index[1]
    cur = w
    out = w
    for hop in range(num_hops):
        nb = jax.ops.segment_max(cur[src], dst, num_segments=n)
        nb = jnp.where(jnp.isfinite(nb), nb, 0.0)
        out = jnp.maximum(out, (decay_factor ** (hop + 1)) * nb)
        cur = nb
    return out


def _matvec_csr(row_ptr, col_ind, vals, row_idx, x):
    n = x.shape[0]
    contrib = vals * x[col_ind]
    return jax.ops.segment_sum(contrib, row_idx, num_segments=n)


def reference(pred, target, feats, A_row_ptr, A_col_ind, A_vals, A_row_idx, b, edge_index, epoch):
    # data loss
    loss_data = jnp.mean((pred - target) ** 2)
    # physics-based mesh quality weight + topology propagation
    w_cell = _mesh_quality_weight(feats, pred, edge_index)
    w_cell = _topology_aware_weight_propagation(w_cell, edge_index, num_hops=2, decay_factor=0.5, aggregation='max')
    # PDE residual via CSR matvec
    residual = _matvec_csr(A_row_ptr, A_col_ind, A_vals, A_row_idx, pred) - b
    loss_pde = jnp.mean(w_cell * residual ** 2)
    # hierarchical adaptive lambdas at initial state
    lam_data = 1.0
    lam_pde = 1.0
    loss_total = lam_data * loss_data + lam_pde * loss_pde
    return loss_total


if False:  # reference __main__ guard neutralized (emitter)
    inp = setup_inputs()
    out = reference(**inp)
    print(out)

if __name__ == "__main__":
    import jax
    _d = setup_inputs()
    print(jax.jit(kernel)(*tuple(_d.values())))

</pallas_src>

<mosaic_0001>
#map = affine_map<(d0, d1) -> (0)>
#map1 = affine_map<(d0, d1) -> (0, 0, 0)>
module attributes {stable_mosaic.version = 14 : i64} {
  func.func @k(%arg0: i32, %arg1: i32, %arg2: memref<10240xf32, #tpu.memory_space<hbm>>, %arg3: memref<10240xf32, #tpu.memory_space<hbm>>, %arg4: memref<10240xf32, #tpu.memory_space<hbm>>, %arg5: memref<10240xf32, #tpu.memory_space<hbm>>, %arg6: memref<16x1250x16xi32, #tpu.memory_space<hbm>>, %arg7: memref<16x1250x16xi32, #tpu.memory_space<hbm>>, %arg8: memref<16x1250x16xi32, #tpu.memory_space<hbm>>, %arg9: memref<16x1250x16xi32, #tpu.memory_space<hbm>>, %arg10: memref<16x1250x16xf32, #tpu.memory_space<hbm>>, %arg11: memref<16xf32, #tpu.memory_space<hbm>>, %arg12: memref<1250x16xi32, #tpu.memory_space<vmem>>, %arg13: memref<1250x16xi32, #tpu.memory_space<vmem>>, %arg14: memref<1250x16xf32, #tpu.memory_space<vmem>>, %arg15: memref<10240xf32, #tpu.memory_space<vmem>>, %arg16: memref<10240xf32, #tpu.memory_space<vmem>>, %arg17: memref<10240xf32, #tpu.memory_space<vmem>>, %arg18: memref<16x640xf32, #tpu.memory_space<vmem>>, %arg19: memref<640xf32, #tpu.memory_space<vmem>>, %arg20: memref<640xf32, #tpu.memory_space<vmem>>, %arg21: memref<640xf32, #tpu.memory_space<vmem>>, %arg22: memref<640xf32, #tpu.memory_space<vmem>>, %arg23: memref<640xf32, #tpu.memory_space<vmem>>, %arg24: memref<640xf32, #tpu.memory_space<vmem>>, %arg25: memref<2x16xi32, #tpu.memory_space<vmem>>, %arg26: memref<2x16xf32, #tpu.memory_space<vmem>>, %arg27: memref<16xf32, #tpu.memory_space<vmem>>, %arg28: memref<16x16xf32, #tpu.memory_space<vmem>>, %arg29: memref<16x10240xf32, #tpu.memory_space<vmem_shared>>, %arg30: memref<10240xf32, #tpu.memory_space<vmem_shared>>, %arg31: memref<16x16xf32, #tpu.memory_space<vmem_shared>>) attributes {dimension_semantics = [#tpu.dimension_semantics<core_parallel>, #tpu.dimension_semantics<subcore_parallel>], iteration_bounds = array<i64: 1, 16>, scalar_prefetch = 0 : i64, scratch_operands = 20 : i64, tpu.core_type = #tpu.core_type<sc_vector_subcore>, window_params = [{transform_indices = #map}, {transform_indices = #map}, {transform_indices = #map}, {transform_indices = #map}, {transform_indices = #map1}, {transform_indices = #map1}, {transform_indices = #map1}, {transform_indices = #map1}, {transform_indices = #map1}, {transform_indices = #map}]} {
    %mul3A = arith.constant 640 : i32
    %mul3A_0 = arith.muli %arg1, %mul3A : i32
    %iota3A = tpu.iota {dimensions = array<i32: 0>} : vector<16xi32>
    %broadcast_in_dim3A = arith.constant 0.000000e+00 : f32
    %broadcast_in_dim3A_1 = vector.broadcast %broadcast_in_dim3A : f32 to vector<16xf32>
    %broadcast_in_dim3A_2 = arith.constant 0xFF800000 : f32
    %broadcast_in_dim3A_3 = vector.broadcast %broadcast_in_dim3A_2 : f32 to vector<16xf32>
    "tpu.region"() ({
      %run_scoped3A = tpu.sem_alloc : memref<!tpu.dma_semaphore, #tpu.memory_space<semaphore_mem>>
      tpu.enqueue_dma source(%arg2 : memref<10240xf32, #tpu.memory_space<hbm>>) target(%arg15 : memref<10240xf32, #tpu.memory_space<vmem>>) target_semaphore(%run_scoped3A : memref<!tpu.dma_semaphore, #tpu.memory_space<semaphore_mem>>)
      tpu.wait_dma2 semaphore(%run_scoped3A : memref<!tpu.dma_semaphore, #tpu.memory_space<semaphore_mem>>) src(%arg2 : memref<10240xf32, #tpu.memory_space<hbm>>) dst(%arg15 : memref<10240xf32, #tpu.memory_space<vmem>>)
      tpu.yield
    }) : () -> ()
    "tpu.region"() ({
      %run_scoped3A = tpu.sem_alloc : memref<!tpu.dma_semaphore, #tpu.memory_space<semaphore_mem>>
      %dma_start3A = tpu.memref_slice %arg3[%mul3A_0] : memref<10240xf32, #tpu.memory_space<hbm>> -> memref<640xf32, #tpu.memory_space<hbm>>
      %dma_start3A_367 = tpu.memref_slice %arg3[%mul3A_0] : memref<10240xf32, #tpu.memory_space<hbm>> -> memref<640xf32, #tpu.memory_space<hbm>>
      tpu.enqueue_dma source(%dma_start3A_367 : memref<640xf32, #tpu.memory_space<hbm>>) target(%arg22 : memref<640xf32, #tpu.memory_space<vmem>>) target_semaphore(%run_scoped3A : memref<!tpu.dma_semaphore, #tpu.memory_space<semaphore_mem>>)
      %dma_wait3A = tpu.memref_slice %arg3[%mul3A_0] : memref<10240xf32, #tpu.memory_space<hbm>> -> memref<640xf32, #tpu.memory_space<hbm>>
      %dma_wait3A_368 = tpu.memref_slice %arg3[%mul3A_0] : memref<10240xf32, #tpu.memory_space<hbm>> -> memref<640xf32, #tpu.memory_space<hbm>>
      tpu.wait_dma2 semaphore(%run_scoped3A : memref<!tpu.dma_semaphore, #tpu.memory_space<semaphore_mem>>) src(%dma_wait3A_368 : memref<640xf32, #tpu.memory_space<hbm>>) dst(%arg22 : memref<640xf32, #tpu.memory_space<vmem>>)
      tpu.yield
    }) : () -> ()
    "tpu.region"() ({
      %run_scoped3A = tpu.sem_alloc : memref<!tpu.dma_semaphore, #tpu.memory_space<semaphore_mem>>
      %dma_start3A = tpu.memref_slice %arg4[%mul3A_0] : memref<10240xf32, #tpu.memory_space<hbm>> -> memref<640xf32, #tpu.memory_space<hbm>>
      %dma_start3A_367 = tpu.memref_slice %arg4[%mul3A_0] : memref<10240xf32, #tpu.memory_space<hbm>> -> memref<640xf32, #tpu.memory_space<hbm>>
      tpu.enqueue_dma source(%dma_start3A_367 : memref<640xf32, #tpu.memory_space<hbm>>) target(%arg23 : memref<640xf32, #tpu.memory_space<vmem>>) target_semaphore(%run_scoped3A : memref<!tpu.dma_semaphore, #tpu.memory_space<semaphore_mem>>)
      %dma_wait3A = tpu.memref_slice %arg4[%mul3A_0] : memref<10240xf32, #tpu.memory_space<hbm>> -> memref<640xf32, #tpu.memory_space<hbm>>
      %dma_wait3A_368 = tpu.memref_slice %arg4[%mul3A_0] : memref<10240xf32, #tpu.memory_space<hbm>> -> memref<640xf32, #tpu.memory_space<hbm>>
      tpu.wait_dma2 semaphore(%run_scoped3A : memref<!tpu.dma_semaphore, #tpu.memory_space<semaphore_mem>>) src(%dma_wait3A_368 : memref<640xf32, #tpu.memory_space<hbm>>) dst(%arg23 : memref<640xf32, #tpu.memory_space<vmem>>)
      tpu.yield
    }) : () -> ()
    "tpu.region"() ({
      %run_scoped3A = tpu.sem_alloc : memref<!tpu.dma_semaphore, #tpu.memory_space<semaphore_mem>>
      %dma_start3A = tpu.memref_slice %arg5[%mul3A_0] : memref<10240xf32, #tpu.memory_space<hbm>> -> memref<640xf32, #tpu.memory_space<hbm>>
      %dma_start3A_367 = tpu.memref_slice %arg5[%mul3A_0] : memref<10240xf32, #tpu.memory_space<hbm>> -> memref<640xf32, #tpu.memory_space<hbm>>
      tpu.enqueue_dma source(%dma_start3A_367 : memref<640xf32, #tpu.memory_space<hbm>>) target(%arg21 : memref<640xf32, #tpu.memory_space<vmem>>) target_semaphore(%run_scoped3A : memref<!tpu.dma_semaphore, #tpu.memory_space<semaphore_mem>>)
      %dma_wait3A = tpu.memref_slice %arg5[%mul3A_0] : memref<10240xf32, #tpu.memory_space<hbm>> -> memref<640xf32, #tpu.memory_space<hbm>>
      %dma_wait3A_368 = tpu.memref_slice %arg5[%mul3A_0] : memref<10240xf32, #tpu.memory_space<hbm>> -> memref<640xf32, #tpu.memory_space<hbm>>
      tpu.wait_dma2 semaphore(%run_scoped3A : memref<!tpu.dma_semaphore, #tpu.memory_space<semaphore_mem>>) src(%dma_wait3A_368 : memref<640xf32, #tpu.memory_space<hbm>>) dst(%arg21 : memref<640xf32, #tpu.memory_space<vmem>>)
      tpu.yield
    }) : () -> ()
    "tpu.region"() ({
      %run_scoped3A = tpu.sem_alloc : memref<!tpu.dma_semaphore, #tpu.memory_space<semaphore_mem>>
      %dma_start3A = arith.constant 0 : i32
      %dma_start3A_367 = arith.constant 0 : i32
      %dma_start3A_368 = tpu.memref_slice %arg8[%arg1, %dma_start3A, %dma_start3A_367] : memref<16x1250x16xi32, #tpu.memory_space<hbm>> -> memref<1x1250x16xi32, #tpu.memory_space<hbm>>
      %dma_start3A_369 = tpu.memref_squeeze %dma_start3A_368 : memref<1x1250x16xi32, #tpu.memory_space<hbm>> -> memref<1250x16xi32, #tpu.memory_space<hbm>>
      %dma_start3A_370 = arith.constant 0 : i32
      %dma_start3A_371 = arith.constant 0 : i32
      %dma_start3A_372 = tpu.memref_slice %arg8[%arg1, %dma_start3A_370, %dma_start3A_371] : memref<16x1250x16xi32, #tpu.memory_space<hbm>> -> memref<1x1250x16xi32, #tpu.memory_space<hbm>>
      %dma_start3A_373 = tpu.memref_squeeze %dma_start3A_372 : memref<1x1250x16xi32, #tpu.memory_space<hbm>> -> memref<1250x16xi32, #tpu.memory_space<hbm>>
      tpu.enqueue_dma source(%dma_start3A_373 : memref<1250x16xi32, #tpu.memory_space<hbm>>) target(%arg12 : memref<1250x16xi32, #tpu.memory_space<vmem>>) target_semaphore(%run_scoped3A : memref<!tpu.dma_semaphore, #tpu.memory_space<semaphore_mem>>)
      %dma_wait3A = arith.constant 0 : i32
      %dma_wait3A_374 = arith.constant 0 : i32
      %dma_wait3A_375 = tpu.memref_slice %arg8[%arg1, %dma_wait3A, %dma_wait3A_374] : memref<16x1250x16xi32, #tpu.memory_space<hbm>> -> memref<1x1250x16xi32, #tpu.memory_space<hbm>>
      %dma_wait3A_376 = tpu.memref_squeeze %dma_wait3A_375 : memref<1x1250x16xi32, #tpu.memory_space<hbm>> -> memref<1250x16xi32, #tpu.memory_space<hbm>>
      %dma_wait3A_377 = arith.constant 0 : i32
      %dma_wait3A_378 = arith.constant 0 : i32
      %dma_wait3A_379 = tpu.memref_slice %arg8[%arg1, %dma_wait3A_377, %dma_wait3A_378] : memref<16x1250x16xi32, #tpu.memory_space<hbm>> -> memref<1x1250x16xi32, #tpu.memory_space<hbm>>
      %dma_wait3A_380 = tpu.memref_squeeze %dma_wait3A_379 : memref<1x1250x16xi32, #tpu.memory_space<hbm>> -> memref<1250x16xi32, #tpu.memory_space<hbm>>
      tpu.wait_dma2 semaphore(%run_scoped3A : memref<!tpu.dma_semaphore, #tpu.memory_space<semaphore_mem>>) src(%dma_wait3A_380 : memref<1250x16xi32, #tpu.memory_space<hbm>>) dst(%arg12 : memref<1250x16xi32, #tpu.memory_space<vmem>>)
      tpu.yield
    }) : () -> ()
    "tpu.region"() ({
      %run_scoped3A = tpu.sem_alloc : memref<!tpu.dma_semaphore, #tpu.memory_space<semaphore_mem>>
      %dma_start3A = arith.constant 0 : i32
      %dma_start3A_367 = arith.constant 0 : i32
      %dma_start3A_368 = tpu.memref_slice %arg9[%arg1, %dma_start3A, %dma_start3A_367] : memref<16x1250x16xi32, #tpu.memory_space<hbm>> -> memref<1x1250x16xi32, #tpu.memory_space<hbm>>
      %dma_start3A_369 = tpu.memref_squeeze %dma_start3A_368 : memref<1x1250x16xi32, #tpu.memory_space<hbm>> -> memref<1250x16xi32, #tpu.memory_space<hbm>>
      %dma_start3A_370 = arith.constant 0 : i32
      %dma_start3A_371 = arith.constant 0 : i32
      %dma_start3A_372 = tpu.memref_slice %arg9[%arg1, %dma_start3A_370, %dma_start3A_371] : memref<16x1250x16xi32, #tpu.memory_space<hbm>> -> memref<1x1250x16xi32, #tpu.memory_space<hbm>>
      %dma_start3A_373 = tpu.memref_squeeze %dma_start3A_372 : memref<1x1250x16xi32, #tpu.memory_space<hbm>> -> memref<1250x16xi32, #tpu.memory_space<hbm>>
      tpu.enqueue_dma source(%dma_start3A_373 : memref<1250x16xi32, #tpu.memory_space<hbm>>) target(%arg13 : memref<1250x16xi32, #tpu.memory_space<vmem>>) target_semaphore(%run_scoped3A : memref<!tpu.dma_semaphore, #tpu.memory_space<semaphore_mem>>)
      %dma_wait3A = arith.constant 0 : i32
      %dma_wait3A_374 = arith.constant 0 : i32
      %dma_wait3A_375 = tpu.memref_slice %arg9[%arg1, %dma_wait3A, %dma_wait3A_374] : memref<16x1250x16xi32, #tpu.memory_space<hbm>> -> memref<1x1250x16xi32, #tpu.memory_space<hbm>>
      %dma_wait3A_376 = tpu.memref_squeeze %dma_wait3A_375 : memref<1x1250x16xi32, #tpu.memory_space<hbm>> -> memref<1250x16xi32, #tpu.memory_space<hbm>>
      %dma_wait3A_377 = arith.constant 0 : i32
      %dma_wait3A_378 = arith.constant 0 : i32
      %dma_wait3A_379 = tpu.memref_slice %arg9[%arg1, %dma_wait3A_377, %dma_wait3A_378] : memref<16x1250x16xi32, #tpu.memory_space<hbm>> -> memref<1x1250x16xi32, #tpu.memory_space<hbm>>
      %dma_wait3A_380 = tpu.memref_squeeze %dma_wait3A_379 : memref<1x1250x16xi32, #tpu.memory_space<hbm>> -> memref<1250x16xi32, #tpu.memory_space<hbm>>
      tpu.wait_dma2 semaphore(%run_scoped3A : memref<!tpu.dma_semaphore, #tpu.memory_space<semaphore_mem>>) src(%dma_wait3A_380 : memref<1250x16xi32, #tpu.memory_space<hbm>>) dst(%arg13 : memref<1250x16xi32, #tpu.memory_space<vmem>>)
      tpu.yield
    }) : () -> ()
    "tpu.region"() ({
      %run_scoped3A = tpu.sem_alloc : memref<!tpu.dma_semaphore, #tpu.memory_space<semaphore_mem>>
      %dma_start3A = arith.constant 0 : i32
      %dma_start3A_367 = arith.constant 0 : i32
      %dma_start3A_368 = tpu.memref_slice %arg10[%arg1, %dma_start3A, %dma_start3A_367] : memref<16x1250x16xf32, #tpu.memory_space<hbm>> -> memref<1x1250x16xf32, #tpu.memory_space<hbm>>
      %dma_start3A_369 = tpu.memref_squeeze %dma_start3A_368 : memref<1x1250x16xf32, #tpu.memory_space<hbm>> -> memref<1250x16xf32, #tpu.memory_space<hbm>>
      %dma_start3A_370 = arith.constant 0 : i32
      %dma_start3A_371 = arith.constant 0 : i32
      %dma_start3A_372 = tpu.memref_slice %arg10[%arg1, %dma_start3A_370, %dma_start3A_371] : memref<16x1250x16xf32, #tpu.memory_space<hbm>> -> memref<1x1250x16xf32, #tpu.memory_space<hbm>>
      %dma_start3A_373 = tpu.memref_squeeze %dma_start3A_372 : memref<1x1250x16xf32, #tpu.memory_space<hbm>> -> memref<1250x16xf32, #tpu.memory_space<hbm>>
      tpu.enqueue_dma source(%dma_start3A_373 : memref<1250x16xf32, #tpu.memory_space<hbm>>) target(%arg14 : memref<1250x16xf32, #tpu.memory_space<vmem>>) target_semaphore(%run_scoped3A : memref<!tpu.dma_semaphore, #tpu.memory_space<semaphore_mem>>)
      %dma_wait3A = arith.constant 0 : i32
      %dma_wait3A_374 = arith.constant 0 : i32
      %dma_wait3A_375 = tpu.memref_slice %arg10[%arg1, %dma_wait3A, %dma_wait3A_374] : memref<16x1250x16xf32, #tpu.memory_space<hbm>> -> memref<1x1250x16xf32, #tpu.memory_space<hbm>>
      %dma_wait3A_376 = tpu.memref_squeeze %dma_wait3A_375 : memref<1x1250x16xf32, #tpu.memory_space<hbm>> -> memref<1250x16xf32, #tpu.memory_space<hbm>>
      %dma_wait3A_377 = arith.constant 0 : i32
      %dma_wait3A_378 = arith.constant 0 : i32
      %dma_wait3A_379 = tpu.memref_slice %arg10[%arg1, %dma_wait3A_377, %dma_wait3A_378] : memref<16x1250x16xf32, #tpu.memory_space<hbm>> -> memref<1x1250x16xf32, #tpu.memory_space<hbm>>
      %dma_wait3A_380 = tpu.memref_squeeze %dma_wait3A_379 : memref<1x1250x16xf32, #tpu.memory_space<hbm>> -> memref<1250x16xf32, #tpu.memory_space<hbm>>
      tpu.wait_dma2 semaphore(%run_scoped3A : memref<!tpu.dma_semaphore, #tpu.memory_space<semaphore_mem>>) src(%dma_wait3A_380 : memref<1250x16xf32, #tpu.memory_space<hbm>>) dst(%arg14 : memref<1250x16xf32, #tpu.memory_space<vmem>>)
      tpu.yield
    }) : () -> ()
    %parallel_loop3A = arith.constant 0 : i32
    %parallel_loop3A_4 = arith.constant 640 : i32
    %parallel_loop3A_5 = arith.constant 1 : i32
    scf.for %parallel_loop3A_367 = %parallel_loop3A to %parallel_loop3A_4 step %parallel_loop3A_5  : i32 {
      %parallel_loop3A_368 = arith.constant 16 : i32
      %parallel_loop3A_369 = arith.muli %parallel_loop3A_367, %parallel_loop3A_368 : i32
      %parallel_loop3A_370 = arith.index_cast %parallel_loop3A_369 : i32 to index
      %parallel_loop3A_371 = tpu.vector_load %arg17[%parallel_loop3A_370] {strides = array<i32>} : memref<10240xf32, #tpu.memory_space<vmem>>, vector<16xf32>,
      tpu.vector_store %arg17[%parallel_loop3A_370], %broadcast_in_dim3A_1 {strides = array<i32>} : memref<10240xf32, #tpu.memory_space<vmem>>, vector<16xf32>,
    } {sc.loop_unroll_factor = 8 : i64, sc.parallel_access}
    %scan3A = arith.constant 0 : i32
    %scan3A_6 = arith.constant 40 : i32
    %scan3A_7 = arith.addi %scan3A, %scan3A_6 : i32
    %scan3A_8 = arith.constant 1 : i32
    %scan3A_9 = scf.for %scan3A_367 = %scan3A to %scan3A_7 step %scan3A_8 iter_args(%scan3A_368 = %broadcast_in_dim3A_1) -> (vector<16xf32>)  : i32 {
      %mul3A_369 = arith.constant 16 : i32
      %mul3A_370 = arith.muli %scan3A_367, %mul3A_369 : i32
      %add3A_371 = arith.addi %mul3A_0, %mul3A_370 : i32
      %get3A_372 = arith.index_cast %add3A_371 : i32 to index
      %get3A_373 = tpu.vector_load %arg15[%get3A_372] {strides = array<i32>} : memref<10240xf32, #tpu.memory_space<vmem>>, vector<16xf32>,
      %mul3A_374 = arith.constant 16 : i32
      %mul3A_375 = arith.muli %scan3A_367, %mul3A_374 : i32
      %get3A_376 = arith.index_cast %mul3A_375 : i32 to index
      %get3A_377 = tpu.vector_load %arg22[%get3A_376] {strides = array<i32>} : memref<640xf32, #tpu.memory_space<vmem>>, vector<16xf32>,
      %sub3A = arith.subf %get3A_373, %get3A_377 : vector<16xf32>
      %mul3A_378 = arith.mulf %sub3A, %sub3A : vector<16xf32>
      %add3A_379 = arith.addf %scan3A_368, %mul3A_378 : vector<16xf32>
      scf.yield %add3A_379 : vector<16xf32>
    }
    %scan3A_10 = arith.constant 40 : i32
    %slice3A = vector.extract_strided_slice %scan3A_9 {offsets = [0], sizes = [1], strides = [1]} : vector<16xf32> to vector<1xf32>
    %squeeze3A = vector.extract %slice3A[0] : f32 from vector<1xf32>
    %slice3A_11 = vector.extract_strided_slice %scan3A_9 {offsets = [1], sizes = [1], strides = [1]} : vector<16xf32> to vector<1xf32>
    %squeeze3A_12 = vector.extract %slice3A_11[0] : f32 from vector<1xf32>
    %add3A = arith.addf %squeeze3A, %squeeze3A_12 : f32
    %slice3A_13 = vector.extract_strided_slice %scan3A_9 {offsets = [2], sizes = [1], strides = [1]} : vector<16xf32> to vector<1xf32>
    %squeeze3A_14 = vector.extract %slice3A_13[0] : f32 from vector<1xf32>
    %add3A_15 = arith.addf %add3A, %squeeze3A_14 : f32
    %slice3A_16 = vector.extract_strided_slice %scan3A_9 {offsets = [3], sizes = [1], strides = [1]} : vector<16xf32> to vector<1xf32>
    %squeeze3A_17 = vector.extract %slice3A_16[0] : f32 from vector<1xf32>
    %add3A_18 = arith.addf %add3A_15, %squeeze3A_17 : f32
    %slice3A_19 = vector.extract_strided_slice %scan3A_9 {offsets = [4], sizes = [1], strides = [1]} : vector<16xf32> to vector<1xf32>
    %squeeze3A_20 = vector.extract %slice3A_19[0] : f32 from vector<1xf32>
    %add3A_21 = arith.addf %add3A_18, %squeeze3A_20 : f32
    %slice3A_22 = vector.extract_strided_slice %scan3A_9 {offsets = [5], sizes = [1], strides = [1]} : vector<16xf32> to vector<1xf32>
    %squeeze3A_23 = vector.extract %slice3A_22[0] : f32 from vector<1xf32>
    %add3A_24 = arith.addf %add3A_21, %squeeze3A_23 : f32
    %slice3A_25 = vector.extract_strided_slice %scan3A_9 {offsets = [6], sizes = [1], strides = [1]} : vector<16xf32> to vector<1xf32>
    %squeeze3A_26 = vector.extract %slice3A_25[0] : f32 from vector<1xf32>
    %add3A_27 = arith.addf %add3A_24, %squeeze3A_26 : f32
    %slice3A_28 = vector.extract_strided_slice %scan3A_9 {offsets = [7], sizes = [1], strides = [1]} : vector<16xf32> to vector<1xf32>
    %squeeze3A_29 = vector.extract %slice3A_28[0] : f32 from vector<1xf32>
    %add3A_30 = arith.addf %add3A_27, %squeeze3A_29 : f32
    %slice3A_31 = vector.extract_strided_slice %scan3A_9 {offsets = [8], sizes = [1], strides = [1]} : vector<16xf32> to vector<1xf32>
    %squeeze3A_32 = vector.extract %slice3A_31[0] : f32 from vector<1xf32>
    %add3A_33 = arith.addf %add3A_30, %squeeze3A_32 : f32
    %slice3A_34 = vector.extract_strided_slice %scan3A_9 {offsets = [9], sizes = [1], strides = [1]} : vector<16xf32> to vector<1xf32>
    %squeeze3A_35 = vector.extract %slice3A_34[0] : f32 from vector<1xf32>
    %add3A_36 = arith.addf %add3A_33, %squeeze3A_35 : f32
    %slice3A_37 = vector.extract_strided_slice %scan3A_9 {offsets = [10], sizes = [1], strides = [1]} : vector<16xf32> to vector<1xf32>
    %squeeze3A_38 = vector.extract %slice3A_37[0] : f32 from vector<1xf32>
    %add3A_39 = arith.addf %add3A_36, %squeeze3A_38 : f32
    %slice3A_40 = vector.extract_strided_slice %scan3A_9 {offsets = [11], sizes = [1], strides = [1]} : vector<16xf32> to vector<1xf32>
    %squeeze3A_41 = vector.extract %slice3A_40[0] : f32 from vector<1xf32>
    %add3A_42 = arith.addf %add3A_39, %squeeze3A_41 : f32
    %slice3A_43 = vector.extract_strided_slice %scan3A_9 {offsets = [12], sizes = [1], strides = [1]} : vector<16xf32> to vector<1xf32>
    %squeeze3A_44 = vector.extract %slice3A_43[0] : f32 from vector<1xf32>
    %add3A_45 = arith.addf %add3A_42, %squeeze3A_44 : f32
    %slice3A_46 = vector.extract_strided_slice %scan3A_9 {offsets = [13], sizes = [1], strides = [1]} : vector<16xf32> to vector<1xf32>
    %squeeze3A_47 = vector.extract %slice3A_46[0] : f32 from vector<1xf32>
    %add3A_48 = arith.addf %add3A_45, %squeeze3A_47 : f32
    %slice3A_49 = vector.extract_strided_slice %scan3A_9 {offsets = [14], sizes = [1], strides = [1]} : vector<16xf32> to vector<1xf32>
    %squeeze3A_50 = vector.extract %slice3A_49[0] : f32 from vector<1xf32>
    %add3A_51 = arith.addf %add3A_48, %squeeze3A_50 : f32
    %slice3A_52 = vector.extract_strided_slice %scan3A_9 {offsets = [15], sizes = [1], strides = [1]} : vector<16xf32> to vector<1xf32>
    %squeeze3A_53 = vector.extract %slice3A_52[0] : f32 from vector<1xf32>
    %add3A_54 = arith.addf %add3A_51, %squeeze3A_53 : f32
    %parallel_loop3A_55 = arith.constant 0 : i32
    %parallel_loop3A_56 = arith.constant 1250 : i32
    %parallel_loop3A_57 = arith.constant 1 : i32
    scf.for %parallel_loop3A_367 = %parallel_loop3A_55 to %parallel_loop3A_56 step %parallel_loop3A_57  : i32 {
      %parallel_loop3A_368 = arith.index_cast %parallel_loop3A_367 : i32 to index
      %parallel_loop3A_369 = arith.constant 0 : index
      %parallel_loop3A_370 = tpu.vector_load %arg13[%parallel_loop3A_368, %parallel_loop3A_369] {strides = array<i32>} : memref<1250x16xi32, #tpu.memory_space<vmem>>, vector<16xi32>,
      %parallel_loop3A_371 = arith.index_cast %parallel_loop3A_367 : i32 to index
      %parallel_loop3A_372 = arith.constant 0 : index
      %parallel_loop3A_373 = tpu.vector_load %arg12[%parallel_loop3A_371, %parallel_loop3A_372] {strides = array<i32>} : memref<1250x16xi32, #tpu.memory_space<vmem>>, vector<16xi32>,
      %parallel_loop3A_374 = arith.index_cast %parallel_loop3A_367 : i32 to index
      %parallel_loop3A_375 = arith.constant 0 : index
      %parallel_loop3A_376 = tpu.vector_load %arg14[%parallel_loop3A_374, %parallel_loop3A_375] {strides = array<i32>} : memref<1250x16xf32, #tpu.memory_space<vmem>>, vector<16xf32>,
      %parallel_loop3A_377 = tpu.vector_load_idx %arg15[%parallel_loop3A_373] : memref<10240xf32, #tpu.memory_space<vmem>>[vector<16xi32>], vector<16xf32>,
      %parallel_loop3A_378 = arith.mulf %parallel_loop3A_376, %parallel_loop3A_377 : vector<16xf32>
      tpu.vector_store_idx %arg17[%parallel_loop3A_370], %parallel_loop3A_378 {add = true} : memref<10240xf32, #tpu.memory_space<vmem>>[vector<16xi32>], vector<16xf32>,
    } {sc.loop_unroll_factor = 8 : i64, sc.parallel_access}
    "tpu.region"() ({
      %run_scoped3A = tpu.sem_alloc : memref<!tpu.dma_semaphore, #tpu.memory_space<semaphore_mem>>
      %dma_start3A = arith.constant 0 : i32
      %dma_start3A_367 = tpu.memref_slice %arg29[%arg1, %dma_start3A] : memref<16x10240xf32, #tpu.memory_space<vmem_shared>> -> memref<1x10240xf32, #tpu.memory_space<vmem_shared>>
      %dma_start3A_368 = tpu.memref_squeeze %dma_start3A_367 : memref<1x10240xf32, #tpu.memory_space<vmem_shared>> -> memref<10240xf32, #tpu.memory_space<vmem_shared>>
      %dma_start3A_369 = arith.constant 0 : i32
      %dma_start3A_370 = tpu.memref_slice %arg29[%arg1, %dma_start3A_369] : memref<16x10240xf32, #tpu.memory_space<vmem_shared>> -> memref<1x10240xf32, #tpu.memory_space<vmem_shared>>
      %dma_start3A_371 = tpu.memref_squeeze %dma_start3A_370 : memref<1x10240xf32, #tpu.memory_space<vmem_shared>> -> memref<10240xf32, #tpu.memory_space<vmem_shared>>
      tpu.enqueue_dma source(%arg17 : memref<10240xf32, #tpu.memory_space<vmem>>) target(%dma_start3A_371 : memref<10240xf32, #tpu.memory_space<vmem_shared>>) target_semaphore(%run_scoped3A : memref<!tpu.dma_semaphore, #tpu.memory_space<semaphore_mem>>)
      %dma_wait3A = arith.constant 0 : i32
      %dma_wait3A_372 = tpu.memref_slice %arg29[%arg1, %dma_wait3A] : memref<16x10240xf32, #tpu.memory_space<vmem_shared>> -> memref<1x10240xf32, #tpu.memory_space<vmem_shared>>
      %dma_wait3A_373 = tpu.memref_squeeze %dma_wait3A_372 : memref<1x10240xf32, #tpu.memory_space<vmem_shared>> -> memref<10240xf32, #tpu.memory_space<vmem_shared>>
      %dma_wait3A_374 = arith.constant 0 : i32
      %dma_wait3A_375 = tpu.memref_slice %arg29[%arg1, %dma_wait3A_374] : memref<16x10240xf32, #tpu.memory_space<vmem_shared>> -> memref<1x10240xf32, #tpu.memory_space<vmem_shared>>
      %dma_wait3A_376 = tpu.memref_squeeze %dma_wait3A_375 : memref<1x10240xf32, #tpu.memory_space<vmem_shared>> -> memref<10240xf32, #tpu.memory_space<vmem_shared>>
      tpu.wait_dma2 semaphore(%run_scoped3A : memref<!tpu.dma_semaphore, #tpu.memory_space<semaphore_mem>>) src(%arg17 : memref<10240xf32, #tpu.memory_space<vmem>>) dst(%dma_wait3A_376 : memref<10240xf32, #tpu.memory_space<vmem_shared>>)
      tpu.yield
    }) : () -> ()
    %barrier3A = arith.constant 0 : index
    tpu.barrier barrier_id(%barrier3A)
    "tpu.region"() ({
      %run_scoped3A = tpu.sem_alloc : memref<!tpu.dma_semaphore, #tpu.memory_space<semaphore_mem>>
      %dma_start3A = arith.constant 0 : i32
      %dma_start3A_367 = tpu.memref_slice %arg29[%dma_start3A, %mul3A_0] : memref<16x10240xf32, #tpu.memory_space<vmem_shared>> -> memref<16x640xf32, #tpu.memory_space<vmem_shared>>
      %dma_start3A_368 = arith.constant 0 : i32
      %dma_start3A_369 = tpu.memref_slice %arg29[%dma_start3A_368, %mul3A_0] : memref<16x10240xf32, #tpu.memory_space<vmem_shared>> -> memref<16x640xf32, #tpu.memory_space<vmem_shared>>
      tpu.enqueue_dma source(%dma_start3A_369 : memref<16x640xf32, #tpu.memory_space<vmem_shared>>) target(%arg18 : memref<16x640xf32, #tpu.memory_space<vmem>>) target_semaphore(%run_scoped3A : memref<!tpu.dma_semaphore, #tpu.memory_space<semaphore_mem>>)
      %dma_wait3A = arith.constant 0 : i32
      %dma_wait3A_370 = tpu.memref_slice %arg29[%dma_wait3A, %mul3A_0] : memref<16x10240xf32, #tpu.memory_space<vmem_shared>> -> memref<16x640xf32, #tpu.memory_space<vmem_shared>>
      %dma_wait3A_371 = arith.constant 0 : i32
      %dma_wait3A_372 = tpu.memref_slice %arg29[%dma_wait3A_371, %mul3A_0] : memref<16x10240xf32, #tpu.memory_space<vmem_shared>> -> memref<16x640xf32, #tpu.memory_space<vmem_shared>>
      tpu.wait_dma2 semaphore(%run_scoped3A : memref<!tpu.dma_semaphore, #tpu.memory_space<semaphore_mem>>) src(%dma_wait3A_372 : memref<16x640xf32, #tpu.memory_space<vmem_shared>>) dst(%arg18 : memref<16x640xf32, #tpu.memory_space<vmem>>)
      tpu.yield
    }) : () -> ()
    %parallel_loop3A_58 = arith.constant 0 : i32
    %parallel_loop3A_59 = arith.constant 40 : i32
    %parallel_loop3A_60 = arith.constant 1 : i32
    scf.for %parallel_loop3A_367 = %parallel_loop3A_58 to %parallel_loop3A_59 step %parallel_loop3A_60  : i32 {
      %parallel_loop3A_368 = arith.constant 16 : i32
      %parallel_loop3A_369 = arith.muli %parallel_loop3A_367, %parallel_loop3A_368 : i32
      %parallel_loop3A_370 = arith.constant 0 : i32
      %parallel_loop3A_371 = arith.index_cast %parallel_loop3A_370 : i32 to index
      %parallel_loop3A_372 = arith.index_cast %parallel_loop3A_369 : i32 to index
      %parallel_loop3A_373 = tpu.vector_load %arg18[%parallel_loop3A_371, %parallel_loop3A_372] {strides = array<i32>} : memref<16x640xf32, #tpu.memory_space<vmem>>, vector<16xf32>,
      %parallel_loop3A_374 = arith.constant 16 : i32
      %parallel_loop3A_375 = arith.muli %parallel_loop3A_367, %parallel_loop3A_374 : i32
      %parallel_loop3A_376 = arith.constant 1 : i32
      %parallel_loop3A_377 = arith.index_cast %parallel_loop3A_376 : i32 to index
      %parallel_loop3A_378 = arith.index_cast %parallel_loop3A_375 : i32 to index
      %parallel_loop3A_379 = tpu.vector_load %arg18[%parallel_loop3A_377, %parallel_loop3A_378] {strides = array<i32>} : memref<16x640xf32, #tpu.memory_space<vmem>>, vector<16xf32>,
      %parallel_loop3A_380 = arith.addf %parallel_loop3A_373, %parallel_loop3A_379 : vector<16xf32>
      %parallel_loop3A_381 = arith.constant 16 : i32
      %parallel_loop3A_382 = arith.muli %parallel_loop3A_367, %parallel_loop3A_381 : i32
      %parallel_loop3A_383 = arith.constant 2 : i32
      %parallel_loop3A_384 = arith.index_cast %parallel_loop3A_383 : i32 to index
      %parallel_loop3A_385 = arith.index_cast %parallel_loop3A_382 : i32 to index
      %parallel_loop3A_386 = tpu.vector_load %arg18[%parallel_loop3A_384, %parallel_loop3A_385] {strides = array<i32>} : memref<16x640xf32, #tpu.memory_space<vmem>>, vector<16xf32>,
      %parallel_loop3A_387 = arith.addf %parallel_loop3A_380, %parallel_loop3A_386 : vector<16xf32>
      %parallel_loop3A_388 = arith.constant 16 : i32
      %parallel_loop3A_389 = arith.muli %parallel_loop3A_367, %parallel_loop3A_388 : i32
      %parallel_loop3A_390 = arith.constant 3 : i32
      %parallel_loop3A_391 = arith.index_cast %parallel_loop3A_390 : i32 to index
      %parallel_loop3A_392 = arith.index_cast %parallel_loop3A_389 : i32 to index
      %parallel_loop3A_393 = tpu.vector_load %arg18[%parallel_loop3A_391, %parallel_loop3A_392] {strides = array<i32>} : memref<16x640xf32, #tpu.memory_space<vmem>>, vector<16xf32>,
      %parallel_loop3A_394 = arith.addf %parallel_loop3A_387, %parallel_loop3A_393 : vector<16xf32>
      %parallel_loop3A_395 = arith.constant 16 : i32
      %parallel_loop3A_396 = arith.muli %parallel_loop3A_367, %parallel_loop3A_395 : i32
      %parallel_loop3A_397 = arith.constant 4 : i32
      %parallel_loop3A_398 = arith.index_cast %parallel_loop3A_397 : i32 to index
      %parallel_loop3A_399 = arith.index_cast %parallel_loop3A_396 : i32 to index
      %parallel_loop3A_400 = tpu.vector_load %arg18[%parallel_loop3A_398, %parallel_loop3A_399] {strides = array<i32>} : memref<16x640xf32, #tpu.memory_space<vmem>>, vector<16xf32>,
      %parallel_loop3A_401 = arith.addf %parallel_loop3A_394, %parallel_loop3A_400 : vector<16xf32>
      %parallel_loop3A_402 = arith.constant 16 : i32
      %parallel_loop3A_403 = arith.muli %parallel_loop3A_367, %parallel_loop3A_402 : i32
      %parallel_loop3A_404 = arith.constant 5 : i32
      %parallel_loop3A_405 = arith.index_cast %parallel_loop3A_404 : i32 to index
      %parallel_loop3A_406 = arith.index_cast %parallel_loop3A_403 : i32 to index
      %parallel_loop3A_407 = tpu.vector_load %arg18[%parallel_loop3A_405, %parallel_loop3A_406] {strides = array<i32>} : memref<16x640xf32, #tpu.memory_space<vmem>>, vector<16xf32>,
      %parallel_loop3A_408 = arith.addf %parallel_loop3A_401, %parallel_loop3A_407 : vector<16xf32>
      %parallel_loop3A_409 = arith.constant 16 : i32
      %parallel_loop3A_410 = arith.muli %parallel_loop3A_367, %parallel_loop3A_409 : i32
      %parallel_loop3A_411 = arith.constant 6 : i32
      %parallel_loop3A_412 = arith.index_cast %parallel_loop3A_411 : i32 to index
      %parallel_loop3A_413 = arith.index_cast %parallel_loop3A_410 : i32 to index
      %parallel_loop3A_414 = tpu.vector_load %arg18[%parallel_loop3A_412, %parallel_loop3A_413] {strides = array<i32>} : memref<16x640xf32, #tpu.memory_space<vmem>>, vector<16xf32>,
      %parallel_loop3A_415 = arith.addf %parallel_loop3A_408, %parallel_loop3A_414 : vector<16xf32>
      %parallel_loop3A_416 = arith.constant 16 : i32
      %parallel_loop3A_417 = arith.muli %parallel_loop3A_367, %parallel_loop3A_416 : i32
      %parallel_loop3A_418 = arith.constant 7 : i32
      %parallel_loop3A_419 = arith.index_cast %parallel_loop3A_418 : i32 to index
      %parallel_loop3A_420 = arith.index_cast %parallel_loop3A_417 : i32 to index
      %parallel_loop3A_421 = tpu.vector_load %arg18[%parallel_loop3A_419, %parallel_loop3A_420] {strides = array<i32>} : memref<16x640xf32, #tpu.memory_space<vmem>>, vector<16xf32>,
      %parallel_loop3A_422 = arith.addf %parallel_loop3A_415, %parallel_loop3A_421 : vector<16xf32>
      %parallel_loop3A_423 = arith.constant 16 : i32
      %parallel_loop3A_424 = arith.muli %parallel_loop3A_367, %parallel_loop3A_423 : i32
      %parallel_loop3A_425 = arith.constant 8 : i32
      %parallel_loop3A_426 = arith.index_cast %parallel_loop3A_425 : i32 to index
      %parallel_loop3A_427 = arith.index_cast %parallel_loop3A_424 : i32 to index
      %parallel_loop3A_428 = tpu.vector_load %arg18[%parallel_loop3A_426, %parallel_loop3A_427] {strides = array<i32>} : memref<16x640xf32, #tpu.memory_space<vmem>>, vector<16xf32>,
      %parallel_loop3A_429 = arith.addf %parallel_loop3A_422, %parallel_loop3A_428 : vector<16xf32>
      %parallel_loop3A_430 = arith.constant 16 : i32
      %parallel_loop3A_431 = arith.muli %parallel_loop3A_367, %parallel_loop3A_430 : i32
      %parallel_loop3A_432 = arith.constant 9 : i32
      %parallel_loop3A_433 = arith.index_cast %parallel_loop3A_432 : i32 to index
      %parallel_loop3A_434 = arith.index_cast %parallel_loop3A_431 : i32 to index
      %parallel_loop3A_435 = tpu.vector_load %arg18[%parallel_loop3A_433, %parallel_loop3A_434] {strides = array<i32>} : memref<16x640xf32, #tpu.memory_space<vmem>>, vector<16xf32>,
      %parallel_loop3A_436 = arith.addf %parallel_loop3A_429, %parallel_loop3A_435 : vector<16xf32>
      %parallel_loop3A_437 = arith.constant 16 : i32
      %parallel_loop3A_438 = arith.muli %parallel_loop3A_367, %parallel_loop3A_437 : i32
      %parallel_loop3A_439 = arith.constant 10 : i32
      %parallel_loop3A_440 = arith.index_cast %parallel_loop3A_439 : i32 to index
      %parallel_loop3A_441 = arith.index_cast %parallel_loop3A_438 : i32 to index
      %parallel_loop3A_442 = tpu.vector_load %arg18[%parallel_loop3A_440, %parallel_loop3A_441] {strides = array<i32>} : memref<16x640xf32, #tpu.memory_space<vmem>>, vector<16xf32>,
      %parallel_loop3A_443 = arith.addf %parallel_loop3A_436, %parallel_loop3A_442 : vector<16xf32>
      %parallel_loop3A_444 = arith.constant 16 : i32
      %parallel_loop3A_445 = arith.muli %parallel_loop3A_367, %parallel_loop3A_444 : i32
      %parallel_loop3A_446 = arith.constant 11 : i32
      %parallel_loop3A_447 = arith.index_cast %parallel_loop3A_446 : i32 to index
      %parallel_loop3A_448 = arith.index_cast %parallel_loop3A_445 : i32 to index
      %parallel_loop3A_449 = tpu.vector_load %arg18[%parallel_loop3A_447, %parallel_loop3A_448] {strides = array<i32>} : memref<16x640xf32, #tpu.memory_space<vmem>>, vector<16xf32>,
      %parallel_loop3A_450 = arith.addf %parallel_loop3A_443, %parallel_loop3A_449 : vector<16xf32>
      %parallel_loop3A_451 = arith.constant 16 : i32
      %parallel_loop3A_452 = arith.muli %parallel_loop3A_367, %parallel_loop3A_451 : i32
      %parallel_loop3A_453 = arith.constant 12 : i32
      %parallel_loop3A_454 = arith.index_cast %parallel_loop3A_453 : i32 to index
      %parallel_loop3A_455 = arith.index_cast %parallel_loop3A_452 : i32 to index
      %parallel_loop3A_456 = tpu.vector_load %arg18[%parallel_loop3A_454, %parallel_loop3A_455] {strides = array<i32>} : memref<16x640xf32, #tpu.memory_space<vmem>>, vector<16xf32>,
      %parallel_loop3A_457 = arith.addf %parallel_loop3A_450, %parallel_loop3A_456 : vector<16xf32>
      %parallel_loop3A_458 = arith.constant 16 : i32
      %parallel_loop3A_459 = arith.muli %parallel_loop3A_367, %parallel_loop3A_458 : i32
      %parallel_loop3A_460 = arith.constant 13 : i32
      %parallel_loop3A_461 = arith.index_cast %parallel_loop3A_460 : i32 to index
      %parallel_loop3A_462 = arith.index_cast %parallel_loop3A_459 : i32 to index
      %parallel_loop3A_463 = tpu.vector_load %arg18[%parallel_loop3A_461, %parallel_loop3A_462] {strides = array<i32>} : memref<16x640xf32, #tpu.memory_space<vmem>>, vector<16xf32>,
      %parallel_loop3A_464 = arith.addf %parallel_loop3A_457, %parallel_loop3A_463 : vector<16xf32>
      %parallel_loop3A_465 = arith.constant 16 : i32
      %parallel_loop3A_466 = arith.muli %parallel_loop3A_367, %parallel_loop3A_465 : i32
      %parallel_loop3A_467 = arith.constant 14 : i32
      %parallel_loop3A_468 = arith.index_cast %parallel_loop3A_467 : i32 to index
      %parallel_loop3A_469 = arith.index_cast %parallel_loop3A_466 : i32 to index
      %parallel_loop3A_470 = tpu.vector_load %arg18[%parallel_loop3A_468, %parallel_loop3A_469] {strides = array<i32>} : memref<16x640xf32, #tpu.memory_space<vmem>>, vector<16xf32>,
      %parallel_loop3A_471 = arith.addf %parallel_loop3A_464, %parallel_loop3A_470 : vector<16xf32>
      %parallel_loop3A_472 = arith.constant 16 : i32
      %parallel_loop3A_473 = arith.muli %parallel_loop3A_367, %parallel_loop3A_472 : i32
      %parallel_loop3A_474 = arith.constant 15 : i32
      %parallel_loop3A_475 = arith.index_cast %parallel_loop3A_474 : i32 to index
      %parallel_loop3A_476 = arith.index_cast %parallel_loop3A_473 : i32 to index
      %parallel_loop3A_477 = tpu.vector_load %arg18[%parallel_loop3A_475, %parallel_loop3A_476] {strides = array<i32>} : memref<16x640xf32, #tpu.memory_space<vmem>>, vector<16xf32>,
      %parallel_loop3A_478 = arith.addf %parallel_loop3A_471, %parallel_loop3A_477 : vector<16xf32>
      %parallel_loop3A_479 = arith.constant 16 : i32
      %parallel_loop3A_480 = arith.muli %parallel_loop3A_367, %parallel_loop3A_479 : i32
      %parallel_loop3A_481 = arith.index_cast %parallel_loop3A_480 : i32 to index
      %parallel_loop3A_482 = tpu.vector_load %arg23[%parallel_loop3A_481] {strides = array<i32>} : memref<640xf32, #tpu.memory_space<vmem>>, vector<16xf32>,
      %parallel_loop3A_483 = arith.subf %parallel_loop3A_478, %parallel_loop3A_482 : vector<16xf32>
      %parallel_loop3A_484 = arith.constant 16 : i32
      %parallel_loop3A_485 = arith.muli %parallel_loop3A_367, %parallel_loop3A_484 : i32
      %parallel_loop3A_486 = arith.index_cast %parallel_loop3A_485 : i32 to index
      %parallel_loop3A_487 = tpu.vector_load %arg19[%parallel_loop3A_486] {strides = array<i32>} : memref<640xf32, #tpu.memory_space<vmem>>, vector<16xf32>,
      tpu.vector_store %arg19[%parallel_loop3A_486], %parallel_loop3A_483 {strides = array<i32>} : memref<640xf32, #tpu.memory_space<vmem>>, vector<16xf32>,
    } {sc.loop_unroll_factor = 4 : i64, sc.parallel_access}
    %barrier3A_61 = arith.constant 0 : index
    tpu.barrier barrier_id(%barrier3A_61)
    "tpu.region"() ({
      %run_scoped3A = tpu.sem_alloc : memref<!tpu.dma_semaphore, #tpu.memory_space<semaphore_mem>>
      %dma_start3A = arith.constant 0 : i32
      %dma_start3A_367 = arith.constant 0 : i32
      %dma_start3A_368 = tpu.memref_slice %arg6[%arg1, %dma_start3A, %dma_start3A_367] : memref<16x1250x16xi32, #tpu.memory_space<hbm>> -> memref<1x1250x16xi32, #tpu.memory_space<hbm>>
      %dma_start3A_369 = tpu.memref_squeeze %dma_start3A_368 : memref<1x1250x16xi32, #tpu.memory_space<hbm>> -> memref<1250x16xi32, #tpu.memory_space<hbm>>
      %dma_start3A_370 = arith.constant 0 : i32
      %dma_start3A_371 = arith.constant 0 : i32
      %dma_start3A_372 = tpu.memref_slice %arg6[%arg1, %dma_start3A_370, %dma_start3A_371] : memref<16x1250x16xi32, #tpu.memory_space<hbm>> -> memref<1x1250x16xi32, #tpu.memory_space<hbm>>
      %dma_start3A_373 = tpu.memref_squeeze %dma_start3A_372 : memref<1x1250x16xi32, #tpu.memory_space<hbm>> -> memref<1250x16xi32, #tpu.memory_space<hbm>>
      tpu.enqueue_dma source(%dma_start3A_373 : memref<1250x16xi32, #tpu.memory_space<hbm>>) target(%arg12 : memref<1250x16xi32, #tpu.memory_space<vmem>>) target_semaphore(%run_scoped3A : memref<!tpu.dma_semaphore, #tpu.memory_space<semaphore_mem>>)
      %dma_wait3A = arith.constant 0 : i32
      %dma_wait3A_374 = arith.constant 0 : i32
      %dma_wait3A_375 = tpu.memref_slice %arg6[%arg1, %dma_wait3A, %dma_wait3A_374] : memref<16x1250x16xi32, #tpu.memory_space<hbm>> -> memref<1x1250x16xi32, #tpu.memory_space<hbm>>
      %dma_wait3A_376 = tpu.memref_squeeze %dma_wait3A_375 : memref<1x1250x16xi32, #tpu.memory_space<hbm>> -> memref<1250x16xi32, #tpu.memory_space<hbm>>
      %dma_wait3A_377 = arith.constant 0 : i32
      %dma_wait3A_378 = arith.constant 0 : i32
      %dma_wait3A_379 = tpu.memref_slice %arg6[%arg1, %dma_wait3A_377, %dma_wait3A_378] : memref<16x1250x16xi32, #tpu.memory_space<hbm>> -> memref<1x1250x16xi32, #tpu.memory_space<hbm>>
      %dma_wait3A_380 = tpu.memref_squeeze %dma_wait3A_379 : memref<1x1250x16xi32, #tpu.memory_space<hbm>> -> memref<1250x16xi32, #tpu.memory_space<hbm>>
      tpu.wait_dma2 semaphore(%run_scoped3A : memref<!tpu.dma_semaphore, #tpu.memory_space<semaphore_mem>>) src(%dma_wait3A_380 : memref<1250x16xi32, #tpu.memory_space<hbm>>) dst(%arg12 : memref<1250x16xi32, #tpu.memory_space<vmem>>)
      tpu.yield
    }) : () -> ()
    "tpu.region"() ({
      %run_scoped3A = tpu.sem_alloc : memref<!tpu.dma_semaphore, #tpu.memory_space<semaphore_mem>>
      %dma_start3A = arith.constant 0 : i32
      %dma_start3A_367 = arith.constant 0 : i32
      %dma_start3A_368 = tpu.memref_slice %arg7[%arg1, %dma_start3A, %dma_start3A_367] : memref<16x1250x16xi32, #tpu.memory_space<hbm>> -> memref<1x1250x16xi32, #tpu.memory_space<hbm>>
      %dma_start3A_369 = tpu.memref_squeeze %dma_start3A_368 : memref<1x1250x16xi32, #tpu.memory_space<hbm>> -> memref<1250x16xi32, #tpu.memory_space<hbm>>
      %dma_start3A_370 = arith.constant 0 : i32
      %dma_start3A_371 = arith.constant 0 : i32
      %dma_start3A_372 = tpu.memref_slice %arg7[%arg1, %dma_start3A_370, %dma_start3A_371] : memref<16x1250x16xi32, #tpu.memory_space<hbm>> -> memref<1x1250x16xi32, #tpu.memory_space<hbm>>
      %dma_start3A_373 = tpu.memref_squeeze %dma_start3A_372 : memref<1x1250x16xi32, #tpu.memory_space<hbm>> -> memref<1250x16xi32, #tpu.memory_space<hbm>>
      tpu.enqueue_dma source(%dma_start3A_373 : memref<1250x16xi32, #tpu.memory_space<hbm>>) target(%arg13 : memref<1250x16xi32, #tpu.memory_space<vmem>>) target_semaphore(%run_scoped3A : memref<!tpu.dma_semaphore, #tpu.memory_space<semaphore_mem>>)
      %dma_wait3A = arith.constant 0 : i32
      %dma_wait3A_374 = arith.constant 0 : i32
      %dma_wait3A_375 = tpu.memref_slice %arg7[%arg1, %dma_wait3A, %dma_wait3A_374] : memref<16x1250x16xi32, #tpu.memory_space<hbm>> -> memref<1x1250x16xi32, #tpu.memory_space<hbm>>
      %dma_wait3A_376 = tpu.memref_squeeze %dma_wait3A_375 : memref<1x1250x16xi32, #tpu.memory_space<hbm>> -> memref<1250x16xi32, #tpu.memory_space<hbm>>
      %dma_wait3A_377 = arith.constant 0 : i32
      %dma_wait3A_378 = arith.constant 0 : i32
      %dma_wait3A_379 = tpu.memref_slice %arg7[%arg1, %dma_wait3A_377, %dma_wait3A_378] : memref<16x1250x16xi32, #tpu.memory_space<hbm>> -> memref<1x1250x16xi32, #tpu.memory_space<hbm>>
      %dma_wait3A_380 = tpu.memref_squeeze %dma_wait3A_379 : memref<1x1250x16xi32, #tpu.memory_space<hbm>> -> memref<1250x16xi32, #tpu.memory_space<hbm>>
      tpu.wait_dma2 semaphore(%run_scoped3A : memref<!tpu.dma_semaphore, #tpu.memory_space<semaphore_mem>>) src(%dma_wait3A_380 : memref<1250x16xi32, #tpu.memory_space<hbm>>) dst(%arg13 : memref<1250x16xi32, #tpu.memory_space<vmem>>)
      tpu.yield
    }) : () -> ()
    %parallel_loop3A_62 = arith.constant 0 : i32
    %parallel_loop3A_63 = arith.constant 640 : i32
    %parallel_loop3A_64 = arith.constant 1 : i32
    scf.for %parallel_loop3A_367 = %parallel_loop3A_62 to %parallel_loop3A_63 step %parallel_loop3A_64  : i32 {
      %parallel_loop3A_368 = arith.constant 16 : i32
      %parallel_loop3A_369 = arith.muli %parallel_loop3A_367, %parallel_loop3A_368 : i32
      %parallel_loop3A_370 = arith.index_cast %parallel_loop3A_369 : i32 to index
      %parallel_loop3A_371 = tpu.vector_load %arg17[%parallel_loop3A_370] {strides = array<i32>} : memref<10240xf32, #tpu.memory_space<vmem>>, vector<16xf32>,
      tpu.vector_store %arg17[%parallel_loop3A_370], %broadcast_in_dim3A_1 {strides = array<i32>} : memref<10240xf32, #tpu.memory_space<vmem>>, vector<16xf32>,
    } {sc.loop_unroll_factor = 8 : i64, sc.parallel_access}
    %parallel_loop3A_65 = arith.constant 0 : i32
    %parallel_loop3A_66 = arith.constant 1250 : i32
    %parallel_loop3A_67 = arith.constant 1 : i32
    scf.for %parallel_loop3A_367 = %parallel_loop3A_65 to %parallel_loop3A_66 step %parallel_loop3A_67  : i32 {
      %parallel_loop3A_368 = arith.index_cast %parallel_loop3A_367 : i32 to index
      %parallel_loop3A_369 = arith.constant 0 : index
      %parallel_loop3A_370 = tpu.vector_load %arg12[%parallel_loop3A_368, %parallel_loop3A_369] {strides = array<i32>} : memref<1250x16xi32, #tpu.memory_space<vmem>>, vector<16xi32>,
      %parallel_loop3A_371 = arith.index_cast %parallel_loop3A_367 : i32 to index
      %parallel_loop3A_372 = arith.constant 0 : index
      %parallel_loop3A_373 = tpu.vector_load %arg13[%parallel_loop3A_371, %parallel_loop3A_372] {strides = array<i32>} : memref<1250x16xi32, #tpu.memory_space<vmem>>, vector<16xi32>,
      %parallel_loop3A_374 = tpu.vector_load_idx %arg15[%parallel_loop3A_370] : memref<10240xf32, #tpu.memory_space<vmem>>[vector<16xi32>], vector<16xf32>,
      %parallel_loop3A_375 = tpu.vector_load_idx %arg15[%parallel_loop3A_373] : memref<10240xf32, #tpu.memory_space<vmem>>[vector<16xi32>], vector<16xf32>,
      %parallel_loop3A_376 = arith.subf %parallel_loop3A_375, %parallel_loop3A_374 : vector<16xf32>
      %parallel_loop3A_377 = math.absf %parallel_loop3A_376 : vector<16xf32>
      %parallel_loop3A_378 = arith.index_cast %parallel_loop3A_367 : i32 to index
      %parallel_loop3A_379 = arith.constant 0 : index
      %parallel_loop3A_380 = tpu.vector_load %arg14[%parallel_loop3A_378, %parallel_loop3A_379] {strides = array<i32>} : memref<1250x16xf32, #tpu.memory_space<vmem>>, vector<16xf32>,
      tpu.vector_store %arg14[%parallel_loop3A_378, %parallel_loop3A_379], %parallel_loop3A_377 {strides = array<i32>} : memref<1250x16xf32, #tpu.memory_space<vmem>>, vector<16xf32>,
    } {sc.loop_unroll_factor = 4 : i64, sc.parallel_access}
    %scan3A_68 = arith.constant 0 : i32
    %scan3A_69 = arith.constant 0 : i32
    %scan3A_70 = arith.constant 625 : i32
    %scan3A_71 = arith.addi %scan3A_69, %scan3A_70 : i32
    %scan3A_72 = arith.constant 1 : i32
    %scan3A_73 = scf.for %scan3A_367 = %scan3A_69 to %scan3A_71 step %scan3A_72 iter_args(%scan3A_368 = %scan3A_68) -> (i32)  : i32 {
      %mul3A_369 = arith.constant 2 : i32
      %mul3A_370 = arith.muli %scan3A_367, %mul3A_369 : i32
      %add3A_371 = arith.constant 0 : i32
      %add3A_372 = arith.addi %mul3A_370, %add3A_371 : i32
      %get3A_373 = arith.index_cast %add3A_372 : i32 to index
      %get3A_374 = arith.constant 0 : index
      %get3A_375 = tpu.vector_load %arg13[%get3A_373, %get3A_374] {strides = array<i32>} : memref<1250x16xi32, #tpu.memory_space<vmem>>, vector<16xi32>,
      %mul3A_376 = arith.constant 2 : i32
      %mul3A_377 = arith.muli %scan3A_367, %mul3A_376 : i32
      %add3A_378 = arith.constant 0 : i32
      %add3A_379 = arith.addi %mul3A_377, %add3A_378 : i32
      %get3A_380 = arith.index_cast %add3A_379 : i32 to index
      %get3A_381 = arith.constant 0 : index
      %get3A_382 = tpu.vector_load %arg14[%get3A_380, %get3A_381] {strides = array<i32>} : memref<1250x16xf32, #tpu.memory_space<vmem>>, vector<16xf32>,
      %gather3A = tpu.vector_load_idx %arg17[%get3A_375] : memref<10240xf32, #tpu.memory_space<vmem>>[vector<16xi32>], vector<16xf32>,
      %max3A_383 = arith.maximumf %gather3A, %get3A_382 : vector<16xf32>
      tpu.vector_store_idx %arg17[%get3A_375], %max3A_383 : memref<10240xf32, #tpu.memory_space<vmem>>[vector<16xi32>], vector<16xf32>,
      %gather3A_384 = tpu.vector_load_idx %arg17[%get3A_375] : memref<10240xf32, #tpu.memory_space<vmem>>[vector<16xi32>], vector<16xf32>,
      %lt3A = arith.cmpf olt, %gather3A_384, %max3A_383 : vector<16xf32>
      %while3A = scf.while (%while3A_405 = %lt3A) : (vector<16xi1>) -> vector<16xi1> {
        %all_reduce_population_count3A = tpu.all_reduce %while3A_405 {dim = 0 : i64, kind = #tpu.reduction_kind<sum>} : vector<16xi1> -> vector<16xi32>
        %slice3A_406 = vector.extract_strided_slice %all_reduce_population_count3A {offsets = [0], sizes = [1], strides = [1]} : vector<16xi32> to vector<1xi32>
        %squeeze3A_407 = vector.extract %slice3A_406[0] : i32 from vector<1xi32>
        %gt3A = arith.constant 0 : i32
        %gt3A_408 = arith.cmpi sgt, %squeeze3A_407, %gt3A : i32
        scf.condition(%gt3A_408) %while3A_405 : vector<16xi1>
      } do {
      ^bb0(%while3A_405: vector<16xi1>):
        tpu.vector_store_idx %arg17[%get3A_375], %max3A_383 masked %while3A_405 : memref<10240xf32, #tpu.memory_space<vmem>>[vector<16xi32>], vector<16xf32>, vector<16xi1>
        %gather3A_406 = tpu.vector_load_idx %arg17[%get3A_375] : memref<10240xf32, #tpu.memory_space<vmem>>[vector<16xi32>], vector<16xf32>,
        %lt3A_407 = arith.cmpf olt, %gather3A_406, %max3A_383 : vector<16xf32>
        scf.yield %lt3A_407 : vector<16xi1>
      }
      %mul3A_385 = arith.constant 2 : i32
      %mul3A_386 = arith.muli %scan3A_367, %mul3A_385 : i32
      %add3A_387 = arith.constant 1 : i32
      %add3A_388 = arith.addi %mul3A_386, %add3A_387 : i32
      %get3A_389 = arith.index_cast %add3A_388 : i32 to index
      %get3A_390 = arith.constant 0 : index
      %get3A_391 = tpu.vector_load %arg13[%get3A_389, %get3A_390] {strides = array<i32>} : memref<1250x16xi32, #tpu.memory_space<vmem>>, vector<16xi32>,
      %mul3A_392 = arith.constant 2 : i32
      %mul3A_393 = arith.muli %scan3A_367, %mul3A_392 : i32
      %add3A_394 = arith.constant 1 : i32
      %add3A_395 = arith.addi %mul3A_393, %add3A_394 : i32
      %get3A_396 = arith.index_cast %add3A_395 : i32 to index
      %get3A_397 = arith.constant 0 : index
      %get3A_398 = tpu.vector_load %arg14[%get3A_396, %get3A_397] {strides = array<i32>} : memref<1250x16xf32, #tpu.memory_space<vmem>>, vector<16xf32>,
      %gather3A_399 = tpu.vector_load_idx %arg17[%get3A_391] : memref<10240xf32, #tpu.memory_space<vmem>>[vector<16xi32>], vector<16xf32>,
      %max3A_400 = arith.maximumf %gather3A_399, %get3A_398 : vector<16xf32>
      tpu.vector_store_idx %arg17[%get3A_391], %max3A_400 : memref<10240xf32, #tpu.memory_space<vmem>>[vector<16xi32>], vector<16xf32>,
      %gather3A_401 = tpu.vector_load_idx %arg17[%get3A_391] : memref<10240xf32, #tpu.memory_space<vmem>>[vector<16xi32>], vector<16xf32>,
      %lt3A_402 = arith.cmpf olt, %gather3A_401, %max3A_400 : vector<16xf32>
      %while3A_403 = scf.while (%while3A_405 = %lt3A_402) : (vector<16xi1>) -> vector<16xi1> {
        %all_reduce_population_count3A = tpu.all_reduce %while3A_405 {dim = 0 : i64, kind = #tpu.reduction_kind<sum>} : vector<16xi1> -> vector<16xi32>
        %slice3A_406 = vector.extract_strided_slice %all_reduce_population_count3A {offsets = [0], sizes = [1], strides = [1]} : vector<16xi32> to vector<1xi32>
        %squeeze3A_407 = vector.extract %slice3A_406[0] : i32 from vector<1xi32>
        %gt3A = arith.constant 0 : i32
        %gt3A_408 = arith.cmpi sgt, %squeeze3A_407, %gt3A : i32
        scf.condition(%gt3A_408) %while3A_405 : vector<16xi1>
      } do {
      ^bb0(%while3A_405: vector<16xi1>):
        tpu.vector_store_idx %arg17[%get3A_391], %max3A_400 masked %while3A_405 : memref<10240xf32, #tpu.memory_space<vmem>>[vector<16xi32>], vector<16xf32>, vector<16xi1>
        %gather3A_406 = tpu.vector_load_idx %arg17[%get3A_391] : memref<10240xf32, #tpu.memory_space<vmem>>[vector<16xi32>], vector<16xf32>,
        %lt3A_407 = arith.cmpf olt, %gather3A_406, %max3A_400 : vector<16xf32>
        scf.yield %lt3A_407 : vector<16xi1>
      }
      %scan3A_404 = arith.constant 0 : i32
      scf.yield %scan3A_404 : i32
    }
    %scan3A_74 = arith.constant 625 : i32
    "tpu.region"() ({
      %run_scoped3A = tpu.sem_alloc : memref<!tpu.dma_semaphore, #tpu.memory_space<semaphore_mem>>
      %dma_start3A = arith.constant 0 : i32
      %dma_start3A_367 = tpu.memref_slice %arg29[%arg1, %dma_start3A] : memref<16x10240xf32, #tpu.memory_space<vmem_shared>> -> memref<1x10240xf32, #tpu.memory_space<vmem_shared>>
      %dma_start3A_368 = tpu.memref_squeeze %dma_start3A_367 : memref<1x10240xf32, #tpu.memory_space<vmem_shared>> -> memref<10240xf32, #tpu.memory_space<vmem_shared>>
      %dma_start3A_369 = arith.constant 0 : i32
      %dma_start3A_370 = tpu.memref_slice %arg29[%arg1, %dma_start3A_369] : memref<16x10240xf32, #tpu.memory_space<vmem_shared>> -> memref<1x10240xf32, #tpu.memory_space<vmem_shared>>
      %dma_start3A_371 = tpu.memref_squeeze %dma_start3A_370 : memref<1x10240xf32, #tpu.memory_space<vmem_shared>> -> memref<10240xf32, #tpu.memory_space<vmem_shared>>
      tpu.enqueue_dma source(%arg17 : memref<10240xf32, #tpu.memory_space<vmem>>) target(%dma_start3A_371 : memref<10240xf32, #tpu.memory_space<vmem_shared>>) target_semaphore(%run_scoped3A : memref<!tpu.dma_semaphore, #tpu.memory_space<semaphore_mem>>)
      %dma_wait3A = arith.constant 0 : i32
      %dma_wait3A_372 = tpu.memref_slice %arg29[%arg1, %dma_wait3A] : memref<16x10240xf32, #tpu.memory_space<vmem_shared>> -> memref<1x10240xf32, #tpu.memory_space<vmem_shared>>
      %dma_wait3A_373 = tpu.memref_squeeze %dma_wait3A_372 : memref<1x10240xf32, #tpu.memory_space<vmem_shared>> -> memref<10240xf32, #tpu.memory_space<vmem_shared>>
      %dma_wait3A_374 = arith.constant 0 : i32
      %dma_wait3A_375 = tpu.memref_slice %arg29[%arg1, %dma_wait3A_374] : memref<16x10240xf32, #tpu.memory_space<vmem_shared>> -> memref<1x10240xf32, #tpu.memory_space<vmem_shared>>
      %dma_wait3A_376 = tpu.memref_squeeze %dma_wait3A_375 : memref<1x10240xf32, #tpu.memory_space<vmem_shared>> -> memref<10240xf32, #tpu.memory_space<vmem_shared>>
      tpu.wait_dma2 semaphore(%run_scoped3A : memref<!tpu.dma_semaphore, #tpu.memory_space<semaphore_mem>>) src(%arg17 : memref<10240xf32, #tpu.memory_space<vmem>>) dst(%dma_wait3A_376 : memref<10240xf32, #tpu.memory_space<vmem_shared>>)
      tpu.yield
    }) : () -> ()
    %barrier3A_75 = arith.constant 0 : index
    tpu.barrier barrier_id(%barrier3A_75)
    "tpu.region"() ({
      %run_scoped3A = tpu.sem_alloc : memref<!tpu.dma_semaphore, #tpu.memory_space<semaphore_mem>>
      %dma_start3A = arith.constant 0 : i32
      %dma_start3A_367 = tpu.memref_slice %arg29[%dma_start3A, %mul3A_0] : memref<16x10240xf32, #tpu.memory_space<vmem_shared>> -> memref<16x640xf32, #tpu.memory_space<vmem_shared>>
      %dma_start3A_368 = arith.constant 0 : i32
      %dma_start3A_369 = tpu.memref_slice %arg29[%dma_start3A_368, %mul3A_0] : memref<16x10240xf32, #tpu.memory_space<vmem_shared>> -> memref<16x640xf32, #tpu.memory_space<vmem_shared>>
      tpu.enqueue_dma source(%dma_start3A_369 : memref<16x640xf32, #tpu.memory_space<vmem_shared>>) target(%arg18 : memref<16x640xf32, #tpu.memory_space<vmem>>) target_semaphore(%run_scoped3A : memref<!tpu.dma_semaphore, #tpu.memory_space<semaphore_mem>>)
      %dma_wait3A = arith.constant 0 : i32
      %dma_wait3A_370 = tpu.memref_slice %arg29[%dma_wait3A, %mul3A_0] : memref<16x10240xf32, #tpu.memory_space<vmem_shared>> -> memref<16x640xf32, #tpu.memory_space<vmem_shared>>
      %dma_wait3A_371 = arith.constant 0 : i32
      %dma_wait3A_372 = tpu.memref_slice %arg29[%dma_wait3A_371, %mul3A_0] : memref<16x10240xf32, #tpu.memory_space<vmem_shared>> -> memref<16x640xf32, #tpu.memory_space<vmem_shared>>
      tpu.wait_dma2 semaphore(%run_scoped3A : memref<!tpu.dma_semaphore, #tpu.memory_space<semaphore_mem>>) src(%dma_wait3A_372 : memref<16x640xf32, #tpu.memory_space<vmem_shared>>) dst(%arg18 : memref<16x640xf32, #tpu.memory_space<vmem>>)
      tpu.yield
    }) : () -> ()
    %scan3A_76 = arith.constant 0 : i32
    %scan3A_77 = arith.constant 40 : i32
    %scan3A_78 = arith.addi %scan3A_76, %scan3A_77 : i32
    %scan3A_79 = arith.constant 1 : i32
    %scan3A_80 = scf.for %scan3A_367 = %scan3A_76 to %scan3A_78 step %scan3A_79 iter_args(%scan3A_368 = %broadcast_in_dim3A_1) -> (vector<16xf32>)  : i32 {
      %mul3A_369 = arith.constant 16 : i32
      %mul3A_370 = arith.muli %scan3A_367, %mul3A_369 : i32
      %get3A_371 = arith.constant 0 : i32
      %get3A_372 = arith.index_cast %get3A_371 : i32 to index
      %get3A_373 = arith.index_cast %mul3A_370 : i32 to index
      %get3A_374 = tpu.vector_load %arg18[%get3A_372, %get3A_373] {strides = array<i32>} : memref<16x640xf32, #tpu.memory_space<vmem>>, vector<16xf32>,
      %mul3A_375 = arith.constant 16 : i32
      %mul3A_376 = arith.muli %scan3A_367, %mul3A_375 : i32
      %get3A_377 = arith.constant 1 : i32
      %get3A_378 = arith.index_cast %get3A_377 : i32 to index
      %get3A_379 = arith.index_cast %mul3A_376 : i32 to index
      %get3A_380 = tpu.vector_load %arg18[%get3A_378, %get3A_379] {strides = array<i32>} : memref<16x640xf32, #tpu.memory_space<vmem>>, vector<16xf32>,
      %max3A_381 = arith.maximumf %get3A_374, %get3A_380 : vector<16xf32>
      %mul3A_382 = arith.constant 16 : i32
      %mul3A_383 = arith.muli %scan3A_367, %mul3A_382 : i32
      %get3A_384 = arith.constant 2 : i32
      %get3A_385 = arith.index_cast %get3A_384 : i32 to index
      %get3A_386 = arith.index_cast %mul3A_383 : i32 to index
      %get3A_387 = tpu.vector_load %arg18[%get3A_385, %get3A_386] {strides = array<i32>} : memref<16x640xf32, #tpu.memory_space<vmem>>, vector<16xf32>,
      %max3A_388 = arith.maximumf %max3A_381, %get3A_387 : vector<16xf32>
      %mul3A_389 = arith.constant 16 : i32
      %mul3A_390 = arith.muli %scan3A_367, %mul3A_389 : i32
      %get3A_391 = arith.constant 3 : i32
      %get3A_392 = arith.index_cast %get3A_391 : i32 to index
      %get3A_393 = arith.index_cast %mul3A_390 : i32 to index
      %get3A_394 = tpu.vector_load %arg18[%get3A_392, %get3A_393] {strides = array<i32>} : memref<16x640xf32, #tpu.memory_space<vmem>>, vector<16xf32>,
      %max3A_395 = arith.maximumf %max3A_388, %get3A_394 : vector<16xf32>
      %mul3A_396 = arith.constant 16 : i32
      %mul3A_397 = arith.muli %scan3A_367, %mul3A_396 : i32
      %get3A_398 = arith.constant 4 : i32
      %get3A_399 = arith.index_cast %get3A_398 : i32 to index
      %get3A_400 = arith.index_cast %mul3A_397 : i32 to index
      %get3A_401 = tpu.vector_load %arg18[%get3A_399, %get3A_400] {strides = array<i32>} : memref<16x640xf32, #tpu.memory_space<vmem>>, vector<16xf32>,
      %max3A_402 = arith.maximumf %max3A_395, %get3A_401 : vector<16xf32>
      %mul3A_403 = arith.constant 16 : i32
      %mul3A_404 = arith.muli %scan3A_367, %mul3A_403 : i32
      %get3A_405 = arith.constant 5 : i32
      %get3A_406 = arith.index_cast %get3A_405 : i32 to index
      %get3A_407 = arith.index_cast %mul3A_404 : i32 to index
      %get3A_408 = tpu.vector_load %arg18[%get3A_406, %get3A_407] {strides = array<i32>} : memref<16x640xf32, #tpu.memory_space<vmem>>, vector<16xf32>,
      %max3A_409 = arith.maximumf %max3A_402, %get3A_408 : vector<16xf32>
      %mul3A_410 = arith.constant 16 : i32
      %mul3A_411 = arith.muli %scan3A_367, %mul3A_410 : i32
      %get3A_412 = arith.constant 6 : i32
      %get3A_413 = arith.index_cast %get3A_412 : i32 to index
      %get3A_414 = arith.index_cast %mul3A_411 : i32 to index
      %get3A_415 = tpu.vector_load %arg18[%get3A_413, %get3A_414] {strides = array<i32>} : memref<16x640xf32, #tpu.memory_space<vmem>>, vector<16xf32>,
      %max3A_416 = arith.maximumf %max3A_409, %get3A_415 : vector<16xf32>
      %mul3A_417 = arith.constant 16 : i32
      %mul3A_418 = arith.muli %scan3A_367, %mul3A_417 : i32
      %get3A_419 = arith.constant 7 : i32
      %get3A_420 = arith.index_cast %get3A_419 : i32 to index
      %get3A_421 = arith.index_cast %mul3A_418 : i32 to index
      %get3A_422 = tpu.vector_load %arg18[%get3A_420, %get3A_421] {strides = array<i32>} : memref<16x640xf32, #tpu.memory_space<vmem>>, vector<16xf32>,
      %max3A_423 = arith.maximumf %max3A_416, %get3A_422 : vector<16xf32>
      %mul3A_424 = arith.constant 16 : i32
      %mul3A_425 = arith.muli %scan3A_367, %mul3A_424 : i32
      %get3A_426 = arith.constant 8 : i32
      %get3A_427 = arith.index_cast %get3A_426 : i32 to index
      %get3A_428 = arith.index_cast %mul3A_425 : i32 to index
      %get3A_429 = tpu.vector_load %arg18[%get3A_427, %get3A_428] {strides = array<i32>} : memref<16x640xf32, #tpu.memory_space<vmem>>, vector<16xf32>,
      %max3A_430 = arith.maximumf %max3A_423, %get3A_429 : vector<16xf32>
      %mul3A_431 = arith.constant 16 : i32
      %mul3A_432 = arith.muli %scan3A_367, %mul3A_431 : i32
      %get3A_433 = arith.constant 9 : i32
      %get3A_434 = arith.index_cast %get3A_433 : i32 to index
      %get3A_435 = arith.index_cast %mul3A_432 : i32 to index
      %get3A_436 = tpu.vector_load %arg18[%get3A_434, %get3A_435] {strides = array<i32>} : memref<16x640xf32, #tpu.memory_space<vmem>>, vector<16xf32>,
      %max3A_437 = arith.maximumf %max3A_430, %get3A_436 : vector<16xf32>
      %mul3A_438 = arith.constant 16 : i32
      %mul3A_439 = arith.muli %scan3A_367, %mul3A_438 : i32
      %get3A_440 = arith.constant 10 : i32
      %get3A_441 = arith.index_cast %get3A_440 : i32 to index
      %get3A_442 = arith.index_cast %mul3A_439 : i32 to index
      %get3A_443 = tpu.vector_load %arg18[%get3A_441, %get3A_442] {strides = array<i32>} : memref<16x640xf32, #tpu.memory_space<vmem>>, vector<16xf32>,
      %max3A_444 = arith.maximumf %max3A_437, %get3A_443 : vector<16xf32>
      %mul3A_445 = arith.constant 16 : i32
      %mul3A_446 = arith.muli %scan3A_367, %mul3A_445 : i32
      %get3A_447 = arith.constant 11 : i32
      %get3A_448 = arith.index_cast %get3A_447 : i32 to index
      %get3A_449 = arith.index_cast %mul3A_446 : i32 to index
      %get3A_450 = tpu.vector_load %arg18[%get3A_448, %get3A_449] {strides = array<i32>} : memref<16x640xf32, #tpu.memory_space<vmem>>, vector<16xf32>,
      %max3A_451 = arith.maximumf %max3A_444, %get3A_450 : vector<16xf32>
      %mul3A_452 = arith.constant 16 : i32
      %mul3A_453 = arith.muli %scan3A_367, %mul3A_452 : i32
      %get3A_454 = arith.constant 12 : i32
      %get3A_455 = arith.index_cast %get3A_454 : i32 to index
      %get3A_456 = arith.index_cast %mul3A_453 : i32 to index
      %get3A_457 = tpu.vector_load %arg18[%get3A_455, %get3A_456] {strides = array<i32>} : memref<16x640xf32, #tpu.memory_space<vmem>>, vector<16xf32>,
      %max3A_458 = arith.maximumf %max3A_451, %get3A_457 : vector<16xf32>
      %mul3A_459 = arith.constant 16 : i32
      %mul3A_460 = arith.muli %scan3A_367, %mul3A_459 : i32
      %get3A_461 = arith.constant 13 : i32
      %get3A_462 = arith.index_cast %get3A_461 : i32 to index
      %get3A_463 = arith.index_cast %mul3A_460 : i32 to index
      %get3A_464 = tpu.vector_load %arg18[%get3A_462, %get3A_463] {strides = array<i32>} : memref<16x640xf32, #tpu.memory_space<vmem>>, vector<16xf32>,
      %max3A_465 = arith.maximumf %max3A_458, %get3A_464 : vector<16xf32>
      %mul3A_466 = arith.constant 16 : i32
      %mul3A_467 = arith.muli %scan3A_367, %mul3A_466 : i32
      %get3A_468 = arith.constant 14 : i32
      %get3A_469 = arith.index_cast %get3A_468 : i32 to index
      %get3A_470 = arith.index_cast %mul3A_467 : i32 to index
      %get3A_471 = tpu.vector_load %arg18[%get3A_469, %get3A_470] {strides = array<i32>} : memref<16x640xf32, #tpu.memory_space<vmem>>, vector<16xf32>,
      %max3A_472 = arith.maximumf %max3A_465, %get3A_471 : vector<16xf32>
      %mul3A_473 = arith.constant 16 : i32
      %mul3A_474 = arith.muli %scan3A_367, %mul3A_473 : i32
      %get3A_475 = arith.constant 15 : i32
      %get3A_476 = arith.index_cast %get3A_475 : i32 to index
      %get3A_477 = arith.index_cast %mul3A_474 : i32 to index
      %get3A_478 = tpu.vector_load %arg18[%get3A_476, %get3A_477] {strides = array<i32>} : memref<16x640xf32, #tpu.memory_space<vmem>>, vector<16xf32>,
      %max3A_479 = arith.maximumf %max3A_472, %get3A_478 : vector<16xf32>
      %mul3A_480 = arith.constant 16 : i32
      %mul3A_481 = arith.muli %scan3A_367, %mul3A_480 : i32
      %swap3A_482 = arith.index_cast %mul3A_481 : i32 to index
      %swap3A_483 = tpu.vector_load %arg24[%swap3A_482] {strides = array<i32>} : memref<640xf32, #tpu.memory_space<vmem>>, vector<16xf32>,
      tpu.vector_store %arg24[%swap3A_482], %max3A_479 {strides = array<i32>} : memref<640xf32, #tpu.memory_space<vmem>>, vector<16xf32>,
      %max3A_484 = arith.maximumf %scan3A_368, %max3A_479 : vector<16xf32>
      scf.yield %max3A_484 : vector<16xf32>
    }
    %scan3A_81 = arith.constant 40 : i32
    %slice3A_82 = vector.extract_strided_slice %scan3A_80 {offsets = [0], sizes = [1], strides = [1]} : vector<16xf32> to vector<1xf32>
    %squeeze3A_83 = vector.extract %slice3A_82[0] : f32 from vector<1xf32>
    %slice3A_84 = vector.extract_strided_slice %scan3A_80 {offsets = [1], sizes = [1], strides = [1]} : vector<16xf32> to vector<1xf32>
    %squeeze3A_85 = vector.extract %slice3A_84[0] : f32 from vector<1xf32>
    %max3A = arith.maximumf %squeeze3A_83, %squeeze3A_85 : f32
    %slice3A_86 = vector.extract_strided_slice %scan3A_80 {offsets = [2], sizes = [1], strides = [1]} : vector<16xf32> to vector<1xf32>
    %squeeze3A_87 = vector.extract %slice3A_86[0] : f32 from vector<1xf32>
    %max3A_88 = arith.maximumf %max3A, %squeeze3A_87 : f32
    %slice3A_89 = vector.extract_strided_slice %scan3A_80 {offsets = [3], sizes = [1], strides = [1]} : vector<16xf32> to vector<1xf32>
    %squeeze3A_90 = vector.extract %slice3A_89[0] : f32 from vector<1xf32>
    %max3A_91 = arith.maximumf %max3A_88, %squeeze3A_90 : f32
    %slice3A_92 = vector.extract_strided_slice %scan3A_80 {offsets = [4], sizes = [1], strides = [1]} : vector<16xf32> to vector<1xf32>
    %squeeze3A_93 = vector.extract %slice3A_92[0] : f32 from vector<1xf32>
    %max3A_94 = arith.maximumf %max3A_91, %squeeze3A_93 : f32
    %slice3A_95 = vector.extract_strided_slice %scan3A_80 {offsets = [5], sizes = [1], strides = [1]} : vector<16xf32> to vector<1xf32>
    %squeeze3A_96 = vector.extract %slice3A_95[0] : f32 from vector<1xf32>
    %max3A_97 = arith.maximumf %max3A_94, %squeeze3A_96 : f32
    %slice3A_98 = vector.extract_strided_slice %scan3A_80 {offsets = [6], sizes = [1], strides = [1]} : vector<16xf32> to vector<1xf32>
    %squeeze3A_99 = vector.extract %slice3A_98[0] : f32 from vector<1xf32>
    %max3A_100 = arith.maximumf %max3A_97, %squeeze3A_99 : f32
    %slice3A_101 = vector.extract_strided_slice %scan3A_80 {offsets = [7], sizes = [1], strides = [1]} : vector<16xf32> to vector<1xf32>
    %squeeze3A_102 = vector.extract %slice3A_101[0] : f32 from vector<1xf32>
    %max3A_103 = arith.maximumf %max3A_100, %squeeze3A_102 : f32
    %slice3A_104 = vector.extract_strided_slice %scan3A_80 {offsets = [8], sizes = [1], strides = [1]} : vector<16xf32> to vector<1xf32>
    %squeeze3A_105 = vector.extract %slice3A_104[0] : f32 from vector<1xf32>
    %max3A_106 = arith.maximumf %max3A_103, %squeeze3A_105 : f32
    %slice3A_107 = vector.extract_strided_slice %scan3A_80 {offsets = [9], sizes = [1], strides = [1]} : vector<16xf32> to vector<1xf32>
    %squeeze3A_108 = vector.extract %slice3A_107[0] : f32 from vector<1xf32>
    %max3A_109 = arith.maximumf %max3A_106, %squeeze3A_108 : f32
    %slice3A_110 = vector.extract_strided_slice %scan3A_80 {offsets = [10], sizes = [1], strides = [1]} : vector<16xf32> to vector<1xf32>
    %squeeze3A_111 = vector.extract %slice3A_110[0] : f32 from vector<1xf32>
    %max3A_112 = arith.maximumf %max3A_109, %squeeze3A_111 : f32
    %slice3A_113 = vector.extract_strided_slice %scan3A_80 {offsets = [11], sizes = [1], strides = [1]} : vector<16xf32> to vector<1xf32>
    %squeeze3A_114 = vector.extract %slice3A_113[0] : f32 from vector<1xf32>
    %max3A_115 = arith.maximumf %max3A_112, %squeeze3A_114 : f32
    %slice3A_116 = vector.extract_strided_slice %scan3A_80 {offsets = [12], sizes = [1], strides = [1]} : vector<16xf32> to vector<1xf32>
    %squeeze3A_117 = vector.extract %slice3A_116[0] : f32 from vector<1xf32>
    %max3A_118 = arith.maximumf %max3A_115, %squeeze3A_117 : f32
    %slice3A_119 = vector.extract_strided_slice %scan3A_80 {offsets = [13], sizes = [1], strides = [1]} : vector<16xf32> to vector<1xf32>
    %squeeze3A_120 = vector.extract %slice3A_119[0] : f32 from vector<1xf32>
    %max3A_121 = arith.maximumf %max3A_118, %squeeze3A_120 : f32
    %slice3A_122 = vector.extract_strided_slice %scan3A_80 {offsets = [14], sizes = [1], strides = [1]} : vector<16xf32> to vector<1xf32>
    %squeeze3A_123 = vector.extract %slice3A_122[0] : f32 from vector<1xf32>
    %max3A_124 = arith.maximumf %max3A_121, %squeeze3A_123 : f32
    %slice3A_125 = vector.extract_strided_slice %scan3A_80 {offsets = [15], sizes = [1], strides = [1]} : vector<16xf32> to vector<1xf32>
    %squeeze3A_126 = vector.extract %slice3A_125[0] : f32 from vector<1xf32>
    %max3A_127 = arith.maximumf %max3A_124, %squeeze3A_126 : f32
    %broadcast_in_dim3A_128 = vector.broadcast %max3A_127 : f32 to vector<16xf32>
    %swap3A = arith.constant 0 : index
    %swap3A_129 = tpu.vector_load %arg27[%swap3A] {strides = array<i32>} : memref<16xf32, #tpu.memory_space<vmem>>, vector<16xf32>,
    tpu.vector_store %arg27[%swap3A], %broadcast_in_dim3A_128 {strides = array<i32>} : memref<16xf32, #tpu.memory_space<vmem>>, vector<16xf32>,
    "tpu.region"() ({
      %run_scoped3A = tpu.sem_alloc : memref<!tpu.dma_semaphore, #tpu.memory_space<semaphore_mem>>
      %dma_start3A = arith.constant 0 : i32
      %dma_start3A_367 = tpu.memref_slice %arg31[%arg1, %dma_start3A] : memref<16x16xf32, #tpu.memory_space<vmem_shared>> -> memref<1x16xf32, #tpu.memory_space<vmem_shared>>
      %dma_start3A_368 = tpu.memref_squeeze %dma_start3A_367 : memref<1x16xf32, #tpu.memory_space<vmem_shared>> -> memref<16xf32, #tpu.memory_space<vmem_shared>>
      %dma_start3A_369 = arith.constant 0 : i32
      %dma_start3A_370 = tpu.memref_slice %arg31[%arg1, %dma_start3A_369] : memref<16x16xf32, #tpu.memory_space<vmem_shared>> -> memref<1x16xf32, #tpu.memory_space<vmem_shared>>
      %dma_start3A_371 = tpu.memref_squeeze %dma_start3A_370 : memref<1x16xf32, #tpu.memory_space<vmem_shared>> -> memref<16xf32, #tpu.memory_space<vmem_shared>>
      tpu.enqueue_dma source(%arg27 : memref<16xf32, #tpu.memory_space<vmem>>) target(%dma_start3A_371 : memref<16xf32, #tpu.memory_space<vmem_shared>>) target_semaphore(%run_scoped3A : memref<!tpu.dma_semaphore, #tpu.memory_space<semaphore_mem>>)
      %dma_wait3A = arith.constant 0 : i32
      %dma_wait3A_372 = tpu.memref_slice %arg31[%arg1, %dma_wait3A] : memref<16x16xf32, #tpu.memory_space<vmem_shared>> -> memref<1x16xf32, #tpu.memory_space<vmem_shared>>
      %dma_wait3A_373 = tpu.memref_squeeze %dma_wait3A_372 : memref<1x16xf32, #tpu.memory_space<vmem_shared>> -> memref<16xf32, #tpu.memory_space<vmem_shared>>
      %dma_wait3A_374 = arith.constant 0 : i32
      %dma_wait3A_375 = tpu.memref_slice %arg31[%arg1, %dma_wait3A_374] : memref<16x16xf32, #tpu.memory_space<vmem_shared>> -> memref<1x16xf32, #tpu.memory_space<vmem_shared>>
      %dma_wait3A_376 = tpu.memref_squeeze %dma_wait3A_375 : memref<1x16xf32, #tpu.memory_space<vmem_shared>> -> memref<16xf32, #tpu.memory_space<vmem_shared>>
      tpu.wait_dma2 semaphore(%run_scoped3A : memref<!tpu.dma_semaphore, #tpu.memory_space<semaphore_mem>>) src(%arg27 : memref<16xf32, #tpu.memory_space<vmem>>) dst(%dma_wait3A_376 : memref<16xf32, #tpu.memory_space<vmem_shared>>)
      tpu.yield
    }) : () -> ()
    %barrier3A_130 = arith.constant 0 : index
    tpu.barrier barrier_id(%barrier3A_130)
    "tpu.region"() ({
      %run_scoped3A = tpu.sem_alloc : memref<!tpu.dma_semaphore, #tpu.memory_space<semaphore_mem>>
      tpu.enqueue_dma source(%arg31 : memref<16x16xf32, #tpu.memory_space<vmem_shared>>) target(%arg28 : memref<16x16xf32, #tpu.memory_space<vmem>>) target_semaphore(%run_scoped3A : memref<!tpu.dma_semaphore, #tpu.memory_space<semaphore_mem>>)
      tpu.wait_dma2 semaphore(%run_scoped3A : memref<!tpu.dma_semaphore, #tpu.memory_space<semaphore_mem>>) src(%arg31 : memref<16x16xf32, #tpu.memory_space<vmem_shared>>) dst(%arg28 : memref<16x16xf32, #tpu.memory_space<vmem>>)
      tpu.yield
    }) : () -> ()
    %get3A = arith.constant 0 : i32
    %get3A_131 = arith.index_cast %get3A : i32 to index
    %get3A_132 = arith.constant 0 : index
    %get3A_133 = tpu.vector_load %arg28[%get3A_131, %get3A_132] {strides = array<i32>} : memref<16x16xf32, #tpu.memory_space<vmem>>, vector<16xf32>,
    %get3A_134 = arith.constant 1 : i32
    %get3A_135 = arith.index_cast %get3A_134 : i32 to index
    %get3A_136 = arith.constant 0 : index
    %get3A_137 = tpu.vector_load %arg28[%get3A_135, %get3A_136] {strides = array<i32>} : memref<16x16xf32, #tpu.memory_space<vmem>>, vector<16xf32>,
    %max3A_138 = arith.maximumf %get3A_133, %get3A_137 : vector<16xf32>
    %get3A_139 = arith.constant 2 : i32
    %get3A_140 = arith.index_cast %get3A_139 : i32 to index
    %get3A_141 = arith.constant 0 : index
    %get3A_142 = tpu.vector_load %arg28[%get3A_140, %get3A_141] {strides = array<i32>} : memref<16x16xf32, #tpu.memory_space<vmem>>, vector<16xf32>,
    %max3A_143 = arith.maximumf %max3A_138, %get3A_142 : vector<16xf32>
    %get3A_144 = arith.constant 3 : i32
    %get3A_145 = arith.index_cast %get3A_144 : i32 to index
    %get3A_146 = arith.constant 0 : index
    %get3A_147 = tpu.vector_load %arg28[%get3A_145, %get3A_146] {strides = array<i32>} : memref<16x16xf32, #tpu.memory_space<vmem>>, vector<16xf32>,
    %max3A_148 = arith.maximumf %max3A_143, %get3A_147 : vector<16xf32>
    %get3A_149 = arith.constant 4 : i32
    %get3A_150 = arith.index_cast %get3A_149 : i32 to index
    %get3A_151 = arith.constant 0 : index
    %get3A_152 = tpu.vector_load %arg28[%get3A_150, %get3A_151] {strides = array<i32>} : memref<16x16xf32, #tpu.memory_space<vmem>>, vector<16xf32>,
    %max3A_153 = arith.maximumf %max3A_148, %get3A_152 : vector<16xf32>
    %get3A_154 = arith.constant 5 : i32
    %get3A_155 = arith.index_cast %get3A_154 : i32 to index
    %get3A_156 = arith.constant 0 : index
    %get3A_157 = tpu.vector_load %arg28[%get3A_155, %get3A_156] {strides = array<i32>} : memref<16x16xf32, #tpu.memory_space<vmem>>, vector<16xf32>,
    %max3A_158 = arith.maximumf %max3A_153, %get3A_157 : vector<16xf32>
    %get3A_159 = arith.constant 6 : i32
    %get3A_160 = arith.index_cast %get3A_159 : i32 to index
    %get3A_161 = arith.constant 0 : index
    %get3A_162 = tpu.vector_load %arg28[%get3A_160, %get3A_161] {strides = array<i32>} : memref<16x16xf32, #tpu.memory_space<vmem>>, vector<16xf32>,
    %max3A_163 = arith.maximumf %max3A_158, %get3A_162 : vector<16xf32>
    %get3A_164 = arith.constant 7 : i32
    %get3A_165 = arith.index_cast %get3A_164 : i32 to index
    %get3A_166 = arith.constant 0 : index
    %get3A_167 = tpu.vector_load %arg28[%get3A_165, %get3A_166] {strides = array<i32>} : memref<16x16xf32, #tpu.memory_space<vmem>>, vector<16xf32>,
    %max3A_168 = arith.maximumf %max3A_163, %get3A_167 : vector<16xf32>
    %get3A_169 = arith.constant 8 : i32
    %get3A_170 = arith.index_cast %get3A_169 : i32 to index
    %get3A_171 = arith.constant 0 : index
    %get3A_172 = tpu.vector_load %arg28[%get3A_170, %get3A_171] {strides = array<i32>} : memref<16x16xf32, #tpu.memory_space<vmem>>, vector<16xf32>,
    %max3A_173 = arith.maximumf %max3A_168, %get3A_172 : vector<16xf32>
    %get3A_174 = arith.constant 9 : i32
    %get3A_175 = arith.index_cast %get3A_174 : i32 to index
    %get3A_176 = arith.constant 0 : index
    %get3A_177 = tpu.vector_load %arg28[%get3A_175, %get3A_176] {strides = array<i32>} : memref<16x16xf32, #tpu.memory_space<vmem>>, vector<16xf32>,
    %max3A_178 = arith.maximumf %max3A_173, %get3A_177 : vector<16xf32>
    %get3A_179 = arith.constant 10 : i32
    %get3A_180 = arith.index_cast %get3A_179 : i32 to index
    %get3A_181 = arith.constant 0 : index
    %get3A_182 = tpu.vector_load %arg28[%get3A_180, %get3A_181] {strides = array<i32>} : memref<16x16xf32, #tpu.memory_space<vmem>>, vector<16xf32>,
    %max3A_183 = arith.maximumf %max3A_178, %get3A_182 : vector<16xf32>
    %get3A_184 = arith.constant 11 : i32
    %get3A_185 = arith.index_cast %get3A_184 : i32 to index
    %get3A_186 = arith.constant 0 : index
    %get3A_187 = tpu.vector_load %arg28[%get3A_185, %get3A_186] {strides = array<i32>} : memref<16x16xf32, #tpu.memory_space<vmem>>, vector<16xf32>,
    %max3A_188 = arith.maximumf %max3A_183, %get3A_187 : vector<16xf32>
    %get3A_189 = arith.constant 12 : i32
    %get3A_190 = arith.index_cast %get3A_189 : i32 to index
    %get3A_191 = arith.constant 0 : index
    %get3A_192 = tpu.vector_load %arg28[%get3A_190, %get3A_191] {strides = array<i32>} : memref<16x16xf32, #tpu.memory_space<vmem>>, vector<16xf32>,
    %max3A_193 = arith.maximumf %max3A_188, %get3A_192 : vector<16xf32>
    %get3A_194 = arith.constant 13 : i32
    %get3A_195 = arith.index_cast %get3A_194 : i32 to index
    %get3A_196 = arith.constant 0 : index
    %get3A_197 = tpu.vector_load %arg28[%get3A_195, %get3A_196] {strides = array<i32>} : memref<16x16xf32, #tpu.memory_space<vmem>>, vector<16xf32>,
    %max3A_198 = arith.maximumf %max3A_193, %get3A_197 : vector<16xf32>
    %get3A_199 = arith.constant 14 : i32
    %get3A_200 = arith.index_cast %get3A_199 : i32 to index
    %get3A_201 = arith.constant 0 : index
    %get3A_202 = tpu.vector_load %arg28[%get3A_200, %get3A_201] {strides = array<i32>} : memref<16x16xf32, #tpu.memory_space<vmem>>, vector<16xf32>,
    %max3A_203 = arith.maximumf %max3A_198, %get3A_202 : vector<16xf32>
    %get3A_204 = arith.constant 15 : i32
    %get3A_205 = arith.index_cast %get3A_204 : i32 to index
    %get3A_206 = arith.constant 0 : index
    %get3A_207 = tpu.vector_load %arg28[%get3A_205, %get3A_206] {strides = array<i32>} : memref<16x16xf32, #tpu.memory_space<vmem>>, vector<16xf32>,
    %max3A_208 = arith.maximumf %max3A_203, %get3A_207 : vector<16xf32>
    %slice3A_209 = vector.extract_strided_slice %max3A_208 {offsets = [0], sizes = [1], strides = [1]} : vector<16xf32> to vector<1xf32>
    %squeeze3A_210 = vector.extract %slice3A_209[0] : f32 from vector<1xf32>
    %slice3A_211 = vector.extract_strided_slice %max3A_208 {offsets = [1], sizes = [1], strides = [1]} : vector<16xf32> to vector<1xf32>
    %squeeze3A_212 = vector.extract %slice3A_211[0] : f32 from vector<1xf32>
    %max3A_213 = arith.maximumf %squeeze3A_210, %squeeze3A_212 : f32
    %slice3A_214 = vector.extract_strided_slice %max3A_208 {offsets = [2], sizes = [1], strides = [1]} : vector<16xf32> to vector<1xf32>
    %squeeze3A_215 = vector.extract %slice3A_214[0] : f32 from vector<1xf32>
    %max3A_216 = arith.maximumf %max3A_213, %squeeze3A_215 : f32
    %slice3A_217 = vector.extract_strided_slice %max3A_208 {offsets = [3], sizes = [1], strides = [1]} : vector<16xf32> to vector<1xf32>
    %squeeze3A_218 = vector.extract %slice3A_217[0] : f32 from vector<1xf32>
    %max3A_219 = arith.maximumf %max3A_216, %squeeze3A_218 : f32
    %slice3A_220 = vector.extract_strided_slice %max3A_208 {offsets = [4], sizes = [1], strides = [1]} : vector<16xf32> to vector<1xf32>
    %squeeze3A_221 = vector.extract %slice3A_220[0] : f32 from vector<1xf32>
    %max3A_222 = arith.maximumf %max3A_219, %squeeze3A_221 : f32
    %slice3A_223 = vector.extract_strided_slice %max3A_208 {offsets = [5], sizes = [1], strides = [1]} : vector<16xf32> to vector<1xf32>
    %squeeze3A_224 = vector.extract %slice3A_223[0] : f32 from vector<1xf32>
    %max3A_225 = arith.maximumf %max3A_222, %squeeze3A_224 : f32
    %slice3A_226 = vector.extract_strided_slice %max3A_208 {offsets = [6], sizes = [1], strides = [1]} : vector<16xf32> to vector<1xf32>
    %squeeze3A_227 = vector.extract %slice3A_226[0] : f32 from vector<1xf32>
    %max3A_228 = arith.maximumf %max3A_225, %squeeze3A_227 : f32
    %slice3A_229 = vector.extract_strided_slice %max3A_208 {offsets = [7], sizes = [1], strides = [1]} : vector<16xf32> to vector<1xf32>
    %squeeze3A_230 = vector.extract %slice3A_229[0] : f32 from vector<1xf32>
    %max3A_231 = arith.maximumf %max3A_228, %squeeze3A_230 : f32
    %slice3A_232 = vector.extract_strided_slice %max3A_208 {offsets = [8], sizes = [1], strides = [1]} : vector<16xf32> to vector<1xf32>
    %squeeze3A_233 = vector.extract %slice3A_232[0] : f32 from vector<1xf32>
    %max3A_234 = arith.maximumf %max3A_231, %squeeze3A_233 : f32
    %slice3A_235 = vector.extract_strided_slice %max3A_208 {offsets = [9], sizes = [1], strides = [1]} : vector<16xf32> to vector<1xf32>
    %squeeze3A_236 = vector.extract %slice3A_235[0] : f32 from vector<1xf32>
    %max3A_237 = arith.maximumf %max3A_234, %squeeze3A_236 : f32
    %slice3A_238 = vector.extract_strided_slice %max3A_208 {offsets = [10], sizes = [1], strides = [1]} : vector<16xf32> to vector<1xf32>
    %squeeze3A_239 = vector.extract %slice3A_238[0] : f32 from vector<1xf32>
    %max3A_240 = arith.maximumf %max3A_237, %squeeze3A_239 : f32
    %slice3A_241 = vector.extract_strided_slice %max3A_208 {offsets = [11], sizes = [1], strides = [1]} : vector<16xf32> to vector<1xf32>
    %squeeze3A_242 = vector.extract %slice3A_241[0] : f32 from vector<1xf32>
    %max3A_243 = arith.maximumf %max3A_240, %squeeze3A_242 : f32
    %slice3A_244 = vector.extract_strided_slice %max3A_208 {offsets = [12], sizes = [1], strides = [1]} : vector<16xf32> to vector<1xf32>
    %squeeze3A_245 = vector.extract %slice3A_244[0] : f32 from vector<1xf32>
    %max3A_246 = arith.maximumf %max3A_243, %squeeze3A_245 : f32
    %slice3A_247 = vector.extract_strided_slice %max3A_208 {offsets = [13], sizes = [1], strides = [1]} : vector<16xf32> to vector<1xf32>
    %squeeze3A_248 = vector.extract %slice3A_247[0] : f32 from vector<1xf32>
    %max3A_249 = arith.maximumf %max3A_246, %squeeze3A_248 : f32
    %slice3A_250 = vector.extract_strided_slice %max3A_208 {offsets = [14], sizes = [1], strides = [1]} : vector<16xf32> to vector<1xf32>
    %squeeze3A_251 = vector.extract %slice3A_250[0] : f32 from vector<1xf32>
    %max3A_252 = arith.maximumf %max3A_249, %squeeze3A_251 : f32
    %slice3A_253 = vector.extract_strided_slice %max3A_208 {offsets = [15], sizes = [1], strides = [1]} : vector<16xf32> to vector<1xf32>
    %squeeze3A_254 = vector.extract %slice3A_253[0] : f32 from vector<1xf32>
    %max3A_255 = arith.maximumf %max3A_252, %squeeze3A_254 : f32
    %add3A_256 = arith.constant 9.99999993E-9 : f32
    %add3A_257 = arith.addf %max3A_255, %add3A_256 : f32
    %scan3A_258 = arith.constant 0 : i32
    %scan3A_259 = arith.constant 0 : i32
    %scan3A_260 = arith.constant 40 : i32
    %scan3A_261 = arith.addi %scan3A_259, %scan3A_260 : i32
    %scan3A_262 = arith.constant 1 : i32
    %scan3A_263 = scf.for %scan3A_367 = %scan3A_259 to %scan3A_261 step %scan3A_262 iter_args(%scan3A_368 = %scan3A_258) -> (i32)  : i32 {
      %mul3A_369 = arith.constant 16 : i32
      %mul3A_370 = arith.muli %scan3A_367, %mul3A_369 : i32
      %get3A_371 = arith.index_cast %mul3A_370 : i32 to index
      %get3A_372 = tpu.vector_load %arg24[%get3A_371] {strides = array<i32>} : memref<640xf32, #tpu.memory_space<vmem>>, vector<16xf32>,
      %mul3A_373 = arith.constant 16 : i32
      %mul3A_374 = arith.muli %scan3A_367, %mul3A_373 : i32
      %get3A_375 = arith.index_cast %mul3A_374 : i32 to index
      %get3A_376 = tpu.vector_load %arg21[%get3A_375] {strides = array<i32>} : memref<640xf32, #tpu.memory_space<vmem>>, vector<16xf32>,
      %div3A = vector.broadcast %add3A_257 : f32 to vector<16xf32>
      %div3A_377 = arith.divf %get3A_372, %div3A : vector<16xf32>
      %mul3A_378 = arith.mulf %div3A_377, %get3A_376 : vector<16xf32>
      %add3A_379 = arith.constant 1.000000e+00 : f32
      %add3A_380 = vector.broadcast %add3A_379 : f32 to vector<16xf32>
      %add3A_381 = arith.addf %add3A_380, %mul3A_378 : vector<16xf32>
      %mul3A_382 = arith.constant 16 : i32
      %mul3A_383 = arith.muli %scan3A_367, %mul3A_382 : i32
      %swap3A_384 = arith.index_cast %mul3A_383 : i32 to index
      %swap3A_385 = tpu.vector_load %arg24[%swap3A_384] {strides = array<i32>} : memref<640xf32, #tpu.memory_space<vmem>>, vector<16xf32>,
      tpu.vector_store %arg24[%swap3A_384], %add3A_381 {strides = array<i32>} : memref<640xf32, #tpu.memory_space<vmem>>, vector<16xf32>,
      %mul3A_386 = arith.constant 16 : i32
      %mul3A_387 = arith.muli %scan3A_367, %mul3A_386 : i32
      %swap3A_388 = arith.index_cast %mul3A_387 : i32 to index
      %swap3A_389 = tpu.vector_load %arg20[%swap3A_388] {strides = array<i32>} : memref<640xf32, #tpu.memory_space<vmem>>, vector<16xf32>,
      tpu.vector_store %arg20[%swap3A_388], %add3A_381 {strides = array<i32>} : memref<640xf32, #tpu.memory_space<vmem>>, vector<16xf32>,
      %scan3A_390 = arith.constant 0 : i32
      scf.yield %scan3A_390 : i32
    }
    %scan3A_264 = arith.constant 40 : i32
    "tpu.region"() ({
      %run_scoped3A = tpu.sem_alloc : memref<!tpu.dma_semaphore, #tpu.memory_space<semaphore_mem>>
      %dma_start3A = tpu.memref_slice %arg30[%mul3A_0] : memref<10240xf32, #tpu.memory_space<vmem_shared>> -> memref<640xf32, #tpu.memory_space<vmem_shared>>
      %dma_start3A_367 = tpu.memref_slice %arg30[%mul3A_0] : memref<10240xf32, #tpu.memory_space<vmem_shared>> -> memref<640xf32, #tpu.memory_space<vmem_shared>>
      tpu.enqueue_dma source(%arg24 : memref<640xf32, #tpu.memory_space<vmem>>) target(%dma_start3A_367 : memref<640xf32, #tpu.memory_space<vmem_shared>>) target_semaphore(%run_scoped3A : memref<!tpu.dma_semaphore, #tpu.memory_space<semaphore_mem>>)
      %dma_wait3A = tpu.memref_slice %arg30[%mul3A_0] : memref<10240xf32, #tpu.memory_space<vmem_shared>> -> memref<640xf32, #tpu.memory_space<vmem_shared>>
      %dma_wait3A_368 = tpu.memref_slice %arg30[%mul3A_0] : memref<10240xf32, #tpu.memory_space<vmem_shared>> -> memref<640xf32, #tpu.memory_space<vmem_shared>>
      tpu.wait_dma2 semaphore(%run_scoped3A : memref<!tpu.dma_semaphore, #tpu.memory_space<semaphore_mem>>) src(%arg24 : memref<640xf32, #tpu.memory_space<vmem>>) dst(%dma_wait3A_368 : memref<640xf32, #tpu.memory_space<vmem_shared>>)
      tpu.yield
    }) : () -> ()
    %barrier3A_265 = arith.constant 0 : index
    tpu.barrier barrier_id(%barrier3A_265)
    "tpu.region"() ({
      %run_scoped3A = tpu.sem_alloc : memref<!tpu.dma_semaphore, #tpu.memory_space<semaphore_mem>>
      tpu.enqueue_dma source(%arg30 : memref<10240xf32, #tpu.memory_space<vmem_shared>>) target(%arg16 : memref<10240xf32, #tpu.memory_space<vmem>>) target_semaphore(%run_scoped3A : memref<!tpu.dma_semaphore, #tpu.memory_space<semaphore_mem>>)
      tpu.wait_dma2 semaphore(%run_scoped3A : memref<!tpu.dma_semaphore, #tpu.memory_space<semaphore_mem>>) src(%arg30 : memref<10240xf32, #tpu.memory_space<vmem_shared>>) dst(%arg16 : memref<10240xf32, #tpu.memory_space<vmem>>)
      tpu.yield
    }) : () -> ()
    %barrier3A_266 = arith.constant 0 : index
    tpu.barrier barrier_id(%barrier3A_266)
    %parallel_loop3A_267 = arith.constant 0 : i32
    %parallel_loop3A_268 = arith.constant 640 : i32
    %parallel_loop3A_269 = arith.constant 1 : i32
    scf.for %parallel_loop3A_367 = %parallel_loop3A_267 to %parallel_loop3A_268 step %parallel_loop3A_269  : i32 {
      %parallel_loop3A_368 = arith.constant 16 : i32
      %parallel_loop3A_369 = arith.muli %parallel_loop3A_367, %parallel_loop3A_368 : i32
      %parallel_loop3A_370 = arith.index_cast %parallel_loop3A_369 : i32 to index
      %parallel_loop3A_371 = tpu.vector_load %arg17[%parallel_loop3A_370] {strides = array<i32>} : memref<10240xf32, #tpu.memory_space<vmem>>, vector<16xf32>,
      tpu.vector_store %arg17[%parallel_loop3A_370], %broadcast_in_dim3A_1 {strides = array<i32>} : memref<10240xf32, #tpu.memory_space<vmem>>, vector<16xf32>,
    } {sc.loop_unroll_factor = 8 : i64, sc.parallel_access}
    %parallel_loop3A_270 = arith.constant 0 : i32
    %parallel_loop3A_271 = arith.constant 1250 : i32
    %parallel_loop3A_272 = arith.constant 1 : i32
    scf.for %parallel_loop3A_367 = %parallel_loop3A_270 to %parallel_loop3A_271 step %parallel_loop3A_272  : i32 {
      %parallel_loop3A_368 = arith.index_cast %parallel_loop3A_367 : i32 to index
      %parallel_loop3A_369 = arith.constant 0 : index
      %parallel_loop3A_370 = tpu.vector_load %arg12[%parallel_loop3A_368, %parallel_loop3A_369] {strides = array<i32>} : memref<1250x16xi32, #tpu.memory_space<vmem>>, vector<16xi32>,
      %parallel_loop3A_371 = tpu.vector_load_idx %arg16[%parallel_loop3A_370] : memref<10240xf32, #tpu.memory_space<vmem>>[vector<16xi32>], vector<16xf32>,
      %parallel_loop3A_372 = arith.index_cast %parallel_loop3A_367 : i32 to index
      %parallel_loop3A_373 = arith.constant 0 : index
      %parallel_loop3A_374 = tpu.vector_load %arg14[%parallel_loop3A_372, %parallel_loop3A_373] {strides = array<i32>} : memref<1250x16xf32, #tpu.memory_space<vmem>>, vector<16xf32>,
      tpu.vector_store %arg14[%parallel_loop3A_372, %parallel_loop3A_373], %parallel_loop3A_371 {strides = array<i32>} : memref<1250x16xf32, #tpu.memory_space<vmem>>, vector<16xf32>,
    } {sc.loop_unroll_factor = 4 : i64, sc.parallel_access}
    %scan3A_273 = arith.constant 0 : i32
    %scan3A_274 = arith.constant 0 : i32
    %scan3A_275 = arith.constant 625 : i32
    %scan3A_276 = arith.addi %scan3A_274, %scan3A_275 : i32
    %scan3A_277 = arith.constant 1 : i32
    %scan3A_278 = scf.for %scan3A_367 = %scan3A_274 to %scan3A_276 step %scan3A_277 iter_args(%scan3A_368 = %scan3A_273) -> (i32)  : i32 {
      %mul3A_369 = arith.constant 2 : i32
      %mul3A_370 = arith.muli %scan3A_367, %mul3A_369 : i32
      %add3A_371 = arith.constant 0 : i32
      %add3A_372 = arith.addi %mul3A_370, %add3A_371 : i32
      %get3A_373 = arith.index_cast %add3A_372 : i32 to index
      %get3A_374 = arith.constant 0 : index
      %get3A_375 = tpu.vector_load %arg13[%get3A_373, %get3A_374] {strides = array<i32>} : memref<1250x16xi32, #tpu.memory_space<vmem>>, vector<16xi32>,
      %mul3A_376 = arith.constant 2 : i32
      %mul3A_377 = arith.muli %scan3A_367, %mul3A_376 : i32
      %add3A_378 = arith.constant 0 : i32
      %add3A_379 = arith.addi %mul3A_377, %add3A_378 : i32
      %get3A_380 = arith.index_cast %add3A_379 : i32 to index
      %get3A_381 = arith.constant 0 : index
      %get3A_382 = tpu.vector_load %arg14[%get3A_380, %get3A_381] {strides = array<i32>} : memref<1250x16xf32, #tpu.memory_space<vmem>>, vector<16xf32>,
      %gather3A = tpu.vector_load_idx %arg17[%get3A_375] : memref<10240xf32, #tpu.memory_space<vmem>>[vector<16xi32>], vector<16xf32>,
      %max3A_383 = arith.maximumf %gather3A, %get3A_382 : vector<16xf32>
      tpu.vector_store_idx %arg17[%get3A_375], %max3A_383 : memref<10240xf32, #tpu.memory_space<vmem>>[vector<16xi32>], vector<16xf32>,
      %gather3A_384 = tpu.vector_load_idx %arg17[%get3A_375] : memref<10240xf32, #tpu.memory_space<vmem>>[vector<16xi32>], vector<16xf32>,
      %lt3A = arith.cmpf olt, %gather3A_384, %max3A_383 : vector<16xf32>
      %while3A = scf.while (%while3A_405 = %lt3A) : (vector<16xi1>) -> vector<16xi1> {
        %all_reduce_population_count3A = tpu.all_reduce %while3A_405 {dim = 0 : i64, kind = #tpu.reduction_kind<sum>} : vector<16xi1> -> vector<16xi32>
        %slice3A_406 = vector.extract_strided_slice %all_reduce_population_count3A {offsets = [0], sizes = [1], strides = [1]} : vector<16xi32> to vector<1xi32>
        %squeeze3A_407 = vector.extract %slice3A_406[0] : i32 from vector<1xi32>
        %gt3A = arith.constant 0 : i32
        %gt3A_408 = arith.cmpi sgt, %squeeze3A_407, %gt3A : i32
        scf.condition(%gt3A_408) %while3A_405 : vector<16xi1>
      } do {
      ^bb0(%while3A_405: vector<16xi1>):
        tpu.vector_store_idx %arg17[%get3A_375], %max3A_383 masked %while3A_405 : memref<10240xf32, #tpu.memory_space<vmem>>[vector<16xi32>], vector<16xf32>, vector<16xi1>
        %gather3A_406 = tpu.vector_load_idx %arg17[%get3A_375] : memref<10240xf32, #tpu.memory_space<vmem>>[vector<16xi32>], vector<16xf32>,
        %lt3A_407 = arith.cmpf olt, %gather3A_406, %max3A_383 : vector<16xf32>
        scf.yield %lt3A_407 : vector<16xi1>
      }
      %mul3A_385 = arith.constant 2 : i32
      %mul3A_386 = arith.muli %scan3A_367, %mul3A_385 : i32
      %add3A_387 = arith.constant 1 : i32
      %add3A_388 = arith.addi %mul3A_386, %add3A_387 : i32
      %get3A_389 = arith.index_cast %add3A_388 : i32 to index
      %get3A_390 = arith.constant 0 : index
      %get3A_391 = tpu.vector_load %arg13[%get3A_389, %get3A_390] {strides = array<i32>} : memref<1250x16xi32, #tpu.memory_space<vmem>>, vector<16xi32>,
      %mul3A_392 = arith.constant 2 : i32
      %mul3A_393 = arith.muli %scan3A_367, %mul3A_392 : i32
      %add3A_394 = arith.constant 1 : i32
      %add3A_395 = arith.addi %mul3A_393, %add3A_394 : i32
      %get3A_396 = arith.index_cast %add3A_395 : i32 to index
      %get3A_397 = arith.constant 0 : index
      %get3A_398 = tpu.vector_load %arg14[%get3A_396, %get3A_397] {strides = array<i32>} : memref<1250x16xf32, #tpu.memory_space<vmem>>, vector<16xf32>,
      %gather3A_399 = tpu.vector_load_idx %arg17[%get3A_391] : memref<10240xf32, #tpu.memory_space<vmem>>[vector<16xi32>], vector<16xf32>,
      %max3A_400 = arith.maximumf %gather3A_399, %get3A_398 : vector<16xf32>
      tpu.vector_store_idx %arg17[%get3A_391], %max3A_400 : memref<10240xf32, #tpu.memory_space<vmem>>[vector<16xi32>], vector<16xf32>,
      %gather3A_401 = tpu.vector_load_idx %arg17[%get3A_391] : memref<10240xf32, #tpu.memory_space<vmem>>[vector<16xi32>], vector<16xf32>,
      %lt3A_402 = arith.cmpf olt, %gather3A_401, %max3A_400 : vector<16xf32>
      %while3A_403 = scf.while (%while3A_405 = %lt3A_402) : (vector<16xi1>) -> vector<16xi1> {
        %all_reduce_population_count3A = tpu.all_reduce %while3A_405 {dim = 0 : i64, kind = #tpu.reduction_kind<sum>} : vector<16xi1> -> vector<16xi32>
        %slice3A_406 = vector.extract_strided_slice %all_reduce_population_count3A {offsets = [0], sizes = [1], strides = [1]} : vector<16xi32> to vector<1xi32>
        %squeeze3A_407 = vector.extract %slice3A_406[0] : i32 from vector<1xi32>
        %gt3A = arith.constant 0 : i32
        %gt3A_408 = arith.cmpi sgt, %squeeze3A_407, %gt3A : i32
        scf.condition(%gt3A_408) %while3A_405 : vector<16xi1>
      } do {
      ^bb0(%while3A_405: vector<16xi1>):
        tpu.vector_store_idx %arg17[%get3A_391], %max3A_400 masked %while3A_405 : memref<10240xf32, #tpu.memory_space<vmem>>[vector<16xi32>], vector<16xf32>, vector<16xi1>
        %gather3A_406 = tpu.vector_load_idx %arg17[%get3A_391] : memref<10240xf32, #tpu.memory_space<vmem>>[vector<16xi32>], vector<16xf32>,
        %lt3A_407 = arith.cmpf olt, %gather3A_406, %max3A_400 : vector<16xf32>
        scf.yield %lt3A_407 : vector<16xi1>
      }
      %scan3A_404 = arith.constant 0 : i32
      scf.yield %scan3A_404 : i32
    }
    %scan3A_279 = arith.constant 625 : i32
    "tpu.region"() ({
      %run_scoped3A = tpu.sem_alloc : memref<!tpu.dma_semaphore, #tpu.memory_space<semaphore_mem>>
      %dma_start3A = arith.constant 0 : i32
      %dma_start3A_367 = tpu.memref_slice %arg29[%arg1, %dma_start3A] : memref<16x10240xf32, #tpu.memory_space<vmem_shared>> -> memref<1x10240xf32, #tpu.memory_space<vmem_shared>>
      %dma_start3A_368 = tpu.memref_squeeze %dma_start3A_367 : memref<1x10240xf32, #tpu.memory_space<vmem_shared>> -> memref<10240xf32, #tpu.memory_space<vmem_shared>>
      %dma_start3A_369 = arith.constant 0 : i32
      %dma_start3A_370 = tpu.memref_slice %arg29[%arg1, %dma_start3A_369] : memref<16x10240xf32, #tpu.memory_space<vmem_shared>> -> memref<1x10240xf32, #tpu.memory_space<vmem_shared>>
      %dma_start3A_371 = tpu.memref_squeeze %dma_start3A_370 : memref<1x10240xf32, #tpu.memory_space<vmem_shared>> -> memref<10240xf32, #tpu.memory_space<vmem_shared>>
      tpu.enqueue_dma source(%arg17 : memref<10240xf32, #tpu.memory_space<vmem>>) target(%dma_start3A_371 : memref<10240xf32, #tpu.memory_space<vmem_shared>>) target_semaphore(%run_scoped3A : memref<!tpu.dma_semaphore, #tpu.memory_space<semaphore_mem>>)
      %dma_wait3A = arith.constant 0 : i32
      %dma_wait3A_372 = tpu.memref_slice %arg29[%arg1, %dma_wait3A] : memref<16x10240xf32, #tpu.memory_space<vmem_shared>> -> memref<1x10240xf32, #tpu.memory_space<vmem_shared>>
      %dma_wait3A_373 = tpu.memref_squeeze %dma_wait3A_372 : memref<1x10240xf32, #tpu.memory_space<vmem_shared>> -> memref<10240xf32, #tpu.memory_space<vmem_shared>>
      %dma_wait3A_374 = arith.constant 0 : i32
      %dma_wait3A_375 = tpu.memref_slice %arg29[%arg1, %dma_wait3A_374] : memref<16x10240xf32, #tpu.memory_space<vmem_shared>> -> memref<1x10240xf32, #tpu.memory_space<vmem_shared>>
      %dma_wait3A_376 = tpu.memref_squeeze %dma_wait3A_375 : memref<1x10240xf32, #tpu.memory_space<vmem_shared>> -> memref<10240xf32, #tpu.memory_space<vmem_shared>>
      tpu.wait_dma2 semaphore(%run_scoped3A : memref<!tpu.dma_semaphore, #tpu.memory_space<semaphore_mem>>) src(%arg17 : memref<10240xf32, #tpu.memory_space<vmem>>) dst(%dma_wait3A_376 : memref<10240xf32, #tpu.memory_space<vmem_shared>>)
      tpu.yield
    }) : () -> ()
    %barrier3A_280 = arith.constant 0 : index
    tpu.barrier barrier_id(%barrier3A_280)
    "tpu.region"() ({
      %run_scoped3A = tpu.sem_alloc : memref<!tpu.dma_semaphore, #tpu.memory_space<semaphore_mem>>
      %dma_start3A = arith.constant 0 : i32
      %dma_start3A_367 = tpu.memref_slice %arg29[%dma_start3A, %mul3A_0] : memref<16x10240xf32, #tpu.memory_space<vmem_shared>> -> memref<16x640xf32, #tpu.memory_space<vmem_shared>>
      %dma_start3A_368 = arith.constant 0 : i32
      %dma_start3A_369 = tpu.memref_slice %arg29[%dma_start3A_368, %mul3A_0] : memref<16x10240xf32, #tpu.memory_space<vmem_shared>> -> memref<16x640xf32, #tpu.memory_space<vmem_shared>>
      tpu.enqueue_dma source(%dma_start3A_369 : memref<16x640xf32, #tpu.memory_space<vmem_shared>>) target(%arg18 : memref<16x640xf32, #tpu.memory_space<vmem>>) target_semaphore(%run_scoped3A : memref<!tpu.dma_semaphore, #tpu.memory_space<semaphore_mem>>)
      %dma_wait3A = arith.constant 0 : i32
      %dma_wait3A_370 = tpu.memref_slice %arg29[%dma_wait3A, %mul3A_0] : memref<16x10240xf32, #tpu.memory_space<vmem_shared>> -> memref<16x640xf32, #tpu.memory_space<vmem_shared>>
      %dma_wait3A_371 = arith.constant 0 : i32
      %dma_wait3A_372 = tpu.memref_slice %arg29[%dma_wait3A_371, %mul3A_0] : memref<16x10240xf32, #tpu.memory_space<vmem_shared>> -> memref<16x640xf32, #tpu.memory_space<vmem_shared>>
      tpu.wait_dma2 semaphore(%run_scoped3A : memref<!tpu.dma_semaphore, #tpu.memory_space<semaphore_mem>>) src(%dma_wait3A_372 : memref<16x640xf32, #tpu.memory_space<vmem_shared>>) dst(%arg18 : memref<16x640xf32, #tpu.memory_space<vmem>>)
      tpu.yield
    }) : () -> ()
    %parallel_loop3A_281 = arith.constant 0 : i32
    %parallel_loop3A_282 = arith.constant 40 : i32
    %parallel_loop3A_283 = arith.constant 1 : i32
    %parallel_loop3A_284 = arith.constant 5.000000e-01 : f32
    scf.for %parallel_loop3A_367 = %parallel_loop3A_281 to %parallel_loop3A_282 step %parallel_loop3A_283  : i32 {
      %parallel_loop3A_368 = arith.constant 16 : i32
      %parallel_loop3A_369 = arith.muli %parallel_loop3A_367, %parallel_loop3A_368 : i32
      %parallel_loop3A_370 = arith.constant 0 : i32
      %parallel_loop3A_371 = arith.index_cast %parallel_loop3A_370 : i32 to index
      %parallel_loop3A_372 = arith.index_cast %parallel_loop3A_369 : i32 to index
      %parallel_loop3A_373 = tpu.vector_load %arg18[%parallel_loop3A_371, %parallel_loop3A_372] {strides = array<i32>} : memref<16x640xf32, #tpu.memory_space<vmem>>, vector<16xf32>,
      %parallel_loop3A_374 = arith.constant 16 : i32
      %parallel_loop3A_375 = arith.muli %parallel_loop3A_367, %parallel_loop3A_374 : i32
      %parallel_loop3A_376 = arith.constant 1 : i32
      %parallel_loop3A_377 = arith.index_cast %parallel_loop3A_376 : i32 to index
      %parallel_loop3A_378 = arith.index_cast %parallel_loop3A_375 : i32 to index
      %parallel_loop3A_379 = tpu.vector_load %arg18[%parallel_loop3A_377, %parallel_loop3A_378] {strides = array<i32>} : memref<16x640xf32, #tpu.memory_space<vmem>>, vector<16xf32>,
      %parallel_loop3A_380 = arith.maximumf %parallel_loop3A_373, %parallel_loop3A_379 : vector<16xf32>
      %parallel_loop3A_381 = arith.constant 16 : i32
      %parallel_loop3A_382 = arith.muli %parallel_loop3A_367, %parallel_loop3A_381 : i32
      %parallel_loop3A_383 = arith.constant 2 : i32
      %parallel_loop3A_384 = arith.index_cast %parallel_loop3A_383 : i32 to index
      %parallel_loop3A_385 = arith.index_cast %parallel_loop3A_382 : i32 to index
      %parallel_loop3A_386 = tpu.vector_load %arg18[%parallel_loop3A_384, %parallel_loop3A_385] {strides = array<i32>} : memref<16x640xf32, #tpu.memory_space<vmem>>, vector<16xf32>,
      %parallel_loop3A_387 = arith.maximumf %parallel_loop3A_380, %parallel_loop3A_386 : vector<16xf32>
      %parallel_loop3A_388 = arith.constant 16 : i32
      %parallel_loop3A_389 = arith.muli %parallel_loop3A_367, %parallel_loop3A_388 : i32
      %parallel_loop3A_390 = arith.constant 3 : i32
      %parallel_loop3A_391 = arith.index_cast %parallel_loop3A_390 : i32 to index
      %parallel_loop3A_392 = arith.index_cast %parallel_loop3A_389 : i32 to index
      %parallel_loop3A_393 = tpu.vector_load %arg18[%parallel_loop3A_391, %parallel_loop3A_392] {strides = array<i32>} : memref<16x640xf32, #tpu.memory_space<vmem>>, vector<16xf32>,
      %parallel_loop3A_394 = arith.maximumf %parallel_loop3A_387, %parallel_loop3A_393 : vector<16xf32>
      %parallel_loop3A_395 = arith.constant 16 : i32
      %parallel_loop3A_396 = arith.muli %parallel_loop3A_367, %parallel_loop3A_395 : i32
      %parallel_loop3A_397 = arith.constant 4 : i32
      %parallel_loop3A_398 = arith.index_cast %parallel_loop3A_397 : i32 to index
      %parallel_loop3A_399 = arith.index_cast %parallel_loop3A_396 : i32 to index
      %parallel_loop3A_400 = tpu.vector_load %arg18[%parallel_loop3A_398, %parallel_loop3A_399] {strides = array<i32>} : memref<16x640xf32, #tpu.memory_space<vmem>>, vector<16xf32>,
      %parallel_loop3A_401 = arith.maximumf %parallel_loop3A_394, %parallel_loop3A_400 : vector<16xf32>
      %parallel_loop3A_402 = arith.constant 16 : i32
      %parallel_loop3A_403 = arith.muli %parallel_loop3A_367, %parallel_loop3A_402 : i32
      %parallel_loop3A_404 = arith.constant 5 : i32
      %parallel_loop3A_405 = arith.index_cast %parallel_loop3A_404 : i32 to index
      %parallel_loop3A_406 = arith.index_cast %parallel_loop3A_403 : i32 to index
      %parallel_loop3A_407 = tpu.vector_load %arg18[%parallel_loop3A_405, %parallel_loop3A_406] {strides = array<i32>} : memref<16x640xf32, #tpu.memory_space<vmem>>, vector<16xf32>,
      %parallel_loop3A_408 = arith.maximumf %parallel_loop3A_401, %parallel_loop3A_407 : vector<16xf32>
      %parallel_loop3A_409 = arith.constant 16 : i32
      %parallel_loop3A_410 = arith.muli %parallel_loop3A_367, %parallel_loop3A_409 : i32
      %parallel_loop3A_411 = arith.constant 6 : i32
      %parallel_loop3A_412 = arith.index_cast %parallel_loop3A_411 : i32 to index
      %parallel_loop3A_413 = arith.index_cast %parallel_loop3A_410 : i32 to index
      %parallel_loop3A_414 = tpu.vector_load %arg18[%parallel_loop3A_412, %parallel_loop3A_413] {strides = array<i32>} : memref<16x640xf32, #tpu.memory_space<vmem>>, vector<16xf32>,
      %parallel_loop3A_415 = arith.maximumf %parallel_loop3A_408, %parallel_loop3A_414 : vector<16xf32>
      %parallel_loop3A_416 = arith.constant 16 : i32
      %parallel_loop3A_417 = arith.muli %parallel_loop3A_367, %parallel_loop3A_416 : i32
      %parallel_loop3A_418 = arith.constant 7 : i32
      %parallel_loop3A_419 = arith.index_cast %parallel_loop3A_418 : i32 to index
      %parallel_loop3A_420 = arith.index_cast %parallel_loop3A_417 : i32 to index
      %parallel_loop3A_421 = tpu.vector_load %arg18[%parallel_loop3A_419, %parallel_loop3A_420] {strides = array<i32>} : memref<16x640xf32, #tpu.memory_space<vmem>>, vector<16xf32>,
      %parallel_loop3A_422 = arith.maximumf %parallel_loop3A_415, %parallel_loop3A_421 : vector<16xf32>
      %parallel_loop3A_423 = arith.constant 16 : i32
      %parallel_loop3A_424 = arith.muli %parallel_loop3A_367, %parallel_loop3A_423 : i32
      %parallel_loop3A_425 = arith.constant 8 : i32
      %parallel_loop3A_426 = arith.index_cast %parallel_loop3A_425 : i32 to index
      %parallel_loop3A_427 = arith.index_cast %parallel_loop3A_424 : i32 to index
      %parallel_loop3A_428 = tpu.vector_load %arg18[%parallel_loop3A_426, %parallel_loop3A_427] {strides = array<i32>} : memref<16x640xf32, #tpu.memory_space<vmem>>, vector<16xf32>,
      %parallel_loop3A_429 = arith.maximumf %parallel_loop3A_422, %parallel_loop3A_428 : vector<16xf32>
      %parallel_loop3A_430 = arith.constant 16 : i32
      %parallel_loop3A_431 = arith.muli %parallel_loop3A_367, %parallel_loop3A_430 : i32
      %parallel_loop3A_432 = arith.constant 9 : i32
      %parallel_loop3A_433 = arith.index_cast %parallel_loop3A_432 : i32 to index
      %parallel_loop3A_434 = arith.index_cast %parallel_loop3A_431 : i32 to index
      %parallel_loop3A_435 = tpu.vector_load %arg18[%parallel_loop3A_433, %parallel_loop3A_434] {strides = array<i32>} : memref<16x640xf32, #tpu.memory_space<vmem>>, vector<16xf32>,
      %parallel_loop3A_436 = arith.maximumf %parallel_loop3A_429, %parallel_loop3A_435 : vector<16xf32>
      %parallel_loop3A_437 = arith.constant 16 : i32
      %parallel_loop3A_438 = arith.muli %parallel_loop3A_367, %parallel_loop3A_437 : i32
      %parallel_loop3A_439 = arith.constant 10 : i32
      %parallel_loop3A_440 = arith.index_cast %parallel_loop3A_439 : i32 to index
      %parallel_loop3A_441 = arith.index_cast %parallel_loop3A_438 : i32 to index
      %parallel_loop3A_442 = tpu.vector_load %arg18[%parallel_loop3A_440, %parallel_loop3A_441] {strides = array<i32>} : memref<16x640xf32, #tpu.memory_space<vmem>>, vector<16xf32>,
      %parallel_loop3A_443 = arith.maximumf %parallel_loop3A_436, %parallel_loop3A_442 : vector<16xf32>
      %parallel_loop3A_444 = arith.constant 16 : i32
      %parallel_loop3A_445 = arith.muli %parallel_loop3A_367, %parallel_loop3A_444 : i32
      %parallel_loop3A_446 = arith.constant 11 : i32
      %parallel_loop3A_447 = arith.index_cast %parallel_loop3A_446 : i32 to index
      %parallel_loop3A_448 = arith.index_cast %parallel_loop3A_445 : i32 to index
      %parallel_loop3A_449 = tpu.vector_load %arg18[%parallel_loop3A_447, %parallel_loop3A_448] {strides = array<i32>} : memref<16x640xf32, #tpu.memory_space<vmem>>, vector<16xf32>,
      %parallel_loop3A_450 = arith.maximumf %parallel_loop3A_443, %parallel_loop3A_449 : vector<16xf32>
      %parallel_loop3A_451 = arith.constant 16 : i32
      %parallel_loop3A_452 = arith.muli %parallel_loop3A_367, %parallel_loop3A_451 : i32
      %parallel_loop3A_453 = arith.constant 12 : i32
      %parallel_loop3A_454 = arith.index_cast %parallel_loop3A_453 : i32 to index
      %parallel_loop3A_455 = arith.index_cast %parallel_loop3A_452 : i32 to index
      %parallel_loop3A_456 = tpu.vector_load %arg18[%parallel_loop3A_454, %parallel_loop3A_455] {strides = array<i32>} : memref<16x640xf32, #tpu.memory_space<vmem>>, vector<16xf32>,
      %parallel_loop3A_457 = arith.maximumf %parallel_loop3A_450, %parallel_loop3A_456 : vector<16xf32>
      %parallel_loop3A_458 = arith.constant 16 : i32
      %parallel_loop3A_459 = arith.muli %parallel_loop3A_367, %parallel_loop3A_458 : i32
      %parallel_loop3A_460 = arith.constant 13 : i32
      %parallel_loop3A_461 = arith.index_cast %parallel_loop3A_460 : i32 to index
      %parallel_loop3A_462 = arith.index_cast %parallel_loop3A_459 : i32 to index
      %parallel_loop3A_463 = tpu.vector_load %arg18[%parallel_loop3A_461, %parallel_loop3A_462] {strides = array<i32>} : memref<16x640xf32, #tpu.memory_space<vmem>>, vector<16xf32>,
      %parallel_loop3A_464 = arith.maximumf %parallel_loop3A_457, %parallel_loop3A_463 : vector<16xf32>
      %parallel_loop3A_465 = arith.constant 16 : i32
      %parallel_loop3A_466 = arith.muli %parallel_loop3A_367, %parallel_loop3A_465 : i32
      %parallel_loop3A_467 = arith.constant 14 : i32
      %parallel_loop3A_468 = arith.index_cast %parallel_loop3A_467 : i32 to index
      %parallel_loop3A_469 = arith.index_cast %parallel_loop3A_466 : i32 to index
      %parallel_loop3A_470 = tpu.vector_load %arg18[%parallel_loop3A_468, %parallel_loop3A_469] {strides = array<i32>} : memref<16x640xf32, #tpu.memory_space<vmem>>, vector<16xf32>,
      %parallel_loop3A_471 = arith.maximumf %parallel_loop3A_464, %parallel_loop3A_470 : vector<16xf32>
      %parallel_loop3A_472 = arith.constant 16 : i32
      %parallel_loop3A_473 = arith.muli %parallel_loop3A_367, %parallel_loop3A_472 : i32
      %parallel_loop3A_474 = arith.constant 15 : i32
      %parallel_loop3A_475 = arith.index_cast %parallel_loop3A_474 : i32 to index
      %parallel_loop3A_476 = arith.index_cast %parallel_loop3A_473 : i32 to index
      %parallel_loop3A_477 = tpu.vector_load %arg18[%parallel_loop3A_475, %parallel_loop3A_476] {strides = array<i32>} : memref<16x640xf32, #tpu.memory_space<vmem>>, vector<16xf32>,
      %parallel_loop3A_478 = arith.maximumf %parallel_loop3A_471, %parallel_loop3A_477 : vector<16xf32>
      %parallel_loop3A_479 = arith.constant 16 : i32
      %parallel_loop3A_480 = arith.muli %parallel_loop3A_367, %parallel_loop3A_479 : i32
      %parallel_loop3A_481 = arith.index_cast %parallel_loop3A_480 : i32 to index
      %parallel_loop3A_482 = tpu.vector_load %arg20[%parallel_loop3A_481] {strides = array<i32>} : memref<640xf32, #tpu.memory_space<vmem>>, vector<16xf32>,
      %parallel_loop3A_483 = vector.broadcast %parallel_loop3A_284 : f32 to vector<16xf32>
      %parallel_loop3A_484 = arith.mulf %parallel_loop3A_483, %parallel_loop3A_478 : vector<16xf32>
      %parallel_loop3A_485 = arith.maximumf %parallel_loop3A_482, %parallel_loop3A_484 : vector<16xf32>
      %parallel_loop3A_486 = arith.constant 16 : i32
      %parallel_loop3A_487 = arith.muli %parallel_loop3A_367, %parallel_loop3A_486 : i32
      %parallel_loop3A_488 = arith.index_cast %parallel_loop3A_487 : i32 to index
      %parallel_loop3A_489 = tpu.vector_load %arg20[%parallel_loop3A_488] {strides = array<i32>} : memref<640xf32, #tpu.memory_space<vmem>>, vector<16xf32>,
      tpu.vector_store %arg20[%parallel_loop3A_488], %parallel_loop3A_485 {strides = array<i32>} : memref<640xf32, #tpu.memory_space<vmem>>, vector<16xf32>,
      %parallel_loop3A_490 = arith.constant 16 : i32
      %parallel_loop3A_491 = arith.muli %parallel_loop3A_367, %parallel_loop3A_490 : i32
      %parallel_loop3A_492 = arith.index_cast %parallel_loop3A_491 : i32 to index
      %parallel_loop3A_493 = tpu.vector_load %arg24[%parallel_loop3A_492] {strides = array<i32>} : memref<640xf32, #tpu.memory_space<vmem>>, vector<16xf32>,
      tpu.vector_store %arg24[%parallel_loop3A_492], %parallel_loop3A_478 {strides = array<i32>} : memref<640xf32, #tpu.memory_space<vmem>>, vector<16xf32>,
    } {sc.loop_unroll_factor = 4 : i64, sc.parallel_access}
    %barrier3A_285 = arith.constant 0 : index
    tpu.barrier barrier_id(%barrier3A_285)
    "tpu.region"() ({
      %run_scoped3A = tpu.sem_alloc : memref<!tpu.dma_semaphore, #tpu.memory_space<semaphore_mem>>
      %dma_start3A = tpu.memref_slice %arg30[%mul3A_0] : memref<10240xf32, #tpu.memory_space<vmem_shared>> -> memref<640xf32, #tpu.memory_space<vmem_shared>>
      %dma_start3A_367 = tpu.memref_slice %arg30[%mul3A_0] : memref<10240xf32, #tpu.memory_space<vmem_shared>> -> memref<640xf32, #tpu.memory_space<vmem_shared>>
      tpu.enqueue_dma source(%arg24 : memref<640xf32, #tpu.memory_space<vmem>>) target(%dma_start3A_367 : memref<640xf32, #tpu.memory_space<vmem_shared>>) target_semaphore(%run_scoped3A : memref<!tpu.dma_semaphore, #tpu.memory_space<semaphore_mem>>)
      %dma_wait3A = tpu.memref_slice %arg30[%mul3A_0] : memref<10240xf32, #tpu.memory_space<vmem_shared>> -> memref<640xf32, #tpu.memory_space<vmem_shared>>
      %dma_wait3A_368 = tpu.memref_slice %arg30[%mul3A_0] : memref<10240xf32, #tpu.memory_space<vmem_shared>> -> memref<640xf32, #tpu.memory_space<vmem_shared>>
      tpu.wait_dma2 semaphore(%run_scoped3A : memref<!tpu.dma_semaphore, #tpu.memory_space<semaphore_mem>>) src(%arg24 : memref<640xf32, #tpu.memory_space<vmem>>) dst(%dma_wait3A_368 : memref<640xf32, #tpu.memory_space<vmem_shared>>)
      tpu.yield
    }) : () -> ()
    %barrier3A_286 = arith.constant 0 : index
    tpu.barrier barrier_id(%barrier3A_286)
    "tpu.region"() ({
      %run_scoped3A = tpu.sem_alloc : memref<!tpu.dma_semaphore, #tpu.memory_space<semaphore_mem>>
      tpu.enqueue_dma source(%arg30 : memref<10240xf32, #tpu.memory_space<vmem_shared>>) target(%arg16 : memref<10240xf32, #tpu.memory_space<vmem>>) target_semaphore(%run_scoped3A : memref<!tpu.dma_semaphore, #tpu.memory_space<semaphore_mem>>)
      tpu.wait_dma2 semaphore(%run_scoped3A : memref<!tpu.dma_semaphore, #tpu.memory_space<semaphore_mem>>) src(%arg30 : memref<10240xf32, #tpu.memory_space<vmem_shared>>) dst(%arg16 : memref<10240xf32, #tpu.memory_space<vmem>>)
      tpu.yield
    }) : () -> ()
    %barrier3A_287 = arith.constant 0 : index
    tpu.barrier barrier_id(%barrier3A_287)
    %parallel_loop3A_288 = arith.constant 0 : i32
    %parallel_loop3A_289 = arith.constant 640 : i32
    %parallel_loop3A_290 = arith.constant 1 : i32
    scf.for %parallel_loop3A_367 = %parallel_loop3A_288 to %parallel_loop3A_289 step %parallel_loop3A_290  : i32 {
      %parallel_loop3A_368 = arith.constant 16 : i32
      %parallel_loop3A_369 = arith.muli %parallel_loop3A_367, %parallel_loop3A_368 : i32
      %parallel_loop3A_370 = arith.index_cast %parallel_loop3A_369 : i32 to index
      %parallel_loop3A_371 = tpu.vector_load %arg17[%parallel_loop3A_370] {strides = array<i32>} : memref<10240xf32, #tpu.memory_space<vmem>>, vector<16xf32>,
      tpu.vector_store %arg17[%parallel_loop3A_370], %broadcast_in_dim3A_1 {strides = array<i32>} : memref<10240xf32, #tpu.memory_space<vmem>>, vector<16xf32>,
    } {sc.loop_unroll_factor = 8 : i64, sc.parallel_access}
    %parallel_loop3A_291 = arith.constant 0 : i32
    %parallel_loop3A_292 = arith.constant 1250 : i32
    %parallel_loop3A_293 = arith.constant 1 : i32
    scf.for %parallel_loop3A_367 = %parallel_loop3A_291 to %parallel_loop3A_292 step %parallel_loop3A_293  : i32 {
      %parallel_loop3A_368 = arith.index_cast %parallel_loop3A_367 : i32 to index
      %parallel_loop3A_369 = arith.constant 0 : index
      %parallel_loop3A_370 = tpu.vector_load %arg12[%parallel_loop3A_368, %parallel_loop3A_369] {strides = array<i32>} : memref<1250x16xi32, #tpu.memory_space<vmem>>, vector<16xi32>,
      %parallel_loop3A_371 = tpu.vector_load_idx %arg16[%parallel_loop3A_370] : memref<10240xf32, #tpu.memory_space<vmem>>[vector<16xi32>], vector<16xf32>,
      %parallel_loop3A_372 = arith.index_cast %parallel_loop3A_367 : i32 to index
      %parallel_loop3A_373 = arith.constant 0 : index
      %parallel_loop3A_374 = tpu.vector_load %arg14[%parallel_loop3A_372, %parallel_loop3A_373] {strides = array<i32>} : memref<1250x16xf32, #tpu.memory_space<vmem>>, vector<16xf32>,
      tpu.vector_store %arg14[%parallel_loop3A_372, %parallel_loop3A_373], %parallel_loop3A_371 {strides = array<i32>} : memref<1250x16xf32, #tpu.memory_space<vmem>>, vector<16xf32>,
    } {sc.loop_unroll_factor = 4 : i64, sc.parallel_access}
    %scan3A_294 = arith.constant 0 : i32
    %scan3A_295 = arith.constant 0 : i32
    %scan3A_296 = arith.constant 625 : i32
    %scan3A_297 = arith.addi %scan3A_295, %scan3A_296 : i32
    %scan3A_298 = arith.constant 1 : i32
    %scan3A_299 = scf.for %scan3A_367 = %scan3A_295 to %scan3A_297 step %scan3A_298 iter_args(%scan3A_368 = %scan3A_294) -> (i32)  : i32 {
      %mul3A_369 = arith.constant 2 : i32
      %mul3A_370 = arith.muli %scan3A_367, %mul3A_369 : i32
      %add3A_371 = arith.constant 0 : i32
      %add3A_372 = arith.addi %mul3A_370, %add3A_371 : i32
      %get3A_373 = arith.index_cast %add3A_372 : i32 to index
      %get3A_374 = arith.constant 0 : index
      %get3A_375 = tpu.vector_load %arg13[%get3A_373, %get3A_374] {strides = array<i32>} : memref<1250x16xi32, #tpu.memory_space<vmem>>, vector<16xi32>,
      %mul3A_376 = arith.constant 2 : i32
      %mul3A_377 = arith.muli %scan3A_367, %mul3A_376 : i32
      %add3A_378 = arith.constant 0 : i32
      %add3A_379 = arith.addi %mul3A_377, %add3A_378 : i32
      %get3A_380 = arith.index_cast %add3A_379 : i32 to index
      %get3A_381 = arith.constant 0 : index
      %get3A_382 = tpu.vector_load %arg14[%get3A_380, %get3A_381] {strides = array<i32>} : memref<1250x16xf32, #tpu.memory_space<vmem>>, vector<16xf32>,
      %gather3A = tpu.vector_load_idx %arg17[%get3A_375] : memref<10240xf32, #tpu.memory_space<vmem>>[vector<16xi32>], vector<16xf32>,
      %max3A_383 = arith.maximumf %gather3A, %get3A_382 : vector<16xf32>
      tpu.vector_store_idx %arg17[%get3A_375], %max3A_383 : memref<10240xf32, #tpu.memory_space<vmem>>[vector<16xi32>], vector<16xf32>,
      %gather3A_384 = tpu.vector_load_idx %arg17[%get3A_375] : memref<10240xf32, #tpu.memory_space<vmem>>[vector<16xi32>], vector<16xf32>,
      %lt3A = arith.cmpf olt, %gather3A_384, %max3A_383 : vector<16xf32>
      %while3A = scf.while (%while3A_405 = %lt3A) : (vector<16xi1>) -> vector<16xi1> {
        %all_reduce_population_count3A = tpu.all_reduce %while3A_405 {dim = 0 : i64, kind = #tpu.reduction_kind<sum>} : vector<16xi1> -> vector<16xi32>
        %slice3A_406 = vector.extract_strided_slice %all_reduce_population_count3A {offsets = [0], sizes = [1], strides = [1]} : vector<16xi32> to vector<1xi32>
        %squeeze3A_407 = vector.extract %slice3A_406[0] : i32 from vector<1xi32>
        %gt3A = arith.constant 0 : i32
        %gt3A_408 = arith.cmpi sgt, %squeeze3A_407, %gt3A : i32
        scf.condition(%gt3A_408) %while3A_405 : vector<16xi1>
      } do {
      ^bb0(%while3A_405: vector<16xi1>):
        tpu.vector_store_idx %arg17[%get3A_375], %max3A_383 masked %while3A_405 : memref<10240xf32, #tpu.memory_space<vmem>>[vector<16xi32>], vector<16xf32>, vector<16xi1>
        %gather3A_406 = tpu.vector_load_idx %arg17[%get3A_375] : memref<10240xf32, #tpu.memory_space<vmem>>[vector<16xi32>], vector<16xf32>,
        %lt3A_407 = arith.cmpf olt, %gather3A_406, %max3A_383 : vector<16xf32>
        scf.yield %lt3A_407 : vector<16xi1>
      }
      %mul3A_385 = arith.constant 2 : i32
      %mul3A_386 = arith.muli %scan3A_367, %mul3A_385 : i32
      %add3A_387 = arith.constant 1 : i32
      %add3A_388 = arith.addi %mul3A_386, %add3A_387 : i32
      %get3A_389 = arith.index_cast %add3A_388 : i32 to index
      %get3A_390 = arith.constant 0 : index
      %get3A_391 = tpu.vector_load %arg13[%get3A_389, %get3A_390] {strides = array<i32>} : memref<1250x16xi32, #tpu.memory_space<vmem>>, vector<16xi32>,
      %mul3A_392 = arith.constant 2 : i32
      %mul3A_393 = arith.muli %scan3A_367, %mul3A_392 : i32
      %add3A_394 = arith.constant 1 : i32
      %add3A_395 = arith.addi %mul3A_393, %add3A_394 : i32
      %get3A_396 = arith.index_cast %add3A_395 : i32 to index
      %get3A_397 = arith.constant 0 : index
      %get3A_398 = tpu.vector_load %arg14[%get3A_396, %get3A_397] {strides = array<i32>} : memref<1250x16xf32, #tpu.memory_space<vmem>>, vector<16xf32>,
      %gather3A_399 = tpu.vector_load_idx %arg17[%get3A_391] : memref<10240xf32, #tpu.memory_space<vmem>>[vector<16xi32>], vector<16xf32>,
      %max3A_400 = arith.maximumf %gather3A_399, %get3A_398 : vector<16xf32>
      tpu.vector_store_idx %arg17[%get3A_391], %max3A_400 : memref<10240xf32, #tpu.memory_space<vmem>>[vector<16xi32>], vector<16xf32>,
      %gather3A_401 = tpu.vector_load_idx %arg17[%get3A_391] : memref<10240xf32, #tpu.memory_space<vmem>>[vector<16xi32>], vector<16xf32>,
      %lt3A_402 = arith.cmpf olt, %gather3A_401, %max3A_400 : vector<16xf32>
      %while3A_403 = scf.while (%while3A_405 = %lt3A_402) : (vector<16xi1>) -> vector<16xi1> {
        %all_reduce_population_count3A = tpu.all_reduce %while3A_405 {dim = 0 : i64, kind = #tpu.reduction_kind<sum>} : vector<16xi1> -> vector<16xi32>
        %slice3A_406 = vector.extract_strided_slice %all_reduce_population_count3A {offsets = [0], sizes = [1], strides = [1]} : vector<16xi32> to vector<1xi32>
        %squeeze3A_407 = vector.extract %slice3A_406[0] : i32 from vector<1xi32>
        %gt3A = arith.constant 0 : i32
        %gt3A_408 = arith.cmpi sgt, %squeeze3A_407, %gt3A : i32
        scf.condition(%gt3A_408) %while3A_405 : vector<16xi1>
      } do {
      ^bb0(%while3A_405: vector<16xi1>):
        tpu.vector_store_idx %arg17[%get3A_391], %max3A_400 masked %while3A_405 : memref<10240xf32, #tpu.memory_space<vmem>>[vector<16xi32>], vector<16xf32>, vector<16xi1>
        %gather3A_406 = tpu.vector_load_idx %arg17[%get3A_391] : memref<10240xf32, #tpu.memory_space<vmem>>[vector<16xi32>], vector<16xf32>,
        %lt3A_407 = arith.cmpf olt, %gather3A_406, %max3A_400 : vector<16xf32>
        scf.yield %lt3A_407 : vector<16xi1>
      }
      %scan3A_404 = arith.constant 0 : i32
      scf.yield %scan3A_404 : i32
    }
    %scan3A_300 = arith.constant 625 : i32
    "tpu.region"() ({
      %run_scoped3A = tpu.sem_alloc : memref<!tpu.dma_semaphore, #tpu.memory_space<semaphore_mem>>
      %dma_start3A = arith.constant 0 : i32
      %dma_start3A_367 = tpu.memref_slice %arg29[%arg1, %dma_start3A] : memref<16x10240xf32, #tpu.memory_space<vmem_shared>> -> memref<1x10240xf32, #tpu.memory_space<vmem_shared>>
      %dma_start3A_368 = tpu.memref_squeeze %dma_start3A_367 : memref<1x10240xf32, #tpu.memory_space<vmem_shared>> -> memref<10240xf32, #tpu.memory_space<vmem_shared>>
      %dma_start3A_369 = arith.constant 0 : i32
      %dma_start3A_370 = tpu.memref_slice %arg29[%arg1, %dma_start3A_369] : memref<16x10240xf32, #tpu.memory_space<vmem_shared>> -> memref<1x10240xf32, #tpu.memory_space<vmem_shared>>
      %dma_start3A_371 = tpu.memref_squeeze %dma_start3A_370 : memref<1x10240xf32, #tpu.memory_space<vmem_shared>> -> memref<10240xf32, #tpu.memory_space<vmem_shared>>
      tpu.enqueue_dma source(%arg17 : memref<10240xf32, #tpu.memory_space<vmem>>) target(%dma_start3A_371 : memref<10240xf32, #tpu.memory_space<vmem_shared>>) target_semaphore(%run_scoped3A : memref<!tpu.dma_semaphore, #tpu.memory_space<semaphore_mem>>)
      %dma_wait3A = arith.constant 0 : i32
      %dma_wait3A_372 = tpu.memref_slice %arg29[%arg1, %dma_wait3A] : memref<16x10240xf32, #tpu.memory_space<vmem_shared>> -> memref<1x10240xf32, #tpu.memory_space<vmem_shared>>
      %dma_wait3A_373 = tpu.memref_squeeze %dma_wait3A_372 : memref<1x10240xf32, #tpu.memory_space<vmem_shared>> -> memref<10240xf32, #tpu.memory_space<vmem_shared>>
      %dma_wait3A_374 = arith.constant 0 : i32
      %dma_wait3A_375 = tpu.memref_slice %arg29[%arg1, %dma_wait3A_374] : memref<16x10240xf32, #tpu.memory_space<vmem_shared>> -> memref<1x10240xf32, #tpu.memory_space<vmem_shared>>
      %dma_wait3A_376 = tpu.memref_squeeze %dma_wait3A_375 : memref<1x10240xf32, #tpu.memory_space<vmem_shared>> -> memref<10240xf32, #tpu.memory_space<vmem_shared>>
      tpu.wait_dma2 semaphore(%run_scoped3A : memref<!tpu.dma_semaphore, #tpu.memory_space<semaphore_mem>>) src(%arg17 : memref<10240xf32, #tpu.memory_space<vmem>>) dst(%dma_wait3A_376 : memref<10240xf32, #tpu.memory_space<vmem_shared>>)
      tpu.yield
    }) : () -> ()
    %barrier3A_301 = arith.constant 0 : index
    tpu.barrier barrier_id(%barrier3A_301)
    "tpu.region"() ({
      %run_scoped3A = tpu.sem_alloc : memref<!tpu.dma_semaphore, #tpu.memory_space<semaphore_mem>>
      %dma_start3A = arith.constant 0 : i32
      %dma_start3A_367 = tpu.memref_slice %arg29[%dma_start3A, %mul3A_0] : memref<16x10240xf32, #tpu.memory_space<vmem_shared>> -> memref<16x640xf32, #tpu.memory_space<vmem_shared>>
      %dma_start3A_368 = arith.constant 0 : i32
      %dma_start3A_369 = tpu.memref_slice %arg29[%dma_start3A_368, %mul3A_0] : memref<16x10240xf32, #tpu.memory_space<vmem_shared>> -> memref<16x640xf32, #tpu.memory_space<vmem_shared>>
      tpu.enqueue_dma source(%dma_start3A_369 : memref<16x640xf32, #tpu.memory_space<vmem_shared>>) target(%arg18 : memref<16x640xf32, #tpu.memory_space<vmem>>) target_semaphore(%run_scoped3A : memref<!tpu.dma_semaphore, #tpu.memory_space<semaphore_mem>>)
      %dma_wait3A = arith.constant 0 : i32
      %dma_wait3A_370 = tpu.memref_slice %arg29[%dma_wait3A, %mul3A_0] : memref<16x10240xf32, #tpu.memory_space<vmem_shared>> -> memref<16x640xf32, #tpu.memory_space<vmem_shared>>
      %dma_wait3A_371 = arith.constant 0 : i32
      %dma_wait3A_372 = tpu.memref_slice %arg29[%dma_wait3A_371, %mul3A_0] : memref<16x10240xf32, #tpu.memory_space<vmem_shared>> -> memref<16x640xf32, #tpu.memory_space<vmem_shared>>
      tpu.wait_dma2 semaphore(%run_scoped3A : memref<!tpu.dma_semaphore, #tpu.memory_space<semaphore_mem>>) src(%dma_wait3A_372 : memref<16x640xf32, #tpu.memory_space<vmem_shared>>) dst(%arg18 : memref<16x640xf32, #tpu.memory_space<vmem>>)
      tpu.yield
    }) : () -> ()
    %parallel_loop3A_302 = arith.constant 0 : i32
    %parallel_loop3A_303 = arith.constant 40 : i32
    %parallel_loop3A_304 = arith.constant 1 : i32
    %parallel_loop3A_305 = arith.constant 2.500000e-01 : f32
    scf.for %parallel_loop3A_367 = %parallel_loop3A_302 to %parallel_loop3A_303 step %parallel_loop3A_304  : i32 {
      %parallel_loop3A_368 = arith.constant 16 : i32
      %parallel_loop3A_369 = arith.muli %parallel_loop3A_367, %parallel_loop3A_368 : i32
      %parallel_loop3A_370 = arith.constant 0 : i32
      %parallel_loop3A_371 = arith.index_cast %parallel_loop3A_370 : i32 to index
      %parallel_loop3A_372 = arith.index_cast %parallel_loop3A_369 : i32 to index
      %parallel_loop3A_373 = tpu.vector_load %arg18[%parallel_loop3A_371, %parallel_loop3A_372] {strides = array<i32>} : memref<16x640xf32, #tpu.memory_space<vmem>>, vector<16xf32>,
      %parallel_loop3A_374 = arith.constant 16 : i32
      %parallel_loop3A_375 = arith.muli %parallel_loop3A_367, %parallel_loop3A_374 : i32
      %parallel_loop3A_376 = arith.constant 1 : i32
      %parallel_loop3A_377 = arith.index_cast %parallel_loop3A_376 : i32 to index
      %parallel_loop3A_378 = arith.index_cast %parallel_loop3A_375 : i32 to index
      %parallel_loop3A_379 = tpu.vector_load %arg18[%parallel_loop3A_377, %parallel_loop3A_378] {strides = array<i32>} : memref<16x640xf32, #tpu.memory_space<vmem>>, vector<16xf32>,
      %parallel_loop3A_380 = arith.maximumf %parallel_loop3A_373, %parallel_loop3A_379 : vector<16xf32>
      %parallel_loop3A_381 = arith.constant 16 : i32
      %parallel_loop3A_382 = arith.muli %parallel_loop3A_367, %parallel_loop3A_381 : i32
      %parallel_loop3A_383 = arith.constant 2 : i32
      %parallel_loop3A_384 = arith.index_cast %parallel_loop3A_383 : i32 to index
      %parallel_loop3A_385 = arith.index_cast %parallel_loop3A_382 : i32 to index
      %parallel_loop3A_386 = tpu.vector_load %arg18[%parallel_loop3A_384, %parallel_loop3A_385] {strides = array<i32>} : memref<16x640xf32, #tpu.memory_space<vmem>>, vector<16xf32>,
      %parallel_loop3A_387 = arith.maximumf %parallel_loop3A_380, %parallel_loop3A_386 : vector<16xf32>
      %parallel_loop3A_388 = arith.constant 16 : i32
      %parallel_loop3A_389 = arith.muli %parallel_loop3A_367, %parallel_loop3A_388 : i32
      %parallel_loop3A_390 = arith.constant 3 : i32
      %parallel_loop3A_391 = arith.index_cast %parallel_loop3A_390 : i32 to index
      %parallel_loop3A_392 = arith.index_cast %parallel_loop3A_389 : i32 to index
      %parallel_loop3A_393 = tpu.vector_load %arg18[%parallel_loop3A_391, %parallel_loop3A_392] {strides = array<i32>} : memref<16x640xf32, #tpu.memory_space<vmem>>, vector<16xf32>,
      %parallel_loop3A_394 = arith.maximumf %parallel_loop3A_387, %parallel_loop3A_393 : vector<16xf32>
      %parallel_loop3A_395 = arith.constant 16 : i32
      %parallel_loop3A_396 = arith.muli %parallel_loop3A_367, %parallel_loop3A_395 : i32
      %parallel_loop3A_397 = arith.constant 4 : i32
      %parallel_loop3A_398 = arith.index_cast %parallel_loop3A_397 : i32 to index
      %parallel_loop3A_399 = arith.index_cast %parallel_loop3A_396 : i32 to index
      %parallel_loop3A_400 = tpu.vector_load %arg18[%parallel_loop3A_398, %parallel_loop3A_399] {strides = array<i32>} : memref<16x640xf32, #tpu.memory_space<vmem>>, vector<16xf32>,
      %parallel_loop3A_401 = arith.maximumf %parallel_loop3A_394, %parallel_loop3A_400 : vector<16xf32>
      %parallel_loop3A_402 = arith.constant 16 : i32
      %parallel_loop3A_403 = arith.muli %parallel_loop3A_367, %parallel_loop3A_402 : i32
      %parallel_loop3A_404 = arith.constant 5 : i32
      %parallel_loop3A_405 = arith.index_cast %parallel_loop3A_404 : i32 to index
      %parallel_loop3A_406 = arith.index_cast %parallel_loop3A_403 : i32 to index
      %parallel_loop3A_407 = tpu.vector_load %arg18[%parallel_loop3A_405, %parallel_loop3A_406] {strides = array<i32>} : memref<16x640xf32, #tpu.memory_space<vmem>>, vector<16xf32>,
      %parallel_loop3A_408 = arith.maximumf %parallel_loop3A_401, %parallel_loop3A_407 : vector<16xf32>
      %parallel_loop3A_409 = arith.constant 16 : i32
      %parallel_loop3A_410 = arith.muli %parallel_loop3A_367, %parallel_loop3A_409 : i32
      %parallel_loop3A_411 = arith.constant 6 : i32
      %parallel_loop3A_412 = arith.index_cast %parallel_loop3A_411 : i32 to index
      %parallel_loop3A_413 = arith.index_cast %parallel_loop3A_410 : i32 to index
      %parallel_loop3A_414 = tpu.vector_load %arg18[%parallel_loop3A_412, %parallel_loop3A_413] {strides = array<i32>} : memref<16x640xf32, #tpu.memory_space<vmem>>, vector<16xf32>,
      %parallel_loop3A_415 = arith.maximumf %parallel_loop3A_408, %parallel_loop3A_414 : vector<16xf32>
      %parallel_loop3A_416 = arith.constant 16 : i32
      %parallel_loop3A_417 = arith.muli %parallel_loop3A_367, %parallel_loop3A_416 : i32
      %parallel_loop3A_418 = arith.constant 7 : i32
      %parallel_loop3A_419 = arith.index_cast %parallel_loop3A_418 : i32 to index
      %parallel_loop3A_420 = arith.index_cast %parallel_loop3A_417 : i32 to index
      %parallel_loop3A_421 = tpu.vector_load %arg18[%parallel_loop3A_419, %parallel_loop3A_420] {strides = array<i32>} : memref<16x640xf32, #tpu.memory_space<vmem>>, vector<16xf32>,
      %parallel_loop3A_422 = arith.maximumf %parallel_loop3A_415, %parallel_loop3A_421 : vector<16xf32>
      %parallel_loop3A_423 = arith.constant 16 : i32
      %parallel_loop3A_424 = arith.muli %parallel_loop3A_367, %parallel_loop3A_423 : i32
      %parallel_loop3A_425 = arith.constant 8 : i32
      %parallel_loop3A_426 = arith.index_cast %parallel_loop3A_425 : i32 to index
      %parallel_loop3A_427 = arith.index_cast %parallel_loop3A_424 : i32 to index
      %parallel_loop3A_428 = tpu.vector_load %arg18[%parallel_loop3A_426, %parallel_loop3A_427] {strides = array<i32>} : memref<16x640xf32, #tpu.memory_space<vmem>>, vector<16xf32>,
      %parallel_loop3A_429 = arith.maximumf %parallel_loop3A_422, %parallel_loop3A_428 : vector<16xf32>
      %parallel_loop3A_430 = arith.constant 16 : i32
      %parallel_loop3A_431 = arith.muli %parallel_loop3A_367, %parallel_loop3A_430 : i32
      %parallel_loop3A_432 = arith.constant 9 : i32
      %parallel_loop3A_433 = arith.index_cast %parallel_loop3A_432 : i32 to index
      %parallel_loop3A_434 = arith.index_cast %parallel_loop3A_431 : i32 to index
      %parallel_loop3A_435 = tpu.vector_load %arg18[%parallel_loop3A_433, %parallel_loop3A_434] {strides = array<i32>} : memref<16x640xf32, #tpu.memory_space<vmem>>, vector<16xf32>,
      %parallel_loop3A_436 = arith.maximumf %parallel_loop3A_429, %parallel_loop3A_435 : vector<16xf32>
      %parallel_loop3A_437 = arith.constant 16 : i32
      %parallel_loop3A_438 = arith.muli %parallel_loop3A_367, %parallel_loop3A_437 : i32
      %parallel_loop3A_439 = arith.constant 10 : i32
      %parallel_loop3A_440 = arith.index_cast %parallel_loop3A_439 : i32 to index
      %parallel_loop3A_441 = arith.index_cast %parallel_loop3A_438 : i32 to index
      %parallel_loop3A_442 = tpu.vector_load %arg18[%parallel_loop3A_440, %parallel_loop3A_441] {strides = array<i32>} : memref<16x640xf32, #tpu.memory_space<vmem>>, vector<16xf32>,
      %parallel_loop3A_443 = arith.maximumf %parallel_loop3A_436, %parallel_loop3A_442 : vector<16xf32>
      %parallel_loop3A_444 = arith.constant 16 : i32
      %parallel_loop3A_445 = arith.muli %parallel_loop3A_367, %parallel_loop3A_444 : i32
      %parallel_loop3A_446 = arith.constant 11 : i32
      %parallel_loop3A_447 = arith.index_cast %parallel_loop3A_446 : i32 to index
      %parallel_loop3A_448 = arith.index_cast %parallel_loop3A_445 : i32 to index
      %parallel_loop3A_449 = tpu.vector_load %arg18[%parallel_loop3A_447, %parallel_loop3A_448] {strides = array<i32>} : memref<16x640xf32, #tpu.memory_space<vmem>>, vector<16xf32>,
      %parallel_loop3A_450 = arith.maximumf %parallel_loop3A_443, %parallel_loop3A_449 : vector<16xf32>
      %parallel_loop3A_451 = arith.constant 16 : i32
      %parallel_loop3A_452 = arith.muli %parallel_loop3A_367, %parallel_loop3A_451 : i32
      %parallel_loop3A_453 = arith.constant 12 : i32
      %parallel_loop3A_454 = arith.index_cast %parallel_loop3A_453 : i32 to index
      %parallel_loop3A_455 = arith.index_cast %parallel_loop3A_452 : i32 to index
      %parallel_loop3A_456 = tpu.vector_load %arg18[%parallel_loop3A_454, %parallel_loop3A_455] {strides = array<i32>} : memref<16x640xf32, #tpu.memory_space<vmem>>, vector<16xf32>,
      %parallel_loop3A_457 = arith.maximumf %parallel_loop3A_450, %parallel_loop3A_456 : vector<16xf32>
      %parallel_loop3A_458 = arith.constant 16 : i32
      %parallel_loop3A_459 = arith.muli %parallel_loop3A_367, %parallel_loop3A_458 : i32
      %parallel_loop3A_460 = arith.constant 13 : i32
      %parallel_loop3A_461 = arith.index_cast %parallel_loop3A_460 : i32 to index
      %parallel_loop3A_462 = arith.index_cast %parallel_loop3A_459 : i32 to index
      %parallel_loop3A_463 = tpu.vector_load %arg18[%parallel_loop3A_461, %parallel_loop3A_462] {strides = array<i32>} : memref<16x640xf32, #tpu.memory_space<vmem>>, vector<16xf32>,
      %parallel_loop3A_464 = arith.maximumf %parallel_loop3A_457, %parallel_loop3A_463 : vector<16xf32>
      %parallel_loop3A_465 = arith.constant 16 : i32
      %parallel_loop3A_466 = arith.muli %parallel_loop3A_367, %parallel_loop3A_465 : i32
      %parallel_loop3A_467 = arith.constant 14 : i32
      %parallel_loop3A_468 = arith.index_cast %parallel_loop3A_467 : i32 to index
      %parallel_loop3A_469 = arith.index_cast %parallel_loop3A_466 : i32 to index
      %parallel_loop3A_470 = tpu.vector_load %arg18[%parallel_loop3A_468, %parallel_loop3A_469] {strides = array<i32>} : memref<16x640xf32, #tpu.memory_space<vmem>>, vector<16xf32>,
      %parallel_loop3A_471 = arith.maximumf %parallel_loop3A_464, %parallel_loop3A_470 : vector<16xf32>
      %parallel_loop3A_472 = arith.constant 16 : i32
      %parallel_loop3A_473 = arith.muli %parallel_loop3A_367, %parallel_loop3A_472 : i32
      %parallel_loop3A_474 = arith.constant 15 : i32
      %parallel_loop3A_475 = arith.index_cast %parallel_loop3A_474 : i32 to index
      %parallel_loop3A_476 = arith.index_cast %parallel_loop3A_473 : i32 to index
      %parallel_loop3A_477 = tpu.vector_load %arg18[%parallel_loop3A_475, %parallel_loop3A_476] {strides = array<i32>} : memref<16x640xf32, #tpu.memory_space<vmem>>, vector<16xf32>,
      %parallel_loop3A_478 = arith.maximumf %parallel_loop3A_471, %parallel_loop3A_477 : vector<16xf32>
      %parallel_loop3A_479 = arith.constant 16 : i32
      %parallel_loop3A_480 = arith.muli %parallel_loop3A_367, %parallel_loop3A_479 : i32
      %parallel_loop3A_481 = arith.index_cast %parallel_loop3A_480 : i32 to index
      %parallel_loop3A_482 = tpu.vector_load %arg20[%parallel_loop3A_481] {strides = array<i32>} : memref<640xf32, #tpu.memory_space<vmem>>, vector<16xf32>,
      %parallel_loop3A_483 = vector.broadcast %parallel_loop3A_305 : f32 to vector<16xf32>
      %parallel_loop3A_484 = arith.mulf %parallel_loop3A_483, %parallel_loop3A_478 : vector<16xf32>
      %parallel_loop3A_485 = arith.maximumf %parallel_loop3A_482, %parallel_loop3A_484 : vector<16xf32>
      %parallel_loop3A_486 = arith.constant 16 : i32
      %parallel_loop3A_487 = arith.muli %parallel_loop3A_367, %parallel_loop3A_486 : i32
      %parallel_loop3A_488 = arith.index_cast %parallel_loop3A_487 : i32 to index
      %parallel_loop3A_489 = tpu.vector_load %arg20[%parallel_loop3A_488] {strides = array<i32>} : memref<640xf32, #tpu.memory_space<vmem>>, vector<16xf32>,
      tpu.vector_store %arg20[%parallel_loop3A_488], %parallel_loop3A_485 {strides = array<i32>} : memref<640xf32, #tpu.memory_space<vmem>>, vector<16xf32>,
      %parallel_loop3A_490 = arith.constant 16 : i32
      %parallel_loop3A_491 = arith.muli %parallel_loop3A_367, %parallel_loop3A_490 : i32
      %parallel_loop3A_492 = arith.index_cast %parallel_loop3A_491 : i32 to index
      %parallel_loop3A_493 = tpu.vector_load %arg24[%parallel_loop3A_492] {strides = array<i32>} : memref<640xf32, #tpu.memory_space<vmem>>, vector<16xf32>,
      tpu.vector_store %arg24[%parallel_loop3A_492], %parallel_loop3A_478 {strides = array<i32>} : memref<640xf32, #tpu.memory_space<vmem>>, vector<16xf32>,
    } {sc.loop_unroll_factor = 4 : i64, sc.parallel_access}
    %barrier3A_306 = arith.constant 0 : index
    tpu.barrier barrier_id(%barrier3A_306)
    %scan3A_307 = arith.constant 0 : i32
    %scan3A_308 = arith.constant 40 : i32
    %scan3A_309 = arith.addi %scan3A_307, %scan3A_308 : i32
    %scan3A_310 = arith.constant 1 : i32
    %scan3A_311 = scf.for %scan3A_367 = %scan3A_307 to %scan3A_309 step %scan3A_310 iter_args(%scan3A_368 = %broadcast_in_dim3A_1) -> (vector<16xf32>)  : i32 {
      %mul3A_369 = arith.constant 16 : i32
      %mul3A_370 = arith.muli %scan3A_367, %mul3A_369 : i32
      %get3A_371 = arith.index_cast %mul3A_370 : i32 to index
      %get3A_372 = tpu.vector_load %arg19[%get3A_371] {strides = array<i32>} : memref<640xf32, #tpu.memory_space<vmem>>, vector<16xf32>,
      %mul3A_373 = arith.constant 16 : i32
      %mul3A_374 = arith.muli %scan3A_367, %mul3A_373 : i32
      %get3A_375 = arith.index_cast %mul3A_374 : i32 to index
      %get3A_376 = tpu.vector_load %arg20[%get3A_375] {strides = array<i32>} : memref<640xf32, #tpu.memory_space<vmem>>, vector<16xf32>,
      %mul3A_377 = arith.mulf %get3A_376, %get3A_372 : vector<16xf32>
      %mul3A_378 = arith.mulf %mul3A_377, %get3A_372 : vector<16xf32>
      %add3A_379 = arith.addf %scan3A_368, %mul3A_378 : vector<16xf32>
      scf.yield %add3A_379 : vector<16xf32>
    }
    %scan3A_312 = arith.constant 40 : i32
    %slice3A_313 = vector.extract_strided_slice %scan3A_311 {offsets = [0], sizes = [1], strides = [1]} : vector<16xf32> to vector<1xf32>
    %squeeze3A_314 = vector.extract %slice3A_313[0] : f32 from vector<1xf32>
    %slice3A_315 = vector.extract_strided_slice %scan3A_311 {offsets = [1], sizes = [1], strides = [1]} : vector<16xf32> to vector<1xf32>
    %squeeze3A_316 = vector.extract %slice3A_315[0] : f32 from vector<1xf32>
    %add3A_317 = arith.addf %squeeze3A_314, %squeeze3A_316 : f32
    %slice3A_318 = vector.extract_strided_slice %scan3A_311 {offsets = [2], sizes = [1], strides = [1]} : vector<16xf32> to vector<1xf32>
    %squeeze3A_319 = vector.extract %slice3A_318[0] : f32 from vector<1xf32>
    %add3A_320 = arith.addf %add3A_317, %squeeze3A_319 : f32
    %slice3A_321 = vector.extract_strided_slice %scan3A_311 {offsets = [3], sizes = [1], strides = [1]} : vector<16xf32> to vector<1xf32>
    %squeeze3A_322 = vector.extract %slice3A_321[0] : f32 from vector<1xf32>
    %add3A_323 = arith.addf %add3A_320, %squeeze3A_322 : f32
    %slice3A_324 = vector.extract_strided_slice %scan3A_311 {offsets = [4], sizes = [1], strides = [1]} : vector<16xf32> to vector<1xf32>
    %squeeze3A_325 = vector.extract %slice3A_324[0] : f32 from vector<1xf32>
    %add3A_326 = arith.addf %add3A_323, %squeeze3A_325 : f32
    %slice3A_327 = vector.extract_strided_slice %scan3A_311 {offsets = [5], sizes = [1], strides = [1]} : vector<16xf32> to vector<1xf32>
    %squeeze3A_328 = vector.extract %slice3A_327[0] : f32 from vector<1xf32>
    %add3A_329 = arith.addf %add3A_326, %squeeze3A_328 : f32
    %slice3A_330 = vector.extract_strided_slice %scan3A_311 {offsets = [6], sizes = [1], strides = [1]} : vector<16xf32> to vector<1xf32>
    %squeeze3A_331 = vector.extract %slice3A_330[0] : f32 from vector<1xf32>
    %add3A_332 = arith.addf %add3A_329, %squeeze3A_331 : f32
    %slice3A_333 = vector.extract_strided_slice %scan3A_311 {offsets = [7], sizes = [1], strides = [1]} : vector<16xf32> to vector<1xf32>
    %squeeze3A_334 = vector.extract %slice3A_333[0] : f32 from vector<1xf32>
    %add3A_335 = arith.addf %add3A_332, %squeeze3A_334 : f32
    %slice3A_336 = vector.extract_strided_slice %scan3A_311 {offsets = [8], sizes = [1], strides = [1]} : vector<16xf32> to vector<1xf32>
    %squeeze3A_337 = vector.extract %slice3A_336[0] : f32 from vector<1xf32>
    %add3A_338 = arith.addf %add3A_335, %squeeze3A_337 : f32
    %slice3A_339 = vector.extract_strided_slice %scan3A_311 {offsets = [9], sizes = [1], strides = [1]} : vector<16xf32> to vector<1xf32>
    %squeeze3A_340 = vector.extract %slice3A_339[0] : f32 from vector<1xf32>
    %add3A_341 = arith.addf %add3A_338, %squeeze3A_340 : f32
    %slice3A_342 = vector.extract_strided_slice %scan3A_311 {offsets = [10], sizes = [1], strides = [1]} : vector<16xf32> to vector<1xf32>
    %squeeze3A_343 = vector.extract %slice3A_342[0] : f32 from vector<1xf32>
    %add3A_344 = arith.addf %add3A_341, %squeeze3A_343 : f32
    %slice3A_345 = vector.extract_strided_slice %scan3A_311 {offsets = [11], sizes = [1], strides = [1]} : vector<16xf32> to vector<1xf32>
    %squeeze3A_346 = vector.extract %slice3A_345[0] : f32 from vector<1xf32>
    %add3A_347 = arith.addf %add3A_344, %squeeze3A_346 : f32
    %slice3A_348 = vector.extract_strided_slice %scan3A_311 {offsets = [12], sizes = [1], strides = [1]} : vector<16xf32> to vector<1xf32>
    %squeeze3A_349 = vector.extract %slice3A_348[0] : f32 from vector<1xf32>
    %add3A_350 = arith.addf %add3A_347, %squeeze3A_349 : f32
    %slice3A_351 = vector.extract_strided_slice %scan3A_311 {offsets = [13], sizes = [1], strides = [1]} : vector<16xf32> to vector<1xf32>
    %squeeze3A_352 = vector.extract %slice3A_351[0] : f32 from vector<1xf32>
    %add3A_353 = arith.addf %add3A_350, %squeeze3A_352 : f32
    %slice3A_354 = vector.extract_strided_slice %scan3A_311 {offsets = [14], sizes = [1], strides = [1]} : vector<16xf32> to vector<1xf32>
    %squeeze3A_355 = vector.extract %slice3A_354[0] : f32 from vector<1xf32>
    %add3A_356 = arith.addf %add3A_353, %squeeze3A_355 : f32
    %slice3A_357 = vector.extract_strided_slice %scan3A_311 {offsets = [15], sizes = [1], strides = [1]} : vector<16xf32> to vector<1xf32>
    %squeeze3A_358 = vector.extract %slice3A_357[0] : f32 from vector<1xf32>
    %add3A_359 = arith.addf %add3A_356, %squeeze3A_358 : f32
    %add3A_360 = arith.addf %add3A_54, %add3A_359 : f32
    %broadcast_in_dim3A_361 = vector.broadcast %add3A_360 : f32 to vector<16xf32>
    %swap3A_362 = arith.constant 0 : index
    %swap3A_363 = tpu.vector_load %arg27[%swap3A_362] {strides = array<i32>} : memref<16xf32, #tpu.memory_space<vmem>>, vector<16xf32>,
    tpu.vector_store %arg27[%swap3A_362], %broadcast_in_dim3A_361 {strides = array<i32>} : memref<16xf32, #tpu.memory_space<vmem>>, vector<16xf32>,
    "tpu.region"() ({
      %run_scoped3A = tpu.sem_alloc : memref<!tpu.dma_semaphore, #tpu.memory_space<semaphore_mem>>
      %dma_start3A = arith.constant 0 : i32
      %dma_start3A_367 = tpu.memref_slice %arg31[%arg1, %dma_start3A] : memref<16x16xf32, #tpu.memory_space<vmem_shared>> -> memref<1x16xf32, #tpu.memory_space<vmem_shared>>
      %dma_start3A_368 = tpu.memref_squeeze %dma_start3A_367 : memref<1x16xf32, #tpu.memory_space<vmem_shared>> -> memref<16xf32, #tpu.memory_space<vmem_shared>>
      %dma_start3A_369 = arith.constant 0 : i32
      %dma_start3A_370 = tpu.memref_slice %arg31[%arg1, %dma_start3A_369] : memref<16x16xf32, #tpu.memory_space<vmem_shared>> -> memref<1x16xf32, #tpu.memory_space<vmem_shared>>
      %dma_start3A_371 = tpu.memref_squeeze %dma_start3A_370 : memref<1x16xf32, #tpu.memory_space<vmem_shared>> -> memref<16xf32, #tpu.memory_space<vmem_shared>>
      tpu.enqueue_dma source(%arg27 : memref<16xf32, #tpu.memory_space<vmem>>) target(%dma_start3A_371 : memref<16xf32, #tpu.memory_space<vmem_shared>>) target_semaphore(%run_scoped3A : memref<!tpu.dma_semaphore, #tpu.memory_space<semaphore_mem>>)
      %dma_wait3A = arith.constant 0 : i32
      %dma_wait3A_372 = tpu.memref_slice %arg31[%arg1, %dma_wait3A] : memref<16x16xf32, #tpu.memory_space<vmem_shared>> -> memref<1x16xf32, #tpu.memory_space<vmem_shared>>
      %dma_wait3A_373 = tpu.memref_squeeze %dma_wait3A_372 : memref<1x16xf32, #tpu.memory_space<vmem_shared>> -> memref<16xf32, #tpu.memory_space<vmem_shared>>
      %dma_wait3A_374 = arith.constant 0 : i32
      %dma_wait3A_375 = tpu.memref_slice %arg31[%arg1, %dma_wait3A_374] : memref<16x16xf32, #tpu.memory_space<vmem_shared>> -> memref<1x16xf32, #tpu.memory_space<vmem_shared>>
      %dma_wait3A_376 = tpu.memref_squeeze %dma_wait3A_375 : memref<1x16xf32, #tpu.memory_space<vmem_shared>> -> memref<16xf32, #tpu.memory_space<vmem_shared>>
      tpu.wait_dma2 semaphore(%run_scoped3A : memref<!tpu.dma_semaphore, #tpu.memory_space<semaphore_mem>>) src(%arg27 : memref<16xf32, #tpu.memory_space<vmem>>) dst(%dma_wait3A_376 : memref<16xf32, #tpu.memory_space<vmem_shared>>)
      tpu.yield
    }) : () -> ()
    %barrier3A_364 = arith.constant 0 : index
    tpu.barrier barrier_id(%barrier3A_364)
    %eq3A = arith.constant 0 : i32
    %eq3A_365 = arith.cmpi eq, %arg1, %eq3A : i32
    %convert_element_type3A = arith.extui %eq3A_365 : i1 to i32
    %cond3A = arith.constant 0 : i32
    %cond3A_366 = arith.cmpi ne, %convert_element_type3A, %cond3A : i32
    scf.if %cond3A_366 {
      "tpu.region"() ({
        %run_scoped3A = tpu.sem_alloc : memref<!tpu.dma_semaphore, #tpu.memory_space<semaphore_mem>>
        tpu.enqueue_dma source(%arg31 : memref<16x16xf32, #tpu.memory_space<vmem_shared>>) target(%arg28 : memref<16x16xf32, #tpu.memory_space<vmem>>) target_semaphore(%run_scoped3A : memref<!tpu.dma_semaphore, #tpu.memory_space<semaphore_mem>>)
        tpu.wait_dma2 semaphore(%run_scoped3A : memref<!tpu.dma_semaphore, #tpu.memory_space<semaphore_mem>>) src(%arg31 : memref<16x16xf32, #tpu.memory_space<vmem_shared>>) dst(%arg28 : memref<16x16xf32, #tpu.memory_space<vmem>>)
        tpu.yield
      }) : () -> ()
      %get3A_367 = arith.constant 0 : i32
      %get3A_368 = arith.index_cast %get3A_367 : i32 to index
      %get3A_369 = arith.constant 0 : index
      %get3A_370 = tpu.vector_load %arg28[%get3A_368, %get3A_369] {strides = array<i32>} : memref<16x16xf32, #tpu.memory_space<vmem>>, vector<16xf32>,
      %get3A_371 = arith.constant 1 : i32
      %get3A_372 = arith.index_cast %get3A_371 : i32 to index
      %get3A_373 = arith.constant 0 : index
      %get3A_374 = tpu.vector_load %arg28[%get3A_372, %get3A_373] {strides = array<i32>} : memref<16x16xf32, #tpu.memory_space<vmem>>, vector<16xf32>,
      %add3A_375 = arith.addf %get3A_370, %get3A_374 : vector<16xf32>
      %get3A_376 = arith.constant 2 : i32
      %get3A_377 = arith.index_cast %get3A_376 : i32 to index
      %get3A_378 = arith.constant 0 : index
      %get3A_379 = tpu.vector_load %arg28[%get3A_377, %get3A_378] {strides = array<i32>} : memref<16x16xf32, #tpu.memory_space<vmem>>, vector<16xf32>,
      %add3A_380 = arith.addf %add3A_375, %get3A_379 : vector<16xf32>
      %get3A_381 = arith.constant 3 : i32
      %get3A_382 = arith.index_cast %get3A_381 : i32 to index
      %get3A_383 = arith.constant 0 : index
      %get3A_384 = tpu.vector_load %arg28[%get3A_382, %get3A_383] {strides = array<i32>} : memref<16x16xf32, #tpu.memory_space<vmem>>, vector<16xf32>,
      %add3A_385 = arith.addf %add3A_380, %get3A_384 : vector<16xf32>
      %get3A_386 = arith.constant 4 : i32
      %get3A_387 = arith.index_cast %get3A_386 : i32 to index
      %get3A_388 = arith.constant 0 : index
      %get3A_389 = tpu.vector_load %arg28[%get3A_387, %get3A_388] {strides = array<i32>} : memref<16x16xf32, #tpu.memory_space<vmem>>, vector<16xf32>,
      %add3A_390 = arith.addf %add3A_385, %get3A_389 : vector<16xf32>
      %get3A_391 = arith.constant 5 : i32
      %get3A_392 = arith.index_cast %get3A_391 : i32 to index
      %get3A_393 = arith.constant 0 : index
      %get3A_394 = tpu.vector_load %arg28[%get3A_392, %get3A_393] {strides = array<i32>} : memref<16x16xf32, #tpu.memory_space<vmem>>, vector<16xf32>,
      %add3A_395 = arith.addf %add3A_390, %get3A_394 : vector<16xf32>
      %get3A_396 = arith.constant 6 : i32
      %get3A_397 = arith.index_cast %get3A_396 : i32 to index
      %get3A_398 = arith.constant 0 : index
      %get3A_399 = tpu.vector_load %arg28[%get3A_397, %get3A_398] {strides = array<i32>} : memref<16x16xf32, #tpu.memory_space<vmem>>, vector<16xf32>,
      %add3A_400 = arith.addf %add3A_395, %get3A_399 : vector<16xf32>
      %get3A_401 = arith.constant 7 : i32
      %get3A_402 = arith.index_cast %get3A_401 : i32 to index
      %get3A_403 = arith.constant 0 : index
      %get3A_404 = tpu.vector_load %arg28[%get3A_402, %get3A_403] {strides = array<i32>} : memref<16x16xf32, #tpu.memory_space<vmem>>, vector<16xf32>,
      %add3A_405 = arith.addf %add3A_400, %get3A_404 : vector<16xf32>
      %get3A_406 = arith.constant 8 : i32
      %get3A_407 = arith.index_cast %get3A_406 : i32 to index
      %get3A_408 = arith.constant 0 : index
      %get3A_409 = tpu.vector_load %arg28[%get3A_407, %get3A_408] {strides = array<i32>} : memref<16x16xf32, #tpu.memory_space<vmem>>, vector<16xf32>,
      %add3A_410 = arith.addf %add3A_405, %get3A_409 : vector<16xf32>
      %get3A_411 = arith.constant 9 : i32
      %get3A_412 = arith.index_cast %get3A_411 : i32 to index
      %get3A_413 = arith.constant 0 : index
      %get3A_414 = tpu.vector_load %arg28[%get3A_412, %get3A_413] {strides = array<i32>} : memref<16x16xf32, #tpu.memory_space<vmem>>, vector<16xf32>,
      %add3A_415 = arith.addf %add3A_410, %get3A_414 : vector<16xf32>
      %get3A_416 = arith.constant 10 : i32
      %get3A_417 = arith.index_cast %get3A_416 : i32 to index
      %get3A_418 = arith.constant 0 : index
      %get3A_419 = tpu.vector_load %arg28[%get3A_417, %get3A_418] {strides = array<i32>} : memref<16x16xf32, #tpu.memory_space<vmem>>, vector<16xf32>,
      %add3A_420 = arith.addf %add3A_415, %get3A_419 : vector<16xf32>
      %get3A_421 = arith.constant 11 : i32
      %get3A_422 = arith.index_cast %get3A_421 : i32 to index
      %get3A_423 = arith.constant 0 : index
      %get3A_424 = tpu.vector_load %arg28[%get3A_422, %get3A_423] {strides = array<i32>} : memref<16x16xf32, #tpu.memory_space<vmem>>, vector<16xf32>,
      %add3A_425 = arith.addf %add3A_420, %get3A_424 : vector<16xf32>
      %get3A_426 = arith.constant 12 : i32
      %get3A_427 = arith.index_cast %get3A_426 : i32 to index
      %get3A_428 = arith.constant 0 : index
      %get3A_429 = tpu.vector_load %arg28[%get3A_427, %get3A_428] {strides = array<i32>} : memref<16x16xf32, #tpu.memory_space<vmem>>, vector<16xf32>,
      %add3A_430 = arith.addf %add3A_425, %get3A_429 : vector<16xf32>
      %get3A_431 = arith.constant 13 : i32
      %get3A_432 = arith.index_cast %get3A_431 : i32 to index
      %get3A_433 = arith.constant 0 : index
      %get3A_434 = tpu.vector_load %arg28[%get3A_432, %get3A_433] {strides = array<i32>} : memref<16x16xf32, #tpu.memory_space<vmem>>, vector<16xf32>,
      %add3A_435 = arith.addf %add3A_430, %get3A_434 : vector<16xf32>
      %get3A_436 = arith.constant 14 : i32
      %get3A_437 = arith.index_cast %get3A_436 : i32 to index
      %get3A_438 = arith.constant 0 : index
      %get3A_439 = tpu.vector_load %arg28[%get3A_437, %get3A_438] {strides = array<i32>} : memref<16x16xf32, #tpu.memory_space<vmem>>, vector<16xf32>,
      %add3A_440 = arith.addf %add3A_435, %get3A_439 : vector<16xf32>
      %get3A_441 = arith.constant 15 : i32
      %get3A_442 = arith.index_cast %get3A_441 : i32 to index
      %get3A_443 = arith.constant 0 : index
      %get3A_444 = tpu.vector_load %arg28[%get3A_442, %get3A_443] {strides = array<i32>} : memref<16x16xf32, #tpu.memory_space<vmem>>, vector<16xf32>,
      %add3A_445 = arith.addf %add3A_440, %get3A_444 : vector<16xf32>
      %div3A = arith.constant 1.000000e+00 : f32
      %div3A_446 = arith.constant 1.000000e+04 : f32
      %div3A_447 = arith.divf %div3A, %div3A_446 : f32
      %mul3A_448 = vector.broadcast %div3A_447 : f32 to vector<16xf32>
      %mul3A_449 = arith.mulf %add3A_445, %mul3A_448 : vector<16xf32>
      %swap3A_450 = arith.constant 0 : index
      %swap3A_451 = tpu.vector_load %arg27[%swap3A_450] {strides = array<i32>} : memref<16xf32, #tpu.memory_space<vmem>>, vector<16xf32>,
      tpu.vector_store %arg27[%swap3A_450], %mul3A_449 {strides = array<i32>} : memref<16xf32, #tpu.memory_space<vmem>>, vector<16xf32>,
      "tpu.region"() ({
        %run_scoped3A = tpu.sem_alloc : memref<!tpu.dma_semaphore, #tpu.memory_space<semaphore_mem>>
        tpu.enqueue_dma source(%arg27 : memref<16xf32, #tpu.memory_space<vmem>>) target(%arg11 : memref<16xf32, #tpu.memory_space<hbm>>) target_semaphore(%run_scoped3A : memref<!tpu.dma_semaphore, #tpu.memory_space<semaphore_mem>>)
        tpu.wait_dma2 semaphore(%run_scoped3A : memref<!tpu.dma_semaphore, #tpu.memory_space<semaphore_mem>>) src(%arg27 : memref<16xf32, #tpu.memory_space<vmem>>) dst(%arg11 : memref<16xf32, #tpu.memory_space<hbm>>)
        tpu.yield
      }) : () -> ()
    } else {
    }
    return
  }
}

module attributes {stable_mosaic.version = 14 : i64} {
  func.func @_quality_tc_kernel(%arg0: i32, %arg1: memref<2000x128xf32, #tpu.memory_space<vmem>>, %arg2: memref<2000x1xf32, #tpu.memory_space<vmem>>) attributes {dimension_semantics = [#tpu.dimension_semantics<arbitrary>], iteration_bounds = array<i64: 5>, scalar_prefetch = 0 : i64, scratch_operands = 0 : i64, tpu.core_type = #tpu.core_type<tc>, window_params = [{transform_indices = @transform_0, window_bounds = array<i64: 2000, 128>}, {transform_indices = @transform_1, window_bounds = array<i64: 2000, 1>}]} {
    %get3A = arith.constant 0 : index
    %get3A_0 = arith.constant 0 : index
    %get3A_1 = vector.load %arg1[%get3A, %get3A_0] : memref<2000x128xf32, #tpu.memory_space<vmem>>, vector<2000x128xf32>
    %mul3A = arith.mulf %get3A_1, %get3A_1 : vector<2000x128xf32>
    %reduce_sum3A = arith.constant dense<0.000000e+00> : vector<2000xf32>
    %reduce_sum3A_2 = vector.multi_reduction <add>, %mul3A, %reduce_sum3A [1] : vector<2000x128xf32> to vector<2000xf32>
    %broadcast_in_dim3A = vector.shape_cast %reduce_sum3A_2 : vector<2000xf32> to vector<2000x1xf32>
    %sqrt3A = math.sqrt %broadcast_in_dim3A : vector<2000x1xf32>
    %add3A = arith.constant 1.000000e+00 : f32
    %add3A_3 = vector.broadcast %add3A : f32 to vector<2000x1xf32>
    %add3A_4 = arith.addf %add3A_3, %sqrt3A : vector<2000x1xf32>
    %div3A = arith.constant 1.000000e+00 : f32
    %div3A_5 = vector.broadcast %div3A : f32 to vector<2000x1xf32>
    %div3A_6 = arith.divf %div3A_5, %add3A_4 : vector<2000x1xf32>
    %swap3A = arith.constant 0 : index
    %swap3A_7 = arith.constant 0 : index
    %swap3A_8 = vector.load %arg2[%swap3A, %swap3A_7] : memref<2000x1xf32, #tpu.memory_space<vmem>>, vector<2000x1xf32>
    tpu.vector_store %arg2[%swap3A, %swap3A_7], %div3A_6 {strides = array<i32>} : memref<2000x1xf32, #tpu.memory_space<vmem>>, vector<2000x1xf32>,
    return
  }
  func.func @transform_0(%arg0: i32) -> (i32, i32) {
    %c0_i32 = arith.constant 0 : i32
    %c0_i32_0 = arith.constant 0 : i32
    return %arg0, %c0_i32 : i32, i32
  }
  func.func @transform_1(%arg0: i32) -> (i32, i32) {
    %c0_i32 = arith.constant 0 : i32
    %c0_i32_0 = arith.constant 0 : i32
    return %arg0, %c0_i32 : i32, i32
  }
}

</mosaic_0001>

<sc_bundles>
// kernel: kernel.4.cloned.1.call-start
scs
__scs_entry_jumppad:
0x0: {  	(pc) =	sbr.rel $0x88, $3  }
0x1: {  	(tag) =	ssettag $0x0;
	lr =	simm.s32 $0x1  }
0x2: {  	[smem:$0x3F99] =	sst lr;
	_ =	strace $0xD0000000  }
0x3: {  	_ = 	snop  }
0x4: {  	_ = 	snop  }
0x5: {  	_ = 	snop  }
0x6: {  	_ = 	snop  }
0x7: {  	_ = 	snop  }
__scs_overlays_trampoline_lowered:
0x8: {  	[smem:$0x3FA8] =	sst s0  }
0x9: {  	[smem:$0x3FA9] =	sst s1  }
0xa: {  	[smem:$0x3FAA] =	sst s2  }
0xb: {  	[smem:$0x3FAB] =	sst s3  }
0xc: {  	[smem:$0x3FAC] =	sst s4  }
0xd: {  	[smem:$0x3FAD] =	sst s5  }
0xe: {  	[smem:$0x3FAE] =	sst s6  }
0xf: {  	[smem:$0x3FAF] =	sst s7  }
0x10: {  	[smem:$0x3FB0] =	sst s8  }
0x11: {  	[smem:$0x3FB1] =	sst s9;
	s0 =	simm.s32 @!p0 $0x0  }
0x12: {  	s1 =	sld [smem:$0x3F97];
	s0 =	simm.s32 @p0 $0x1  }
0x13: {  	[smem:$0x3FB2] =	sst s0;
	s0 =	simm.s32 @!p1 $0x0  }
0x14: {  	s2 =	sld [smem:$0x3F96];
	s0 =	simm.s32 @p1 $0x1  }
0x15: {  	[smem:$0x3FB3] =	sst s0;
	s0 =	simm.s32 @!p2 $0x0  }
0x16: {  	s3 =	sld [smem:$0x3FDB];
	s0 =	simm.s32 @p2 $0x1  }
0x17: {  	s4 =	simm.s32 $0x1BF5;
	[smem:$0x3FB5] =	sst s0  }
0x18: {  	s0 =	sld [smem:$0x3F98];
	_ =	swait.ge [sflag:s4], $0x0  }
0x19: {  	s7 =	sld [smem:$0x3F99]  }
0x1a: {  	s8 =	sadd.s32 $0xFFFFE003, lr  }
0x1b: {  	s9 =	sadd.s32 $0xFFFFFEF7, lr;
	s5 =	simm.s32 $0xFFFFFFFF;
	p2 =	slt.u32 s8, $0xFFFFF086  }
0x1c: {  	p1 =	slt.u32 s9, $0xF7A;
	s5 =	simm.s32 @!p2 $0x0  }
0x1d: {  	s5 =	simm.s32 @p1 $0x1;
	p0 =	seq.s32 s7, s2  }
0x1e: {  	s7 =	smul.u32 @!p0 $0xF7A, s2;
	p2 =	seq.s32 @!p0 s5, $0x0  }
0x1f: {  	s9 =	smul.u32 $0xF7A, s1;
	s8 =	simm.s32 @!p0 $0x1BF5;
	p2 =	por !p2, p0  }
0x20: {  	[sflag:s8] =	ssyncset.s32 @!p0 $0xFFFFF086;
	s6 =	sadd.s32 @!p0 s3, s7;
	s7 =	simm.s32 @!p0 $0x108  }
0x21: {  	s3 =	sadd.s32 s3, s9;
	s6 =	sadd.s32 @!p0 $0x88, s6;
	s7 =	simm.s32 @p2 $0x1082  }
0x22: {  	[simem:s7], [sflag:s8] =	dma.local @!p0 [hbm:s6], $0xF7A  }
0x23: {  	s9 =	sor.u32 $0xD0000000, s2;
	s6 =	simm.s32 $0x108;
	_ =	swait.ge @!p0 [sflag:s8], $0x0  }
0x24: {  	s3 =	sadd.s32 $0x88, s3;
	s6 =	simm.s32 @!p1 $0x1082;
	[sflag:s4] =	ssyncset.s32 $0xFFFFF086  }
0x25: {  	[simem:s6], [sflag:s4] =	dma.local [hbm:s3], $0xF7A  }
0x26: {  	[smem:$0x3F99] =	sst s1;
	(tag) =	ssettag s2;
	_ =	strace s9  }
0x27: {  	s1 =	sld [smem:$0x3FA9]  }
0x28: {  	s2 =	sld [smem:$0x3FAA]  }
0x29: {  	s4 =	sld [smem:$0x3FAC]  }
0x2a: {  	p0 =	seq.s32 s5, $0x0;
	s5 =	sld [smem:$0x3FAD]  }
0x2b: {  	s6 =	sld [smem:$0x3FAE]  }
0x2c: {  	s7 =	sld [smem:$0x3FAF]  }
0x2d: {  	s3 =	simm.s32 $0x108;
	s8 =	sld [smem:$0x3FB0]  }
0x2e: {  	s3 =	simm.s32 @!p0 $0x1082;
	s9 =	sld [smem:$0x3FB1]  }
0x2f: {  	lr =	sadd.s32 s0, s3;
	s0 =	sld [smem:$0x3FA8]  }
0x30: {  	s3 =	sld [smem:$0x3FAB]  }
0x31: {  	[smem:$0x3FB4] =	sst s10  }
0x32: {  	s10 =	sld [smem:$0x3FB2];
	_ =	sdelay $0x3  }
0x33: {  	p0 =	seq.s32 s10, $0x1;
	s10 =	sld [smem:$0x3FB4];
	_ =	sdelay $0x3  }
0x34: {  	[smem:$0x3FB4] =	sst s10  }
0x35: {  	s10 =	sld [smem:$0x3FB3];
	_ =	sdelay $0x3  }
0x36: {  	p1 =	seq.s32 s10, $0x1;
	s10 =	sld [smem:$0x3FB4];
	_ =	sdelay $0x3  }
0x37: {  	[smem:$0x3FB4] =	sst s10  }
0x38: {  	s10 =	sld [smem:$0x3FB5]  }
0x39: {  	_ = 	snop;
	(pc) =	sbr.ind lr, $3  }
0x3a: {  	_ = 	snop  }
0x3b: {  	_ = 	snop  }
0x3c: {  	p2 =	seq.s32 s10, $0x1;
	s10 =	sld [smem:$0x3FB4]  }
0x3d: {  	_ =	shalt  }
0x3e: {  	_ =	shalt  }
0x3f: {  	_ =	shalt  }
0x40: {  	_ =	shalt  }
0x41: {  	_ =	shalt  }
0x42: {  	_ =	shalt  }
0x43: {  	_ =	shalt  }
0x44: {  	_ =	shalt  }
0x45: {  	_ =	shalt  }
0x46: {  	_ =	shalt  }
0x47: {  	_ =	shalt  }
0x48: {  	_ =	shalt  }
0x49: {  	_ =	shalt  }
0x4a: {  	_ =	shalt  }
0x4b: {  	_ =	shalt  }
0x4c: {  	_ =	shalt  }
0x4d: {  	_ =	shalt  }
0x4e: {  	_ =	shalt  }
0x4f: {  	_ =	shalt  }
0x50: {  	_ =	shalt  }
0x51: {  	_ =	shalt  }
0x52: {  	_ =	shalt  }
0x53: {  	_ =	shalt  }
0x54: {  	_ =	shalt  }
0x55: {  	_ =	shalt  }
0x56: {  	_ =	shalt  }
0x57: {  	_ =	shalt  }
0x58: {  	_ =	shalt  }
0x59: {  	_ =	shalt  }
0x5a: {  	_ =	shalt  }
0x5b: {  	_ =	shalt  }
0x5c: {  	_ =	shalt  }
0x5d: {  	_ =	shalt  }
0x5e: {  	_ =	shalt  }
0x5f: {  	_ =	shalt  }
0x60: {  	_ =	shalt  }
0x61: {  	_ =	shalt  }
0x62: {  	_ =	shalt  }
0x63: {  	_ =	shalt  }
0x64: {  	_ =	shalt  }
0x65: {  	_ =	shalt  }
0x66: {  	_ =	shalt  }
0x67: {  	_ =	shalt  }
0x68: {  	_ =	shalt  }
0x69: {  	_ =	shalt  }
0x6a: {  	_ =	shalt  }
0x6b: {  	_ =	shalt  }
0x6c: {  	_ =	shalt  }
0x6d: {  	_ =	shalt  }
0x6e: {  	_ =	shalt  }
0x6f: {  	_ =	shalt  }
0x70: {  	_ =	shalt  }
0x71: {  	_ =	shalt  }
0x72: {  	_ =	shalt  }
0x73: {  	_ =	shalt  }
0x74: {  	_ =	shalt  }
0x75: {  	_ =	shalt  }
0x76: {  	_ =	shalt  }
0x77: {  	_ =	shalt  }
0x78: {  	_ =	shalt  }
0x79: {  	_ =	shalt  }
0x7a: {  	_ =	shalt  }
0x7b: {  	_ =	shalt  }
0x7c: {  	_ =	shalt  }
0x7d: {  	_ =	shalt  }
0x7e: {  	_ =	shalt  }
0x7f: {  	_ =	shalt  }
0x80: {  	_ =	shalt  }
0x81: {  	_ =	shalt  }
0x82: {  	_ =	shalt  }
0x83: {  	_ =	shalt  }
0x84: {  	_ =	shalt  }
0x85: {  	_ =	shalt  }
0x86: {  	_ =	shalt  }
0x87: {  	_ =	shalt  }
.Lfunc_end0:
.L_simem_size_0:
called_computation_lowered:
.L_overlay_start_0:
0x88: {  	s0 =	sld [smem:$0x3FD9]  }
0x89: {  	s1 =	sld [smem:$0x3FFE];
	_ =	sdelay $0x3  }
0x8a: {  	s0 =	sadd.s32 s1, s0  }
0x8b: {  	[smem:$0x3FC0] =	sst s0  }
0x8c: {  	_ = 	snop  }
0x8d: {  	s0 =	sld [smem:$0x3FC6]  }
0x8e: {  	s16 =	sld [smem:$0x3FC5]  }
0x8f: {  	s2 =	sld [smem:$0x3FC4]  }
0x90: {  	s3 =	sld [smem:$0x3FD0];
	(tm) =	ssettm $0x1  }
0x91: {  	s4 =	sld [smem:$0x3FFB];
	_ =	sdelay $0x3  }
0x92: {  	_ =	strace s4  }
0x93: {  	s4 =	sld [smem:$0x3FFC];
	_ =	sdelay $0x3  }
0x94: {  	_ =	strace s4  }
0x95: {  	s4 =	sld [smem:$0x3FFD];
	_ =	sdelay $0x3  }
0x96: {  	_ =	strace s4  }
0x97: {  	_ =	strace $0x8FFFFFFF  }
0x98: {  	s17 =	sld [smem:$0x3FDB];
	_ =	sdelay $0x1  }
0x99: {  	s5 =	simm.s32 $_scs_section_size  }
0x9a: {  	s6 =	simm.s32 $_size__tile_overlayer_lowered;
	s7 =	simm.s32 $_tile_overlayer_lowered  }
0x9b: {  	s20 =	simm.s32 $0x1BFF;
	s19 =	sshll.u32 s7, $0x1;
	s4 =	sadd.s32 s5, s17  }
0x9c: {  	s8 =	simm.s32 $0x0;
	s18 =	sshll.u32 s6, $0x1;
	s6 =	sadd.s32 s19, s4  }
0x9d: {  	[timem:s8], [sflag:s20] =	dma.local [hbm:s6], s18  }
0x9e: {  	_ =	swait.ge [sflag:s20], s18  }
0x9f: {  	s5 =	ssub.s32 $0x0, s18;
	[sflag:s20] =	ssyncset.done $0x0  }
0xa0: {  	[sflag:s20] =	ssyncadd.s32 s5;
	_ =	sdelay $0x1  }
0xa1: {  	s21 =	simm.s32 $0x1B8B  }
0xa2: {  	_ =	swait.ge [sflag:s21], $0x1  }
0xa3: {  	[sflag:s21] =	ssyncset.done $0x0  }
0xa4: {  	s23 =	simm.s32 $0x1B8E;
	s22 =	sld [smem:$0x3FFE];
	[sflag:s21] =	ssyncadd.s32 $0xFFFFFFFF  }
0xa5: {  	s24 =	simm.s32 $execute0_lowered;
	[smem:$0x3FD2] =	sst s23  }
0xa6: {  	s6 =	sshll.u32 s24, $0x1;
	_ =	strace $0x80000046;
	[dreg:$0x1] =	wrdreg $0xFFFFFFFF  }
0xa7: {  	s25 =	simm.s32 $_size_execute0_lowered;
	s4 =	sadd.s32 s4, s6;
	[dreg:$0x0] =	wrdreg $0x0  }
0xa8: {  	s6 =	sshll.u32 s25, $0x1;
	[dreg:$0x2] =	wrdreg s4  }
0xa9: {  	[dreg:$0x3] =	wrdreg s6  }
0xaa: {  	[dreg:$0x4] =	wrdreg $0xC0  }
0xab: {  	_ =	task [dreg:s8], $0x5FFFF  }
0xac: {  	[dreg:$0x1] =	wrdreg $0xFFFFFFFF  }
0xad: {  	[dreg:$0x0] =	wrdreg $0x60  }
0xae: {  	[dreg:$0x2] =	wrdreg s22  }
0xaf: {  	[dreg:$0x3] =	wrdreg s0  }
0xb0: {  	[dreg:$0x4] =	wrdreg s2  }
0xb1: {  	[dreg:$0x5] =	wrdreg s16  }
0xb2: {  	[dreg:$0x6] =	wrdreg s3  }
0xb3: {  	[dreg:$0x7] =	wrdreg $0x19A700  }
0xb4: {  	[dreg:$0x8] =	wrdreg $0x1C4F00  }
0xb5: {  	[dreg:$0x9] =	wrdreg $0x1C2700  }
0xb6: {  	[dreg:$0xa] =	wrdreg $0x9  }
0xb7: {  	_ =	task.clear_ibuf [dreg:s8], $0xBFFFF;
	_ =	strace $0x90000046  }
0xb8: {  	s26 =	simm.s32 $0x9;
	_ =	strace $0x80000048  }
0xb9: {  	_ =	swait.ge [sflag:s26], $0x1  }
0xba: {  	[sflag:s26] =	ssyncadd.s32 $0xFFFFFFFF  }
0xbb: {  	_ =	strace $0x90000048  }
0xbc: {  	_ =	sfence  }
0xbd: {  	s28 =	sld [smem:$0x0];
	_ =	sdelay $0x1  }
0xbe: {  	s29 =	srdreg.scid  }
0xbf: {  	s30 =	sshll.u32 s29, $0xD;
	s31 =	sshrl.u32 s29, $0x2  }
0xc0: {  	s1 =	sand.u32 $0x1, s29;
	s2 =	sand.u32 $0x4000, s30;
	s0 =	sadd.s32 s31, s28  }
0xc1: {  	s1 =	sor.u32 s2, s1;
	s0 =	sshll.u32 s0, $0x11  }
0xc2: {  	s0 =	sor.u32 s0, s1  }
0xc3: {  	s0 =	sadd.s32 $0x8F2B, s0  }
0xc4: {  	[sflag:s0] =	ssyncadd.remote.s32 $0x1  }
0xc5: {  	_ =	sfence.sel $0xFFFF  }
0xc6: {  	[dreg:$0x0] =	wrdreg $0xFFFFFFFF;
	(pc) =	sbr.abs _section_cstart, $3  }
0xc7: {  	[dreg:$0x1] =	wrdreg $0xFFFFFFFF  }
0xc8: {  	_ =	task.clear_ibuf [dreg:s8], $0x2FFFF;
	_ =	strace $0x9FFFFFFF  }
0xc9: {  	(tm) =	ssettm $0x7FFFFFFF  }
tec
execute0_lowered:
.L_overlay_start_1:
0x0: {  	(tag) =	ssettag $0x1  }
0x1: {  	s6 =	rddreg [dreg:$0x0]  }
0x2: {  	s9 =	rddreg [dreg:$0x1]  }
0x3: {  	s10 =	rddreg [dreg:$0x2]  }
0x4: {  	s11 =	rddreg [dreg:$0x3]  }
0x5: {  	s1 =	rddreg [dreg:$0x4]  }
0x6: {  	s5 =	rddreg [dreg:$0x5]  }
0x7: {  	s2 =	rddreg [dreg:$0x6]  }
0x8: {  	s4 =	rddreg [dreg:$0x7]  }
0x9: {  	s0 =	rddreg [dreg:$0x8];
	s12 =	simm.s32 $0x0  }
0xa: {  	s3 =	stileid.u32;
	s7 =	simm.s32 $0xEA60;
	[smem:$0x7FF] =	sst s12  }
0xb: {  	s13 =	simm.s32 $0x1;
	s8 =	smul.u32 $0x280, s3;
	_ =	strace $0x80000047  }
0xc: {  	[tilespmem:s7], [sflag:$0x1] =	stream.linear.gather [hbm4b:s6+s12], $0x2800, $0x38;
	[tilespmem:$0x1C500] =	vst v63  }
0xd: {  	s23 =	sshrl.u32 s8, $0x3;
	_ =	swait.ge [sflag:s13], $0x2800  }
0xe: {  	s7 =	sadd.s32 s23, s6;
	[sflag:s13] =	ssyncset.done $0x0  }
0xf: {  	s15 =	simm.s32 $0x191E0;
	s14 =	sadd.s32 $0x600, s7;
	[sflag:s13] =	ssyncadd.s32 $0xFFFFD800  }
0x10: {  	[tilespmem:s15], [sflag:$0x1] =	stream.linear.gather [hbm4b:s14+s12], $0x280, $0x38;
	[tilespmem:$0x1C500] =	vst v63  }
0x11: {  	_ =	swait.ge [sflag:s13], $0x280  }
0x12: {  	[sflag:s13] =	ssyncset.done $0x0  }
0x13: {  	s25 =	simm.s32 $0x19460;
	s24 =	sadd.s32 $0xC00, s7;
	[sflag:s13] =	ssyncadd.s32 $0xFFFFFD80  }
0x14: {  	[tilespmem:s25], [sflag:$0x1] =	stream.linear.gather [hbm4b:s24+s12], $0x280, $0x38;
	[tilespmem:$0x1C500] =	vst v63  }
0x15: {  	_ =	swait.ge [sflag:s13], $0x280  }
0x16: {  	[sflag:s13] =	ssyncset.done $0x0  }
0x17: {  	s26 =	simm.s32 $0x18F60;
	s7 =	sadd.s32 $0x1200, s7;
	[sflag:s13] =	ssyncadd.s32 $0xFFFFFD80  }
0x18: {  	[tilespmem:s26], [sflag:$0x1] =	stream.linear.gather [hbm4b:s7+s12], $0x280, $0x38;
	[tilespmem:$0x1C500] =	vst v63  }
0x19: {  	s7 =	smul.u32 $0x9C4, s3;
	_ =	swait.ge [sflag:s13], $0x280  }
0x1a: {  	[sflag:s13] =	ssyncset.done $0x0  }
0x1b: {  	s9 =	sadd.s32 s9, s7;
	[sflag:s13] =	ssyncadd.s32 $0xFFFFFD80  }
0x1c: {  	[tilespmem:s12], [sflag:$0x1] =	stream.linear.gather [hbm4b:s9+s12], $0x4E20, $0x38;
	[tilespmem:$0x1C500] =	vst v63  }
0x1d: {  	_ =	swait.ge [sflag:s13], $0x4E20  }
0x1e: {  	[sflag:s13] =	ssyncset.done $0x0  }
0x1f: {  	s29 =	simm.s32 $0x4E20;
	s28 =	sadd.s32 s10, s7;
	[sflag:s13] =	ssyncadd.s32 $0xFFFFB1E0  }
0x20: {  	[tilespmem:s29], [sflag:$0x1] =	stream.linear.gather [hbm4b:s28+s12], $0x4E20, $0x38;
	[tilespmem:$0x1C500] =	vst v63  }
0x21: {  	_ =	swait.ge [sflag:s13], $0x4E20  }
0x22: {  	[sflag:s13] =	ssyncset.done $0x0  }
0x23: {  	s31 =	simm.s32 $0x9C40;
	s30 =	sadd.s32 s11, s7;
	[sflag:s13] =	ssyncadd.s32 $0xFFFFB1E0  }
0x24: {  	[tilespmem:s31], [sflag:$0x1] =	stream.linear.gather [hbm4b:s30+s12], $0x4E20, $0x38;
	[tilespmem:$0x1C500] =	vst v63  }
0x25: {  	_ =	swait.ge [sflag:s13], $0x4E20  }
0x26: {  	[sflag:s13] =	ssyncset.done $0x0  }
0x27: {  	v0 =	vimm.f32 $0.0e+00;
	s11 =	simm.s32 $0x13AA0;
	[sflag:s13] =	ssyncadd.s32 $0xFFFFB1E0  }
0x28: {  	[tilespmem:s11+$0xFFFFFFC0] =	vst v0  }
0x29: {  	[tilespmem:s11+$0x30] =	vst v0  }
0x2a: {  	[tilespmem:s11+$0x20] =	vst v0  }
0x2b: {  	[tilespmem:s11+$0x10] =	vst v0  }
0x2c: {  	[tilespmem:s11+$0x0] =	vst v0  }
0x2d: {  	[tilespmem:s11+$0xFFFFFFF0] =	vst v0  }
0x2e: {  	s10 =	sadd.s32 $0xB600, s6;
	s9 =	sadd.s32 $0x1800, s6;
	s6 =	simm.s32 $0x0;
	[tilespmem:s11+$0xFFFFFFE0] =	vst v0  }
.LBB2_1:
0x2f: {  	s6 =	sadd.s32 $0x8, s6;
	[tilespmem:s11+$0xFFFFFFD0] =	vst v0;
	s11 =	sadd.s32 $0x80, s11  }
0x30: {  	[tilespmem:s11+$0xFFFFFFC0] =	vst v0;
	p0 =	slt.u32 s6, $0x278  }
0x31: {  	[tilespmem:s11+$0x30] =	vst v0  }
.Ltmp0:
0x32: {  	[tilespmem:s11+$0x20] =	vst v0;
	(pc) =	sbr.rel @p0 .LBB2_1-.Ltmp0, $4  }
0x33: {  	[tilespmem:s11+$0x10] =	vst v0  }
0x34: {  	[tilespmem:s11+$0x0] =	vst v0  }
0x35: {  	[tilespmem:s11+$0xFFFFFFF0] =	vst v0  }
0x36: {  	[tilespmem:s11+$0xFFFFFFE0] =	vst v0  }
0x37: {  	s6 =	sadd.s32 $0xEA60, s8  }
0x38: {  	v3 =	vmov s6;
	_ =	sdelay $0x2  }
0x39: {  	[tilespmem:s11+$0xFFFFFFD0] =	vst v0;
	s31 =	simm.s32 $0x0  }
0x3a: {  	v2 =	vld [tilespmem:s31+$0x191E0]  }
0x3b: {  	v1 =	vld.idx.msk [tilespmem:v3+s31+$0x0 ss:$0x1], $0xffff;
	_ =	sdelay $0x2  }
0x3c: {  	v0 =	vimm.f32 $0.0e+00;
	s6 =	simm.s32 $0x40  }
.LBB2_3:
0x3d: {  	s11 =	sshra.s32 s6, $0x2;
	p0 =	sne.s32 s6, $0x9C0;
	s6 =	sadd.s32 $0x40, s6  }
.Ltmp1:
0x3e: {  	v4 =	vsub.f32 v1, v2;
	v1 =	vld.idx.msk [tilespmem:v3+s11+$0x0 ss:$0x1], $0xffff;
	(pc) =	sbr.rel @p0 .LBB2_3-.Ltmp1, $3  }
0x3f: {  	v2 =	vld [tilespmem:s11+$0x191E0]  }
0x40: {  	v4 =	vmul.f32 v4, v4;
	_ =	sdelay $0x1  }
0x41: {  	v0 =	vadd.f32 v4, v0  }
0x42: {  	s13 =	simm.s32 $0x40  }
0x43: {  	v3 =	vld [tilespmem:s13+$0x30]  }
0x44: {  	v4 =	vld [tilespmem:s13+$0xFFFFFFD0]  }
0x45: {  	v5 =	vld [tilespmem:s13+$0xFFFFFFE0]  }
0x46: {  	v6 =	vld [tilespmem:s13+$0xFFFFFFF0]  }
0x47: {  	v7 =	vld [tilespmem:s13+$0x0]  }
0x48: {  	s6 =	simm.s32 $0x4E60;
	v8 =	vld [tilespmem:s13+$0x10]  }
0x49: {  	s12 =	simm.s32 $0x9C80;
	v9 =	vld [tilespmem:s6+$0x30]  }
0x4a: {  	v10 =	vld [tilespmem:s12+$0x30]  }
0x4b: {  	v11 =	vld [tilespmem:s13+$0xFFFFFFC0]  }
0x4c: {  	v12 =	vld [tilespmem:s13+$0x20]  }
0x4d: {  	v52 =	vld [tilespmem:s6+$0xFFFFFFD0]  }
0x4e: {  	v53 =	vld [tilespmem:s12+$0xFFFFFFD0]  }
0x4f: {  	v55 =	vld [tilespmem:s12+$0xFFFFFFE0]  }
0x50: {  	v13 =	vld [tilespmem:s6+$0xFFFFFFE0]  }
0x51: {  	v14 =	vld [tilespmem:s12+$0xFFFFFFF0]  }
0x52: {  	v15 =	vld [tilespmem:s12+$0x0]  }
0x53: {  	v56 =	vld [tilespmem:s12+$0x10]  }
0x54: {  	v57 =	vld [tilespmem:s6+$0xFFFFFFF0]  }
0x55: {  	v58 =	vld [tilespmem:s6+$0x0]  }
0x56: {  	v59 =	vld [tilespmem:s6+$0x10]  }
0x57: {  	v60 =	vld [tilespmem:s6+$0x20]  }
0x58: {  	v61 =	vld [tilespmem:s12+$0x20]  }
0x59: {  	s11 =	simm.s32 $0xEA60;
	v62 =	vld [tilespmem:s12+$0xFFFFFFC0]  }
0x5a: {  	v3 =	vld.idx.msk [tilespmem:v3+s11+$0x0], $0xffff  }
0x5b: {  	v1 =	vsub.f32 v1, v2;
	v2 =	vld [tilespmem:s6+$0xFFFFFFC0]  }
0x5c: {  	v4 =	vld.idx.msk [tilespmem:v4+s11+$0x0], $0xffff  }
0x5d: {  	v5 =	vld.idx.msk [tilespmem:v5+s11+$0x0], $0xffff  }
0x5e: {  	v6 =	vld.idx.msk [tilespmem:v6+s11+$0x0], $0xffff  }
0x5f: {  	v7 =	vld.idx.msk [tilespmem:v7+s11+$0x0], $0xffff;
	v3 =	vmul.f32 v3, v10  }
0x60: {  	s13 =	simm.s32 $0x13A60;
	v54 =	vld.idx.msk [tilespmem:v12+s11+$0x0], $0xffff  }
0x61: {  	[tilespmem:v9+s13+$0x0] =	vst.idx.add.f32.msk $0xffff, v3  }
0x62: {  	v4 =	vmul.f32 v4, v53;
	v3 =	vld.idx.msk [tilespmem:v8+s11+$0x0], $0xffff  }
0x63: {  	v11 =	vld.idx.msk [tilespmem:v11+s11+$0x0], $0xffff;
	v5 =	vmul.f32 v5, v55  }
0x64: {  	v6 =	vmul.f32 v6, v14;
	[tilespmem:v52+s13+$0x0] =	vst.idx.add.f32.msk $0xffff, v4  }
0x65: {  	v7 =	vmul.f32 v7, v15;
	[tilespmem:v13+s13+$0x0] =	vst.idx.add.f32.msk $0xffff, v5  }
0x66: {  	v63 =	vmul.f32 v54, v61;
	[tilespmem:v57+s13+$0x0] =	vst.idx.add.f32.msk $0xffff, v6  }
0x67: {  	v1 =	vmul.f32 v1, v1;
	[tilespmem:v58+s13+$0x0] =	vst.idx.add.f32.msk $0xffff, v7;
	v3 =	vmul.f32 v3, v56  }
0x68: {  	[tilespmem:v60+s13+$0x0] =	vst.idx.add.f32.msk $0xffff, v63  }
0x69: {  	s14 =	simm.s32 $0x0;
	s15 =	simm.s32 $0xC0;
	v0 =	vadd.f32 v1, v0;
	v1 =	vmul.f32 v11, v62;
	[tilespmem:v59+s13+$0x0] =	vst.idx.add.f32.msk $0xffff, v3  }
.LBB2_5:
0x6a: {  	v3 =	vld [tilespmem:s15+$0x30];
	s14 =	sadd.s32 $0x8, s14  }
0x6b: {  	v4 =	vld [tilespmem:s15+$0xFFFFFFC0];
	p0 =	slt.u32 s14, $0x4D8  }
0x6c: {  	v5 =	vld [tilespmem:s15+$0xFFFFFFD0]  }
0x6d: {  	v6 =	vld [tilespmem:s15+$0xFFFFFFE0]  }
0x6e: {  	v7 =	vld [tilespmem:s15+$0xFFFFFFF0]  }
0x6f: {  	v8 =	vld [tilespmem:s15+$0x0]  }
0x70: {  	s6 =	sadd.s32 $0x80, s6;
	v9 =	vld [tilespmem:s15+$0x10]  }
0x71: {  	v10 =	vld [tilespmem:s6+$0x30]  }
0x72: {  	s12 =	sadd.s32 $0x80, s12;
	v3 =	vld.idx.msk [tilespmem:v3+s11+$0x0], $0xffff  }
0x73: {  	v11 =	vld [tilespmem:s12+$0x30]  }
0x74: {  	v12 =	vld [tilespmem:s15+$0x20]  }
0x75: {  	v4 =	vld.idx.msk [tilespmem:v4+s11+$0x0], $0xffff  }
0x76: {  	v5 =	vld.idx.msk [tilespmem:v5+s11+$0x0], $0xffff  }
0x77: {  	v6 =	vld.idx.msk [tilespmem:v6+s11+$0x0], $0xffff  }
0x78: {  	v7 =	vld.idx.msk [tilespmem:v7+s11+$0x0], $0xffff;
	v3 =	vmul.f32 v3, v11  }
0x79: {  	v8 =	vld.idx.msk [tilespmem:v8+s11+$0x0], $0xffff  }
0x7a: {  	[tilespmem:v10+s13+$0x0] =	vst.idx.add.f32.msk $0xffff, v3  }
0x7b: {  	v3 =	vld.idx.msk [tilespmem:v9+s11+$0x0], $0xffff  }
0x7c: {  	v9 =	vld.idx.msk [tilespmem:v12+s11+$0x0], $0xffff  }
0x7d: {  	v10 =	vld [tilespmem:s12+$0xFFFFFFC0]  }
0x7e: {  	v11 =	vld [tilespmem:s12+$0xFFFFFFD0]  }
0x7f: {  	v12 =	vld [tilespmem:s12+$0xFFFFFFE0]  }
0x80: {  	v13 =	vld [tilespmem:s12+$0xFFFFFFF0]  }
0x81: {  	v14 =	vld [tilespmem:s12+$0x0]  }
0x82: {  	v4 =	vmul.f32 v4, v10;
	v10 =	vld [tilespmem:s12+$0x10]  }
0x83: {  	v5 =	vmul.f32 v5, v11;
	v11 =	vld [tilespmem:s12+$0x20]  }
0x84: {  	v15 =	vld [tilespmem:s6+$0xFFFFFFD0];
	v6 =	vmul.f32 v6, v12  }
0x85: {  	v12 =	vld [tilespmem:s6+$0xFFFFFFE0];
	v7 =	vmul.f32 v7, v13  }
0x86: {  	v13 =	vld [tilespmem:s6+$0xFFFFFFF0];
	v8 =	vmul.f32 v8, v14  }
0x87: {  	v14 =	vld [tilespmem:s6+$0x0];
	v3 =	vmul.f32 v3, v10  }
0x88: {  	v10 =	vld [tilespmem:s6+$0x10];
	v9 =	vmul.f32 v9, v11  }
0x89: {  	v11 =	vld [tilespmem:s6+$0x20]  }
0x8a: {  	v16 =	vld [tilespmem:s6+$0xFFFFFFC0]  }
0x8b: {  	[tilespmem:v2+s13+$0x0] =	vst.idx.add.f32.msk $0xffff, v1;
	v1 =	vmov v4  }
0x8c: {  	[tilespmem:v15+s13+$0x0] =	vst.idx.add.f32.msk $0xffff, v5  }
.Ltmp2:
0x8d: {  	[tilespmem:v12+s13+$0x0] =	vst.idx.add.f32.msk $0xffff, v6;
	(pc) =	sbr.rel @p0 .LBB2_5-.Ltmp2, $4  }
0x8e: {  	[tilespmem:v13+s13+$0x0] =	vst.idx.add.f32.msk $0xffff, v7  }
0x8f: {  	[tilespmem:v14+s13+$0x0] =	vst.idx.add.f32.msk $0xffff, v8;
	v2 =	vmov v16  }
0x90: {  	[tilespmem:v10+s13+$0x0] =	vst.idx.add.f32.msk $0xffff, v3  }
0x91: {  	s15 =	sadd.s32 $0x80, s15;
	[tilespmem:v11+s13+$0x0] =	vst.idx.add.f32.msk $0xffff, v9  }
0x92: {  	_ =	sdelay $0x3  }
0x93: {  	[tilespmem:v2+s13+$0x0] =	vst.idx.add.f32.msk $0xffff, v1;
	s6 =	simm.s32 $0x0;
	s11 =	simm.s32 $0xEA60;
	s12 =	simm.s32 $0x13A60  }
.LBB2_7:
0x94: {  	s13 =	sshra.s32 s6, $0x2  }
0x95: {  	v1 =	vld [tilespmem:s13+$0x4E00];
	_ =	sdelay $0x5  }
0x96: {  	v2 =	vld [tilespmem:s13+$0x9C20]  }
0x97: {  	v3 =	vld [tilespmem:s13+$0xEA40]  }
0x98: {  	v1 =	vld.idx.msk [tilespmem:v1+s11+$0x0], $0xffff;
	_ =	sdelay $0x1  }
0x99: {  	p0 =	sne.s32 s6, $0x40  }
.Ltmp3:
0x9a: {  	_ = 	snop;
	(pc) =	sbr.rel @p0 .LBB2_7-.Ltmp3, $3  }
0x9b: {  	_ = 	snop  }
0x9c: {  	v1 =	vmul.f32 v1, v3;
	_ =	sdelay $0x1  }
0x9d: {  	s6 =	sadd.s32 $0x40, s6;
	[tilespmem:v2+s12+$0x0] =	vst.idx.add.f32.msk $0xffff, v1  }
0x9e: {  	s6 =	smul.u32 $0xA000, s3;
	_ =	sdelay $0x1  }
0x9f: {  	s6 =	sshrl.u32 s6, $0x2  }
0xa0: {  	s11 =	simm.s32 $0x13A60;
	s30 =	simm.s32 $0x1;
	s6 =	sadd.s32 s6, s5  }
0xa1: {  	[spmem:s6] =	stream.linear.scatter [tilespmem:s11], [sflag:$0x1], $0x2800, $0x38;
	[tilespmem:$0x1C500] =	vst v63  }
0xa2: {  	_ =	swait.ge [sflag:s30], $0x2800  }
0xa3: {  	[sflag:s30] =	ssyncset.done $0x0  }
0xa4: {  	s12 =	simm.s32 $0x280;
	s13 =	simm.s32 $0x2800;
	[sflag:s30] =	ssyncadd.s32 $0xFFFFD800  }
0xa5: {  	s14 =	simm.s32 $0x16260;
	s5 =	sadd.s32 s8, s5;
	[bflag:$0x0] =	sbarrier.arrive $0xFFFF  }
0xa6: {  	[tilespmem:s14], [sflag:$0x1] =	stream.strided.gather [spmem:s5], $0x2800, s13, s12, $0x38;
	[tilespmem:$0x1C500] =	vst v63  }
0xa7: {  	_ =	swait.ge [sflag:s30], $0x2800  }
0xa8: {  	[sflag:s30] =	ssyncset.done $0x0  }
0xa9: {  	s31 =	simm.s32 $0x17660;
	[sflag:s30] =	ssyncadd.s32 $0xFFFFD800  }
0xaa: {  	v1 =	vld [tilespmem:s31+$0xFFFFEC30]  }
0xab: {  	v2 =	vld [tilespmem:s31+$0xFFFFEEB0]  }
0xac: {  	v3 =	vld [tilespmem:s31+$0xFFFFEE80]  }
0xad: {  	v4 =	vld [tilespmem:s31+$0xFFFFF130]  }
0xae: {  	v5 =	vld [tilespmem:s31+$0xFFFFEC10]  }
0xaf: {  	v6 =	vld [tilespmem:s31+$0xFFFFF3B0]  }
0xb0: {  	v7 =	vld [tilespmem:s31+$0xFFFFEE90]  }
0xb1: {  	v8 =	vld [tilespmem:s31+$0xFFFFF630]  }
0xb2: {  	v9 =	vld [tilespmem:s31+$0xFFFFEC20]  }
0xb3: {  	v10 =	vld [tilespmem:s31+$0xFFFFF8B0]  }
0xb4: {  	v11 =	vld [tilespmem:s31+$0xFFFFEEA0]  }
0xb5: {  	v12 =	vld [tilespmem:s31+$0xFFFFFB30]  }
0xb6: {  	v13 =	vld [tilespmem:s31+$0xFFFFEC00]  }
0xb7: {  	v14 =	vld [tilespmem:s31+$0xFFFFFDB0]  }
0xb8: {  	v15 =	vld [tilespmem:s31+$0xFFFFF100]  }
0xb9: {  	v16 =	vld [tilespmem:s31+$0x30]  }
0xba: {  	v17 =	vld [tilespmem:s31+$0xFFFFF110]  }
0xbb: {  	v18 =	vld [tilespmem:s31+$0x2B0]  }
0xbc: {  	v19 =	vld [tilespmem:s31+$0xFFFFF120]  }
0xbd: {  	v20 =	vld [tilespmem:s31+$0x530]  }
0xbe: {  	v21 =	vld [tilespmem:s31+$0xFFFFF380]  }
0xbf: {  	v22 =	vld [tilespmem:s31+$0x7B0]  }
0xc0: {  	v23 =	vld [tilespmem:s31+$0xFFFFF390]  }
0xc1: {  	v24 =	vld [tilespmem:s31+$0xA30]  }
0xc2: {  	v25 =	vld [tilespmem:s31+$0xFFFFF3A0]  }
0xc3: {  	v26 =	vld [tilespmem:s31+$0xCB0]  }
0xc4: {  	v27 =	vld [tilespmem:s31+$0xFFFFF600]  }
0xc5: {  	v28 =	vld [tilespmem:s31+$0xF30]  }
0xc6: {  	v29 =	vld [tilespmem:s31+$0xFFFFF610]  }
0xc7: {  	v30 =	vld [tilespmem:s31+$0x11B0]  }
0xc8: {  	s11 =	simm.s32 $0x19480;
	v31 =	vld [tilespmem:s31+$0xFFFFF620]  }
0xc9: {  	v32 =	vld [tilespmem:s11+$0x10]  }
0xca: {  	v33 =	vld [tilespmem:s31+$0xFFFFF880]  }
0xcb: {  	v34 =	vld [tilespmem:s31+$0xFFFFF890]  }
0xcc: {  	v35 =	vld [tilespmem:s31+$0xFFFFFB00]  }
0xcd: {  	v36 =	vld [tilespmem:s31+$0xFFFFFB20];
	v1 =	vadd.f32 v2, v1  }
0xce: {  	v55 =	vld [tilespmem:s31+$0xFFFFFD90]  }
0xcf: {  	v56 =	vld [tilespmem:s31+$0x280];
	v1 =	vadd.f32 v4, v1  }
0xd0: {  	v57 =	vld [tilespmem:s31+$0x290];
	v3 =	vadd.f32 v3, v13;
	v5 =	vadd.f32 v7, v5  }
0xd1: {  	v58 =	vld [tilespmem:s31+$0x2A0];
	v1 =	vadd.f32 v6, v1  }
0xd2: {  	v59 =	vld [tilespmem:s31+$0x500];
	v3 =	vadd.f32 v15, v3;
	v5 =	vadd.f32 v17, v5  }
0xd3: {  	v60 =	vld [tilespmem:s31+$0x510];
	v1 =	vadd.f32 v8, v1;
	v8 =	vadd.f32 v11, v9  }
0xd4: {  	v61 =	vld [tilespmem:s31+$0x7A0];
	v3 =	vadd.f32 v21, v3;
	v5 =	vadd.f32 v23, v5  }
0xd5: {  	v4 =	vld [tilespmem:s31+$0xFFFFFB10];
	v1 =	vadd.f32 v10, v1;
	v8 =	vadd.f32 v19, v8  }
0xd6: {  	v2 =	vld [tilespmem:s31+$0xFFFFF8A0];
	v3 =	vadd.f32 v27, v3;
	v5 =	vadd.f32 v29, v5  }
0xd7: {  	v6 =	vld [tilespmem:s31+$0xFFFFFD80];
	v1 =	vadd.f32 v12, v1;
	v8 =	vadd.f32 v25, v8  }
0xd8: {  	v9 =	vld [tilespmem:s31+$0x0];
	v3 =	vadd.f32 v33, v3;
	v5 =	vadd.f32 v34, v5  }
0xd9: {  	v10 =	vld [tilespmem:s31+$0x10];
	v1 =	vadd.f32 v14, v1;
	v8 =	vadd.f32 v31, v8  }
0xda: {  	v7 =	vld [tilespmem:s31+$0xFFFFFDA0];
	v3 =	vadd.f32 v35, v3;
	v4 =	vadd.f32 v4, v5  }
0xdb: {  	v62 =	vld [tilespmem:s31+$0xC90];
	v1 =	vadd.f32 v16, v1;
	v2 =	vadd.f32 v2, v8  }
0xdc: {  	v11 =	vld [tilespmem:s31+$0x20];
	v3 =	vadd.f32 v6, v3;
	v4 =	vadd.f32 v55, v4  }
0xdd: {  	v5 =	vld [tilespmem:s31+$0x780];
	v1 =	vadd.f32 v18, v1;
	v2 =	vadd.f32 v36, v2  }
0xde: {  	v6 =	vld [tilespmem:s31+$0x790];
	v3 =	vadd.f32 v9, v3;
	v4 =	vadd.f32 v10, v4  }
0xdf: {  	v8 =	vld [tilespmem:s31+$0x520];
	v1 =	vadd.f32 v20, v1;
	v2 =	vadd.f32 v7, v2  }
0xe0: {  	v9 =	vld [tilespmem:s31+$0xA10];
	v3 =	vadd.f32 v56, v3;
	v4 =	vadd.f32 v57, v4  }
0xe1: {  	v7 =	vld [tilespmem:s31+$0xA00];
	v1 =	vadd.f32 v22, v1;
	v2 =	vadd.f32 v11, v2  }
0xe2: {  	v63 =	vld [tilespmem:s31+$0xCA0];
	v3 =	vadd.f32 v59, v3;
	v4 =	vadd.f32 v60, v4  }
0xe3: {  	v11 =	vld [tilespmem:s31+$0xC80];
	v1 =	vadd.f32 v24, v1;
	v2 =	vadd.f32 v58, v2  }
0xe4: {  	v10 =	vld [tilespmem:s31+$0xA20];
	v3 =	vadd.f32 v5, v3;
	v4 =	vadd.f32 v6, v4  }
0xe5: {  	v5 =	vld [tilespmem:s31+$0xF00];
	v1 =	vadd.f32 v26, v1;
	v2 =	vadd.f32 v8, v2  }
0xe6: {  	v6 =	vld [tilespmem:s31+$0xF10];
	v4 =	vadd.f32 v9, v4;
	v3 =	vadd.f32 v7, v3  }
0xe7: {  	v9 =	vld [tilespmem:s31+$0x1180];
	v1 =	vadd.f32 v28, v1;
	v2 =	vadd.f32 v61, v2  }
0xe8: {  	v7 =	vld [tilespmem:s31+$0xF20];
	v3 =	vadd.f32 v11, v3  }
0xe9: {  	v8 =	vadd.f32 v30, v1;
	v10 =	vadd.f32 v10, v2;
	v1 =	vld [tilespmem:s31+$0x1190]  }
0xea: {  	v4 =	vadd.f32 v62, v4;
	v5 =	vadd.f32 v5, v3;
	v2 =	vld [tilespmem:s31+$0x11A0]  }
0xeb: {  	v3 =	vld [tilespmem:s11+$0xFFFFFFE0];
	v8 =	vsub.f32 v8, v32;
	v10 =	vadd.f32 v63, v10  }
0xec: {  	s12 =	simm.s32 $0x18A80;
	v6 =	vadd.f32 v6, v4;
	v4 =	vld [tilespmem:s11+$0xFFFFFFF0]  }
0xed: {  	s13 =	simm.s32 $0x0;
	s14 =	simm.s32 $0x176A0;
	[tilespmem:s12+$0x10] =	vst v8;
	v8 =	vadd.f32 v7, v10;
	v7 =	vadd.f32 v9, v5;
	v5 =	vld [tilespmem:s11+$0x0]  }
.LBB2_9:
0xee: {  	v9 =	vld [tilespmem:s14+$0xFFFFEC30];
	v1 =	vadd.f32 v1, v6  }
0xef: {  	s13 =	sadd.s32 $0x4, s13;
	v6 =	vld [tilespmem:s14+$0xFFFFEEB0];
	v2 =	vadd.f32 v2, v8  }
0xf0: {  	p0 =	slt.u32 s13, $0x24;
	v8 =	vld [tilespmem:s14+$0xFFFFEE80];
	v3 =	vsub.f32 v7, v3  }
0xf1: {  	v7 =	vld [tilespmem:s14+$0xFFFFF130];
	v1 =	vsub.f32 v1, v4  }
0xf2: {  	v4 =	vld [tilespmem:s14+$0xFFFFEC10];
	[tilespmem:s12+$0xFFFFFFE0] =	vst v3;
	v2 =	vsub.f32 v2, v5  }
0xf3: {  	v3 =	vld [tilespmem:s14+$0xFFFFF3B0];
	[tilespmem:s12+$0xFFFFFFF0] =	vst v1  }
0xf4: {  	v1 =	vld [tilespmem:s14+$0xFFFFEE90];
	v5 =	vadd.f32 v6, v9;
	[tilespmem:s12+$0x0] =	vst v2  }
0xf5: {  	v2 =	vld [tilespmem:s14+$0xFFFFF630]  }
0xf6: {  	v6 =	vld [tilespmem:s14+$0xFFFFEC20];
	v5 =	vadd.f32 v7, v5  }
0xf7: {  	v7 =	vld [tilespmem:s14+$0xFFFFF8B0]  }
0xf8: {  	v9 =	vld [tilespmem:s14+$0xFFFFEEA0];
	v3 =	vadd.f32 v3, v5  }
0xf9: {  	v1 =	vadd.f32 v1, v4;
	v4 =	vld [tilespmem:s14+$0xFFFFFB30]  }
0xfa: {  	v5 =	vld [tilespmem:s14+$0xFFFFEC00];
	v2 =	vadd.f32 v2, v3  }
0xfb: {  	v3 =	vld [tilespmem:s14+$0xFFFFFDB0]  }
0xfc: {  	v10 =	vld [tilespmem:s14+$0xFFFFF100];
	v2 =	vadd.f32 v7, v2  }
0xfd: {  	v6 =	vadd.f32 v9, v6;
	v7 =	vld [tilespmem:s14+$0x30]  }
0xfe: {  	v9 =	vld [tilespmem:s14+$0xFFFFF110];
	v2 =	vadd.f32 v4, v2  }
0xff: {  	v4 =	vadd.f32 v8, v5;
	v5 =	vld [tilespmem:s14+$0x2B0]  }
0x100: {  	v8 =	vld [tilespmem:s14+$0xFFFFF120];
	v2 =	vadd.f32 v3, v2  }
0x101: {  	v3 =	vadd.f32 v10, v4;
	v4 =	vld [tilespmem:s14+$0x530]  }
0x102: {  	v10 =	vld [tilespmem:s14+$0xFFFFF380];
	v2 =	vadd.f32 v7, v2  }
0x103: {  	v1 =	vadd.f32 v9, v1;
	v7 =	vld [tilespmem:s14+$0x7B0]  }
0x104: {  	v9 =	vld [tilespmem:s14+$0xFFFFF390];
	v2 =	vadd.f32 v5, v2  }
0x105: {  	v5 =	vadd.f32 v8, v6;
	v6 =	vld [tilespmem:s14+$0xA30]  }
0x106: {  	v8 =	vld [tilespmem:s14+$0xFFFFF3A0];
	v2 =	vadd.f32 v4, v2  }
0x107: {  	v3 =	vadd.f32 v10, v3;
	v4 =	vld [tilespmem:s14+$0xCB0]  }
0x108: {  	v10 =	vld [tilespmem:s14+$0xFFFFF600];
	v2 =	vadd.f32 v7, v2  }
0x109: {  	v1 =	vadd.f32 v9, v1;
	v7 =	vld [tilespmem:s14+$0xF30]  }
0x10a: {  	v9 =	vld [tilespmem:s14+$0xFFFFF610];
	v2 =	vadd.f32 v6, v2  }
0x10b: {  	v5 =	vadd.f32 v8, v5;
	v6 =	vld [tilespmem:s14+$0x11B0]  }
0x10c: {  	s11 =	sadd.s32 $0x40, s11;
	v8 =	vld [tilespmem:s14+$0xFFFFF620];
	v2 =	vadd.f32 v4, v2  }
0x10d: {  	v3 =	vadd.f32 v10, v3;
	v4 =	vld [tilespmem:s11+$0x10]  }
0x10e: {  	v10 =	vld [tilespmem:s14+$0xFFFFF880];
	v2 =	vadd.f32 v7, v2  }
0x10f: {  	v1 =	vadd.f32 v9, v1;
	v7 =	vld [tilespmem:s14+$0xFFFFF890]  }
0x110: {  	v9 =	vld [tilespmem:s14+$0xFFFFF8A0];
	v2 =	vadd.f32 v6, v2  }
0x111: {  	v6 =	vld [tilespmem:s14+$0xFFFFFB00];
	v5 =	vadd.f32 v8, v5  }
0x112: {  	v8 =	vld [tilespmem:s14+$0xFFFFFB10];
	v2 =	vsub.f32 v2, v4  }
0x113: {  	s12 =	sadd.s32 $0x40, s12;
	v3 =	vadd.f32 v10, v3;
	v4 =	vld [tilespmem:s14+$0xFFFFFB20]  }
0x114: {  	v10 =	vld [tilespmem:s14+$0xFFFFFD80];
	v1 =	vadd.f32 v7, v1;
	[tilespmem:s12+$0x10] =	vst v2  }
0x115: {  	v2 =	vld [tilespmem:s14+$0xFFFFFD90];
	v5 =	vadd.f32 v9, v5  }
0x116: {  	v3 =	vadd.f32 v6, v3;
	v6 =	vld [tilespmem:s14+$0xFFFFFDA0]  }
0x117: {  	v7 =	vld [tilespmem:s14+$0x0];
	v1 =	vadd.f32 v8, v1  }
0x118: {  	v8 =	vld [tilespmem:s14+$0x10];
	v4 =	vadd.f32 v4, v5  }
0x119: {  	v3 =	vadd.f32 v10, v3;
	v5 =	vld [tilespmem:s14+$0x20]  }
0x11a: {  	v9 =	vld [tilespmem:s14+$0x280];
	v1 =	vadd.f32 v2, v1  }
0x11b: {  	v2 =	vld [tilespmem:s14+$0x290];
	v4 =	vadd.f32 v6, v4  }
0x11c: {  	v3 =	vadd.f32 v7, v3;
	v6 =	vld [tilespmem:s14+$0x2A0]  }
0x11d: {  	v7 =	vld [tilespmem:s14+$0x500];
	v1 =	vadd.f32 v8, v1  }
0x11e: {  	v8 =	vld [tilespmem:s14+$0x510];
	v4 =	vadd.f32 v5, v4  }
0x11f: {  	v3 =	vadd.f32 v9, v3;
	v5 =	vld [tilespmem:s14+$0x520]  }
0x120: {  	v9 =	vld [tilespmem:s14+$0x780];
	v1 =	vadd.f32 v2, v1  }
0x121: {  	v2 =	vld [tilespmem:s14+$0x790];
	v4 =	vadd.f32 v6, v4  }
0x122: {  	v3 =	vadd.f32 v7, v3;
	v6 =	vld [tilespmem:s14+$0x7A0]  }
0x123: {  	v7 =	vld [tilespmem:s14+$0xA00];
	v1 =	vadd.f32 v8, v1  }
0x124: {  	v8 =	vld [tilespmem:s14+$0xA10];
	v4 =	vadd.f32 v5, v4  }
0x125: {  	v3 =	vadd.f32 v9, v3;
	v5 =	vld [tilespmem:s14+$0xA20]  }
0x126: {  	v9 =	vld [tilespmem:s14+$0xC80];
	v1 =	vadd.f32 v2, v1  }
0x127: {  	v2 =	vld [tilespmem:s14+$0xC90];
	v4 =	vadd.f32 v6, v4  }
0x128: {  	v3 =	vadd.f32 v7, v3;
	v6 =	vld [tilespmem:s14+$0xCA0]  }
0x129: {  	v7 =	vld [tilespmem:s14+$0xF00];
	v1 =	vadd.f32 v8, v1  }
0x12a: {  	v8 =	vld [tilespmem:s14+$0xF10];
	v4 =	vadd.f32 v5, v4  }
0x12b: {  	v3 =	vadd.f32 v9, v3;
	v5 =	vld [tilespmem:s14+$0xF20]  }
0x12c: {  	v9 =	vld [tilespmem:s14+$0x1180];
	v10 =	vadd.f32 v2, v1  }
.Ltmp4:
0x12d: {  	v1 =	vld [tilespmem:s14+$0x1190];
	v11 =	vadd.f32 v6, v4;
	(pc) =	sbr.rel @p0 .LBB2_9-.Ltmp4, $4  }
0x12e: {  	v7 =	vadd.f32 v7, v3;
	v2 =	vld [tilespmem:s14+$0x11A0]  }
0x12f: {  	v3 =	vld [tilespmem:s11+$0xFFFFFFE0];
	v6 =	vadd.f32 v8, v10  }
0x130: {  	v4 =	vld [tilespmem:s11+$0xFFFFFFF0];
	v8 =	vadd.f32 v5, v11  }
0x131: {  	s14 =	sadd.s32 $0x40, s14;
	v7 =	vadd.f32 v9, v7;
	v5 =	vld [tilespmem:s11+$0x0]  }
0x132: {  	_ = 	snop  }
0x133: {  	v1 =	vadd.f32 v1, v6  }
0x134: {  	v2 =	vadd.f32 v2, v8;
	v3 =	vsub.f32 v7, v3  }
0x135: {  	v1 =	vsub.f32 v1, v4  }
0x136: {  	[tilespmem:s12+$0xFFFFFFE0] =	vst v3;
	v2 =	vsub.f32 v2, v5  }
0x137: {  	[tilespmem:s12+$0xFFFFFFF0] =	vst v1  }
0x138: {  	s10 =	sadd.s32 s10, s7;
	[tilespmem:s12+$0x0] =	vst v2  }
0x139: {  	s11 =	simm.s32 $0x0;
	s29 =	simm.s32 $0x1;
	[bflag:$0x0] =	sbarrier.arrive $0xFFFF  }
0x13a: {  	[tilespmem:s11], [sflag:$0x1] =	stream.linear.gather [hbm4b:s10+s11], $0x4E20, $0x38;
	[tilespmem:$0x1C500] =	vst v63  }
0x13b: {  	_ =	swait.ge [sflag:s29], $0x4E20  }
0x13c: {  	[sflag:s29] =	ssyncset.done $0x0  }
0x13d: {  	s30 =	sadd.s32 s9, s7;
	s31 =	simm.s32 $0x4E20;
	[sflag:s29] =	ssyncadd.s32 $0xFFFFB1E0  }
0x13e: {  	[tilespmem:s31], [sflag:$0x1] =	stream.linear.gather [hbm4b:s30+s11], $0x4E20, $0x38;
	[tilespmem:$0x1C500] =	vst v63  }
0x13f: {  	_ =	swait.ge [sflag:s29], $0x4E20  }
0x140: {  	[sflag:s29] =	ssyncset.done $0x0  }
0x141: {  	s7 =	simm.s32 $0x13AA0;
	v1 =	vimm.f32 $0.0e+00;
	[sflag:s29] =	ssyncadd.s32 $0xFFFFB1E0  }
0x142: {  	[tilespmem:s7+$0xFFFFFFC0] =	vst v1  }
0x143: {  	[tilespmem:s7+$0x30] =	vst v1  }
0x144: {  	[tilespmem:s7+$0x20] =	vst v1  }
0x145: {  	[tilespmem:s7+$0x10] =	vst v1  }
0x146: {  	[tilespmem:s7+$0x0] =	vst v1  }
0x147: {  	[tilespmem:s7+$0xFFFFFFF0] =	vst v1  }
0x148: {  	s9 =	simm.s32 $0x0;
	[tilespmem:s7+$0xFFFFFFE0] =	vst v1  }
.LBB2_11:
0x149: {  	s9 =	sadd.s32 $0x8, s9;
	[tilespmem:s7+$0xFFFFFFD0] =	vst v1;
	s7 =	sadd.s32 $0x80, s7  }
0x14a: {  	[tilespmem:s7+$0xFFFFFFC0] =	vst v1;
	p0 =	slt.u32 s9, $0x278  }
0x14b: {  	[tilespmem:s7+$0x30] =	vst v1  }
.Ltmp5:
0x14c: {  	[tilespmem:s7+$0x20] =	vst v1;
	(pc) =	sbr.rel @p0 .LBB2_11-.Ltmp5, $4  }
0x14d: {  	[tilespmem:s7+$0x10] =	vst v1  }
0x14e: {  	[tilespmem:s7+$0x0] =	vst v1  }
0x14f: {  	[tilespmem:s7+$0xFFFFFFF0] =	vst v1  }
0x150: {  	[tilespmem:s7+$0xFFFFFFE0] =	vst v1  }
0x151: {  	[tilespmem:s7+$0xFFFFFFD0] =	vst v1;
	s9 =	simm.s32 $0x20  }
0x152: {  	s31 =	simm.s32 $0x4E40;
	v1 =	vld [tilespmem:s9+$0x10]  }
0x153: {  	v2 =	vld [tilespmem:s31+$0x10]  }
0x154: {  	v3 =	vld [tilespmem:s31+$0xFFFFFFE0]  }
0x155: {  	v4 =	vld [tilespmem:s9+$0xFFFFFFF0]  }
0x156: {  	v5 =	vld [tilespmem:s31+$0xFFFFFFF0]  }
0x157: {  	v6 =	vld [tilespmem:s9+$0x0]  }
0x158: {  	v7 =	vld [tilespmem:s31+$0x0]  }
0x159: {  	s10 =	simm.s32 $0x60;
	v8 =	vld [tilespmem:s9+$0xFFFFFFE0]  }
0x15a: {  	v9 =	vld [tilespmem:s10+$0x10]  }
0x15b: {  	v12 =	vld [tilespmem:s10+$0xFFFFFFF0]  }
0x15c: {  	v14 =	vld [tilespmem:s10+$0x0]  }
0x15d: {  	s9 =	simm.s32 $0x4E80;
	v16 =	vld [tilespmem:s10+$0xFFFFFFE0]  }
0x15e: {  	v10 =	vld [tilespmem:s9+$0x10]  }
0x15f: {  	v11 =	vld [tilespmem:s9+$0xFFFFFFE0]  }
0x160: {  	v13 =	vld [tilespmem:s9+$0xFFFFFFF0]  }
0x161: {  	s7 =	simm.s32 $0xEA60;
	v15 =	vld [tilespmem:s9+$0x0]  }
0x162: {  	v1 =	vld.idx.msk [tilespmem:v1+s7+$0x0], $0xffff  }
0x163: {  	v2 =	vld.idx.msk [tilespmem:v2+s7+$0x0], $0xffff  }
0x164: {  	v4 =	vld.idx.msk [tilespmem:v4+s7+$0x0], $0xffff  }
0x165: {  	v5 =	vld.idx.msk [tilespmem:v5+s7+$0x0], $0xffff  }
0x166: {  	v6 =	vld.idx.msk [tilespmem:v6+s7+$0x0], $0xffff  }
0x167: {  	v7 =	vld.idx.msk [tilespmem:v7+s7+$0x0], $0xffff  }
0x168: {  	v3 =	vld.idx.msk [tilespmem:v3+s7+$0x0], $0xffff  }
0x169: {  	v8 =	vld.idx.msk [tilespmem:v8+s7+$0x0], $0xffff  }
0x16a: {  	v9 =	vld.idx.msk [tilespmem:v9+s7+$0x0], $0xffff  }
0x16b: {  	v10 =	vld.idx.msk [tilespmem:v10+s7+$0x0], $0xffff;
	v2 =	vsub.f32 v2, v1  }
0x16c: {  	v4 =	vsub.f32 v5, v4;
	v1 =	vld.idx.msk [tilespmem:v11+s7+$0x0], $0xffff;
	v6 =	vsub.f32 v7, v6  }
0x16d: {  	s10 =	simm.s32 $0x9C60;
	v5 =	vand.u32 $0x7FFFFFFF, v2;
	v2 =	vld.idx.msk [tilespmem:v12+s7+$0x0], $0xffff  }
0x16e: {  	v7 =	vsub.f32 v3, v8;
	v3 =	vand.u32 $0x7FFFFFFF, v4;
	v4 =	vand.u32 $0x7FFFFFFF, v6;
	v6 =	vld.idx.msk [tilespmem:v15+s7+$0x0], $0xffff;
	[tilespmem:s10+$0x10] =	vst v5  }
0x16f: {  	v5 =	vld.idx.msk [tilespmem:v13+s7+$0x0], $0xffff;
	[tilespmem:s10+$0xFFFFFFF0] =	vst v3  }
0x170: {  	v7 =	vand.u32 $0x7FFFFFFF, v7;
	v3 =	vld.idx.msk [tilespmem:v14+s7+$0x0], $0xffff;
	[tilespmem:s10+$0x0] =	vst v4  }
0x171: {  	s11 =	simm.s32 $0x4;
	s12 =	simm.s32 $0xA0;
	[tilespmem:s10+$0xFFFFFFE0] =	vst v7;
	v4 =	vld.idx.msk [tilespmem:v16+s7+$0x0], $0xffff;
	v7 =	vsub.f32 v10, v9  }
.LBB2_13:
0x172: {  	v8 =	vld [tilespmem:s12+$0x10];
	s9 =	sadd.s32 $0x40, s9  }
0x173: {  	s11 =	sadd.s32 $0x4, s11;
	s10 =	sadd.s32 $0x40, s10;
	v9 =	vld [tilespmem:s9+$0x10];
	v7 =	vand.u32 $0x7FFFFFFF, v7  }
0x174: {  	p0 =	slt.u32 s11, $0x4DC;
	v2 =	vsub.f32 v5, v2;
	v10 =	vld [tilespmem:s9+$0xFFFFFFE0];
	[tilespmem:s10+$0x10] =	vst v7  }
0x175: {  	v5 =	vld [tilespmem:s12+$0xFFFFFFF0]  }
0x176: {  	v2 =	vand.u32 $0x7FFFFFFF, v2;
	v3 =	vsub.f32 v6, v3;
	v7 =	vld [tilespmem:s9+$0xFFFFFFF0]  }
0x177: {  	v1 =	vsub.f32 v1, v4;
	v6 =	vld [tilespmem:s12+$0x0];
	[tilespmem:s10+$0xFFFFFFF0] =	vst v2  }
0x178: {  	v2 =	vand.u32 $0x7FFFFFFF, v3;
	v4 =	vld [tilespmem:s9+$0x0]  }
0x179: {  	v1 =	vand.u32 $0x7FFFFFFF, v1;
	v11 =	vld [tilespmem:s12+$0xFFFFFFE0];
	[tilespmem:s10+$0x0] =	vst v2  }
0x17a: {  	v8 =	vld.idx.msk [tilespmem:v8+s7+$0x0], $0xffff;
	[tilespmem:s10+$0xFFFFFFE0] =	vst v1  }
0x17b: {  	v9 =	vld.idx.msk [tilespmem:v9+s7+$0x0], $0xffff  }
0x17c: {  	v1 =	vld.idx.msk [tilespmem:v10+s7+$0x0], $0xffff  }
.Ltmp6:
0x17d: {  	v2 =	vld.idx.msk [tilespmem:v5+s7+$0x0], $0xffff;
	(pc) =	sbr.rel @p0 .LBB2_13-.Ltmp6, $4  }
0x17e: {  	v5 =	vld.idx.msk [tilespmem:v7+s7+$0x0], $0xffff  }
0x17f: {  	v3 =	vld.idx.msk [tilespmem:v6+s7+$0x0], $0xffff  }
0x180: {  	v6 =	vld.idx.msk [tilespmem:v4+s7+$0x0], $0xffff  }
0x181: {  	s12 =	sadd.s32 $0x40, s12;
	v7 =	vsub.f32 v9, v8;
	v4 =	vld.idx.msk [tilespmem:v11+s7+$0x0], $0xffff  }
0x182: {  	_ =	sdelay $0x1  }
0x183: {  	v2 =	vsub.f32 v5, v2  }
0x184: {  	s7 =	sadd.s32 $0x40, s10;
	v63 =	vand.u32 $0x7FFFFFFF, v7;
	v3 =	vsub.f32 v6, v3  }
0x185: {  	[tilespmem:s7+$0x10] =	vst v63;
	v2 =	vand.u32 $0x7FFFFFFF, v2;
	v1 =	vsub.f32 v1, v4  }
0x186: {  	[tilespmem:s7+$0xFFFFFFF0] =	vst v2;
	v2 =	vand.u32 $0x7FFFFFFF, v3  }
0x187: {  	v1 =	vand.u32 $0x7FFFFFFF, v1;
	[tilespmem:s7+$0x0] =	vst v2  }
0x188: {  	s9 =	simm.s32 $0xEA60;
	s10 =	simm.s32 $0x0;
	[tilespmem:s7+$0xFFFFFFE0] =	vst v1;
	s7 =	simm.s32 $0x0  }
.LBB2_15:
0x189: {  	s11 =	sshra.s32 s10, $0x2  }
0x18a: {  	v1 =	vld [tilespmem:s11+$0x4E00]  }
0x18b: {  	v2 =	vld [tilespmem:s11+$0x9C20];
	_ =	sdelay $0x6  }
0x18c: {  	v1 =	vld.idx.msk [tilespmem:v1+s9+$0x0], $0xffff  }
0x18d: {  	v2 =	vld.idx.msk [tilespmem:v2+s9+$0x0], $0xffff;
	_ =	sdelay $0x2  }
0x18e: {  	p0 =	sne.s32 s10, $0x40  }
.Ltmp7:
0x18f: {  	_ = 	snop;
	(pc) =	sbr.rel @p0 .LBB2_15-.Ltmp7, $3  }
0x190: {  	v1 =	vsub.f32 v2, v1;
	_ =	sdelay $0x1  }
0x191: {  	v1 =	vand.u32 $0x7FFFFFFF, v1  }
0x192: {  	s10 =	sadd.s32 $0x40, s10;
	[tilespmem:s11+$0xEA40] =	vst v1  }
.Ltmp8:
0x193: {  	(pc) =	sbr.rel .LBB2_17-.Ltmp8, $2  }
0x194: {  	_ =	sdelay $0x2  }
0x195: {  	s9 =	simm.s32 $0x13A60  }
.LBB2_21:
0x196: {  	s7 =	sadd.s32 $0x1, s7  }
0x197: {  	p0 =	sne.s32 s7, $0x271  }
.Ltmp9:
0x198: {  	_ = 	snop;
	(pc) =	sbr.rel @!p0 .LBB2_22-.Ltmp9, $1  }
0x199: {  	_ =	sdelay $0x3  }
.LBB2_17:
0x19a: {  	s10 =	sshll.u32 s7, $0x5  }
0x19b: {  	v1 =	vld [tilespmem:s10+$0x4E20];
	_ =	sdelay $0x6  }
0x19c: {  	v2 =	vld [tilespmem:s10+$0x9C40]  }
0x19d: {  	v3 =	vld.idx.msk [tilespmem:v1+s9+$0x0], $0xffff;
	_ =	sdelay $0x4  }
0x19e: {  	v2 =	vmax.f32 v3, v2  }
0x19f: {  	[tilespmem:v1+s9+$0x0] =	vst.idx.msk $0xffff, v2  }
0x1a0: {  	v3 =	vld.idx.msk [tilespmem:v1+s9+$0x0], $0xffff;
	_ =	sdelay $0x4  }
0x1a1: {  	vm0 =	vlt.f32 v3, v2  }
0x1a2: {  	v3 =	vmpcnt.ones.xlane vm0;
	_ =	sdelay $0x1  }
0x1a3: {  	(v2sf) =	vpush v3, $0x0;
	_ =	sdelay $0xe  }
0x1a4: {  	s11 =	spop (v2sf)  }
0x1a5: {  	p0 =	slt.s32 s11, $0x1  }
.Ltmp10:
0x1a6: {  	_ = 	snop;
	(pc) =	sbr.rel @p0 .LBB2_19-.Ltmp10, $1  }
0x1a7: {  	_ =	sdelay $0x3  }
.LBB2_18:
0x1a8: {  	[tilespmem:v1+s9+$0x0] =	vst.idx.msk vm0, v2  }
0x1a9: {  	v3 =	vld.idx.msk [tilespmem:v1+s9+$0x0], $0xffff;
	_ =	sdelay $0x4  }
0x1aa: {  	vm0 =	vlt.f32 v3, v2  }
0x1ab: {  	v3 =	vmpcnt.ones.xlane vm0;
	_ =	sdelay $0x1  }
0x1ac: {  	(v2sf) =	vpush v3, $0x0;
	_ =	sdelay $0xe  }
0x1ad: {  	s11 =	spop (v2sf)  }
0x1ae: {  	p0 =	sgt.s32 s11, $0x0  }
.Ltmp11:
0x1af: {  	_ = 	snop;
	(pc) =	sbr.rel @p0 .LBB2_18-.Ltmp11, $1  }
0x1b0: {  	_ =	sdelay $0x3  }
.LBB2_19:
0x1b1: {  	v1 =	vld [tilespmem:s10+$0x4E30];
	_ =	sdelay $0x6  }
0x1b2: {  	v2 =	vld [tilespmem:s10+$0x9C50]  }
0x1b3: {  	v3 =	vld.idx.msk [tilespmem:v1+s9+$0x0], $0xffff;
	_ =	sdelay $0x4  }
0x1b4: {  	v2 =	vmax.f32 v3, v2  }
0x1b5: {  	[tilespmem:v1+s9+$0x0] =	vst.idx.msk $0xffff, v2  }
0x1b6: {  	v3 =	vld.idx.msk [tilespmem:v1+s9+$0x0], $0xffff;
	_ =	sdelay $0x4  }
0x1b7: {  	vm0 =	vlt.f32 v3, v2  }
0x1b8: {  	v3 =	vmpcnt.ones.xlane vm0;
	_ =	sdelay $0x1  }
0x1b9: {  	(v2sf) =	vpush v3, $0x0;
	_ =	sdelay $0xe  }
0x1ba: {  	s31 =	spop (v2sf)  }
0x1bb: {  	p0 =	slt.s32 s31, $0x1  }
.Ltmp12:
0x1bc: {  	_ = 	snop;
	(pc) =	sbr.rel @p0 .LBB2_21-.Ltmp12, $1  }
0x1bd: {  	_ =	sdelay $0x3  }
.LBB2_20:
0x1be: {  	[tilespmem:v1+s9+$0x0] =	vst.idx.msk vm0, v2  }
0x1bf: {  	v3 =	vld.idx.msk [tilespmem:v1+s9+$0x0], $0xffff;
	_ =	sdelay $0x4  }
0x1c0: {  	vm0 =	vlt.f32 v3, v2  }
0x1c1: {  	v3 =	vmpcnt.ones.xlane vm0;
	_ =	sdelay $0x1  }
0x1c2: {  	(v2sf) =	vpush v3, $0x0;
	_ =	sdelay $0xe  }
0x1c3: {  	s10 =	spop (v2sf)  }
0x1c4: {  	p0 =	sgt.s32 s10, $0x0  }
.Ltmp13:
0x1c5: {  	_ = 	snop;
	(pc) =	sbr.rel @p0 .LBB2_20-.Ltmp13, $1  }
0x1c6: {  	_ =	sdelay $0x3  }
.Ltmp14:
0x1c7: {  	_ = 	snop;
	(pc) =	sbr.rel .LBB2_21-.Ltmp14, $1  }
0x1c8: {  	_ =	sdelay $0x3  }
.LBB2_22:
0x1c9: {  	s7 =	simm.s32 $0x13A60;
	s31 =	simm.s32 $0x1  }
0x1ca: {  	[spmem:s6] =	stream.linear.scatter [tilespmem:s7], [sflag:$0x1], $0x2800, $0x38;
	[tilespmem:$0x1C500] =	vst v63  }
0x1cb: {  	_ =	swait.ge [sflag:s31], $0x2800  }
0x1cc: {  	[sflag:s31] =	ssyncset.done $0x0  }
0x1cd: {  	s9 =	simm.s32 $0x280;
	[sflag:s31] =	ssyncadd.s32 $0xFFFFD800  }
0x1ce: {  	s10 =	simm.s32 $0x2800;
	s11 =	simm.s32 $0x16260;
	[bflag:$0x0] =	sbarrier.arrive $0xFFFF  }
0x1cf: {  	[tilespmem:s11], [sflag:$0x1] =	stream.strided.gather [spmem:s5], $0x2800, s10, s9, $0x38;
	[tilespmem:$0x1C500] =	vst v63  }
0x1d0: {  	_ =	swait.ge [sflag:s31], $0x2800  }
0x1d1: {  	[sflag:s31] =	ssyncset.done $0x0  }
0x1d2: {  	s9 =	simm.s32 $0x0;
	[sflag:s31] =	ssyncadd.s32 $0xFFFFD800  }
0x1d3: {  	v1 =	vld [tilespmem:s9+$0x16260]  }
0x1d4: {  	v2 =	vld [tilespmem:s9+$0x164E0]  }
0x1d5: {  	v3 =	vld [tilespmem:s9+$0x16760]  }
0x1d6: {  	v4 =	vld [tilespmem:s9+$0x169E0]  }
0x1d7: {  	v5 =	vld [tilespmem:s9+$0x16C60]  }
0x1d8: {  	v6 =	vld [tilespmem:s9+$0x16EE0]  }
0x1d9: {  	v1 =	vmax.f32 v1, v2;
	v2 =	vld [tilespmem:s9+$0x17160]  }
0x1da: {  	v1 =	vmax.f32 v1, v3;
	v3 =	vld [tilespmem:s9+$0x173E0]  }
0x1db: {  	v1 =	vmax.f32 v1, v4;
	v4 =	vld [tilespmem:s9+$0x17660]  }
0x1dc: {  	v1 =	vmax.f32 v1, v5;
	v5 =	vld [tilespmem:s9+$0x178E0]  }
0x1dd: {  	v1 =	vmax.f32 v1, v6;
	v6 =	vld [tilespmem:s9+$0x17B60]  }
0x1de: {  	v7 =	vld [tilespmem:s9+$0x17DE0];
	v1 =	vmax.f32 v1, v2  }
0x1df: {  	v1 =	vmax.f32 v1, v3;
	v3 =	vld [tilespmem:s9+$0x18060]  }
0x1e0: {  	v1 =	vmax.f32 v1, v4;
	v4 =	vld [tilespmem:s9+$0x182E0]  }
0x1e1: {  	v1 =	vmax.f32 v1, v5;
	v5 =	vld [tilespmem:s9+$0x18560]  }
0x1e2: {  	s7 =	simm.s32 $0x10;
	v8 =	vmax.f32 v1, v6;
	v6 =	vld [tilespmem:s9+$0x187E0]  }
0x1e3: {  	s10 =	simm.s32 $0x80;
	v2 =	vld [tilespmem:s7+$0x16260];
	v1 =	vimm.f32 $0.0e+00;
	v7 =	vmax.f32 v8, v7  }
.LBB2_23:
0x1e4: {  	p0 =	sne.s32 s10, $0x9C0;
	v8 =	vld [tilespmem:s7+$0x164E0];
	v3 =	vmax.f32 v7, v3  }
0x1e5: {  	v7 =	vld [tilespmem:s7+$0x16760];
	v3 =	vmax.f32 v3, v4  }
0x1e6: {  	v4 =	vld [tilespmem:s7+$0x169E0];
	v3 =	vmax.f32 v3, v5  }
0x1e7: {  	v5 =	vld [tilespmem:s7+$0x16C60];
	v3 =	vmax.f32 v3, v6  }
0x1e8: {  	v6 =	vld [tilespmem:s7+$0x16EE0];
	[tilespmem:s9+$0x196E0] =	vst v3;
	v1 =	vmax.f32 v1, v3;
	s9 =	smov.u32 s7  }
0x1e9: {  	v2 =	vmax.f32 v2, v8;
	v3 =	vld [tilespmem:s9+$0x17160]  }
0x1ea: {  	v2 =	vmax.f32 v2, v7;
	v7 =	vld [tilespmem:s9+$0x173E0]  }
0x1eb: {  	v2 =	vmax.f32 v2, v4;
	v4 =	vld [tilespmem:s9+$0x17660]  }
0x1ec: {  	v2 =	vmax.f32 v2, v5;
	v5 =	vld [tilespmem:s9+$0x178E0]  }
0x1ed: {  	v2 =	vmax.f32 v2, v6;
	v6 =	vld [tilespmem:s9+$0x17B60]  }
0x1ee: {  	v2 =	vmax.f32 v2, v3;
	v8 =	vld [tilespmem:s9+$0x17DE0]  }
.Ltmp15:
0x1ef: {  	v2 =	vmax.f32 v2, v7;
	v3 =	vld [tilespmem:s9+$0x18060];
	(pc) =	sbr.rel @p0 .LBB2_23-.Ltmp15, $4  }
0x1f0: {  	v2 =	vmax.f32 v2, v4;
	v4 =	vld [tilespmem:s9+$0x182E0]  }
0x1f1: {  	v2 =	vmax.f32 v2, v5;
	v5 =	vld [tilespmem:s9+$0x18560]  }
0x1f2: {  	s7 =	sshra.s32 s10, $0x2;
	v7 =	vmax.f32 v2, v6;
	v6 =	vld [tilespmem:s9+$0x187E0]  }
0x1f3: {  	s10 =	sadd.s32 $0x40, s10;
	v2 =	vld [tilespmem:s7+$0x16260];
	v7 =	vmax.f32 v7, v8  }
0x1f4: {  	v8 =	vld [tilespmem:s7+$0x164E0];
	v3 =	vmax.f32 v7, v3  }
0x1f5: {  	v41 =	vld [tilespmem:s7+$0x16760];
	v3 =	vmax.f32 v3, v4  }
0x1f6: {  	v42 =	vld [tilespmem:s7+$0x169E0];
	v3 =	vmax.f32 v3, v5  }
0x1f7: {  	v43 =	vld [tilespmem:s7+$0x16C60];
	v3 =	vmax.f32 v3, v6  }
0x1f8: {  	v44 =	vld [tilespmem:s7+$0x16EE0];
	[tilespmem:s9+$0x196E0] =	vst v3  }
0x1f9: {  	v2 =	vmax.f32 v2, v8;
	v45 =	vld [tilespmem:s7+$0x17160]  }
0x1fa: {  	v46 =	vld [tilespmem:s7+$0x173E0];
	v2 =	vmax.f32 v2, v41  }
0x1fb: {  	v47 =	vld [tilespmem:s7+$0x17660];
	v2 =	vmax.f32 v2, v42  }
0x1fc: {  	v48 =	vld [tilespmem:s7+$0x178E0];
	v2 =	vmax.f32 v2, v43  }
0x1fd: {  	v49 =	vld [tilespmem:s7+$0x17B60];
	v2 =	vmax.f32 v2, v44  }
0x1fe: {  	v50 =	vld [tilespmem:s7+$0x17DE0];
	v2 =	vmax.f32 v2, v45  }
0x1ff: {  	v51 =	vld [tilespmem:s7+$0x18060];
	v2 =	vmax.f32 v2, v46  }
0x200: {  	v52 =	vld [tilespmem:s7+$0x182E0];
	v2 =	vmax.f32 v2, v47  }
0x201: {  	v53 =	vld [tilespmem:s7+$0x18560];
	v2 =	vmax.f32 v2, v48  }
0x202: {  	v54 =	vld [tilespmem:s7+$0x187E0];
	v2 =	vmax.f32 v2, v49  }
0x203: {  	v2 =	vmax.f32 v2, v50  }
0x204: {  	v2 =	vmax.f32 v2, v51  }
0x205: {  	v2 =	vmax.f32 v2, v52  }
0x206: {  	v2 =	vmax.f32 v2, v53  }
0x207: {  	v1 =	vmax.f32 v1, v3;
	v2 =	vmax.f32 v2, v54  }
0x208: {  	v1 =	vmax.f32 v1, v2  }
0x209: {  	(v2sf) =	vpush v1, $0x0  }
0x20a: {  	(v2sf) =	vpush v1, $0x1  }
0x20b: {  	(v2sf) =	vpush v1, $0x2  }
0x20c: {  	(v2sf) =	vpush v1, $0x3  }
0x20d: {  	(v2sf) =	vpush v1, $0x4  }
0x20e: {  	(v2sf) =	vpush v1, $0x5  }
0x20f: {  	(v2sf) =	vpush v1, $0x6  }
0x210: {  	(v2sf) =	vpush v1, $0x7  }
0x211: {  	(v2sf) =	vpush v1, $0x8  }
0x212: {  	(v2sf) =	vpush v1, $0x9  }
0x213: {  	(v2sf) =	vpush v1, $0xA  }
0x214: {  	(v2sf) =	vpush v1, $0xB  }
0x215: {  	(v2sf) =	vpush v1, $0xC  }
0x216: {  	(v2sf) =	vpush v1, $0xD  }
0x217: {  	(v2sf) =	vpush v1, $0xE  }
0x218: {  	s17 =	spop (v2sf);
	(v2sf) =	vpush v1, $0xF  }
0x219: {  	s10 =	spop (v2sf)  }
0x21a: {  	s9 =	smax.f32 s17, s10;
	s18 =	spop (v2sf)  }
0x21b: {  	s9 =	smax.f32 s9, s18;
	s19 =	spop (v2sf)  }
0x21c: {  	s9 =	smax.f32 s9, s19;
	s20 =	spop (v2sf)  }
0x21d: {  	s9 =	smax.f32 s9, s20;
	s21 =	spop (v2sf)  }
0x21e: {  	s9 =	smax.f32 s9, s21;
	s22 =	spop (v2sf)  }
0x21f: {  	s9 =	smax.f32 s9, s22;
	s23 =	spop (v2sf)  }
0x220: {  	s9 =	smax.f32 s9, s23;
	s24 =	spop (v2sf)  }
0x221: {  	s9 =	smax.f32 s9, s24;
	s25 =	spop (v2sf)  }
0x222: {  	s9 =	smax.f32 s9, s25;
	s26 =	spop (v2sf)  }
0x223: {  	s9 =	smax.f32 s9, s26;
	s28 =	spop (v2sf)  }
0x224: {  	s9 =	smax.f32 s9, s28;
	s29 =	spop (v2sf)  }
0x225: {  	s9 =	smax.f32 s9, s29;
	s30 =	spop (v2sf)  }
0x226: {  	s9 =	smax.f32 s9, s30;
	s31 =	spop (v2sf)  }
0x227: {  	s9 =	smax.f32 s9, s31;
	s11 =	spop (v2sf)  }
0x228: {  	s9 =	smax.f32 s9, s11  }
0x229: {  	s12 =	sshll.u32 s3, $0x4;
	[tilespmem:s7+$0x196E0] =	vst v2;
	v1 =	vmov s9  }
0x22a: {  	s13 =	simm.s32 $0x19960;
	s14 =	simm.s32 $0x1;
	s7 =	sadd.s32 s12, s2;
	[tilespmem:$0x19960] =	vst v1  }
0x22b: {  	[spmem:s7] =	stream.linear.scatter [tilespmem:s13], [sflag:$0x1], $0x10, $0x38;
	[tilespmem:$0x1C500] =	vst v63  }
0x22c: {  	_ =	swait.ge [sflag:s14], $0x10  }
0x22d: {  	[sflag:s14] =	ssyncset.done $0x0  }
0x22e: {  	[sflag:s14] =	ssyncadd.s32 $0xFFFFFFF0  }
0x22f: {  	s15 =	simm.s32 $0x19970;
	[bflag:$0x0] =	sbarrier.arrive $0xFFFF  }
0x230: {  	[tilespmem:s15], [sflag:$0x1] =	stream.linear.gather [spmem:s2], $0x100, $0x38;
	[tilespmem:$0x1C500] =	vst v63  }
0x231: {  	_ =	swait.ge [sflag:s14], $0x100  }
0x232: {  	[sflag:s14] =	ssyncset.done $0x0  }
0x233: {  	[sflag:s14] =	ssyncadd.s32 $0xFFFFFF00  }
0x234: {  	v1 =	vld [tilespmem:$0x19970]  }
0x235: {  	v2 =	vld [tilespmem:$0x19980]  }
0x236: {  	v3 =	vld [tilespmem:$0x19990]  }
0x237: {  	v55 =	vld [tilespmem:$0x199A0]  }
0x238: {  	v56 =	vld [tilespmem:$0x199B0]  }
0x239: {  	v57 =	vld [tilespmem:$0x199C0]  }
0x23a: {  	v1 =	vmax.f32 v1, v2;
	v2 =	vld [tilespmem:$0x199D0]  }
0x23b: {  	v1 =	vmax.f32 v1, v3;
	v3 =	vld [tilespmem:$0x199E0]  }
0x23c: {  	v58 =	vld [tilespmem:$0x199F0];
	v1 =	vmax.f32 v1, v55  }
0x23d: {  	v59 =	vld [tilespmem:$0x19A00];
	v1 =	vmax.f32 v1, v56  }
0x23e: {  	v60 =	vld [tilespmem:$0x19A10];
	v1 =	vmax.f32 v1, v57  }
0x23f: {  	v1 =	vmax.f32 v1, v2;
	v2 =	vld [tilespmem:$0x19A20]  }
0x240: {  	v1 =	vmax.f32 v1, v3;
	v3 =	vld [tilespmem:$0x19A30]  }
0x241: {  	v61 =	vld [tilespmem:$0x19A40];
	v1 =	vmax.f32 v1, v58  }
0x242: {  	v62 =	vld [tilespmem:$0x19A50];
	v1 =	vmax.f32 v1, v59  }
0x243: {  	v63 =	vld [tilespmem:$0x19A60];
	v1 =	vmax.f32 v1, v60  }
0x244: {  	v1 =	vmax.f32 v1, v2  }
0x245: {  	v1 =	vmax.f32 v1, v3  }
0x246: {  	v1 =	vmax.f32 v1, v61  }
0x247: {  	v1 =	vmax.f32 v1, v62  }
0x248: {  	v1 =	vmax.f32 v1, v63  }
0x249: {  	(v2sf) =	vpush v1, $0x0  }
0x24a: {  	(v2sf) =	vpush v1, $0x1  }
0x24b: {  	(v2sf) =	vpush v1, $0x2  }
0x24c: {  	(v2sf) =	vpush v1, $0x3  }
0x24d: {  	(v2sf) =	vpush v1, $0x4  }
0x24e: {  	(v2sf) =	vpush v1, $0x5  }
0x24f: {  	(v2sf) =	vpush v1, $0x6  }
0x250: {  	(v2sf) =	vpush v1, $0x7  }
0x251: {  	(v2sf) =	vpush v1, $0x8  }
0x252: {  	(v2sf) =	vpush v1, $0x9  }
0x253: {  	(v2sf) =	vpush v1, $0xA  }
0x254: {  	(v2sf) =	vpush v1, $0xB  }
0x255: {  	(v2sf) =	vpush v1, $0xC  }
0x256: {  	(v2sf) =	vpush v1, $0xD  }
0x257: {  	(v2sf) =	vpush v1, $0xE  }
0x258: {  	s16 =	spop (v2sf);
	(v2sf) =	vpush v1, $0xF  }
0x259: {  	s17 =	spop (v2sf)  }
0x25a: {  	s11 =	spop (v2sf);
	s9 =	smax.f32 s16, s17  }
0x25b: {  	s18 =	spop (v2sf);
	s9 =	smax.f32 s9, s11  }
0x25c: {  	s19 =	spop (v2sf);
	s9 =	smax.f32 s9, s18  }
0x25d: {  	s20 =	spop (v2sf);
	s9 =	smax.f32 s9, s19  }
0x25e: {  	s21 =	spop (v2sf);
	s9 =	smax.f32 s9, s20  }
0x25f: {  	s22 =	spop (v2sf);
	s9 =	smax.f32 s9, s21  }
0x260: {  	s23 =	spop (v2sf);
	s9 =	smax.f32 s9, s22  }
0x261: {  	s24 =	spop (v2sf);
	s9 =	smax.f32 s9, s23  }
0x262: {  	s25 =	spop (v2sf);
	s9 =	smax.f32 s9, s24  }
0x263: {  	s26 =	spop (v2sf);
	s9 =	smax.f32 s9, s25  }
0x264: {  	s28 =	spop (v2sf);
	s9 =	smax.f32 s9, s26  }
0x265: {  	s29 =	spop (v2sf);
	s9 =	smax.f32 s9, s28  }
0x266: {  	s30 =	spop (v2sf);
	s9 =	smax.f32 s9, s29  }
0x267: {  	s9 =	smax.f32 s9, s30;
	s31 =	spop (v2sf)  }
0x268: {  	s9 =	smax.f32 s9, s31  }
0x269: {  	s9 =	sadd.f32 $9.999999930e-09, s9;
	_ =	sdelay $0x1  }
0x26a: {  	v1 =	vmov s9  }
0x26b: {  	(erf) = vrcp.f32 v1;
	_ =	sdelay $0x3  }
0x26c: {  	s9 =	simm.s32 $0x0  }
0x26d: {  	v2 =	vld [tilespmem:s9+$0x196E0];
	_ =	sdelay $0x1  }
0x26e: {  	v3 =	vld [tilespmem:s9+$0x18F60];
	_ =	sdelay $0x1  }
0x26f: {  	v1 =	vpop (erf)  }
0x270: {  	v2 =	vmul.f32 v2, v1;
	_ =	sdelay $0x1  }
0x271: {  	v2 =	vmul.f32 v3, v2;
	_ =	sdelay $0x1  }
0x272: {  	v2 =	vadd.f32 $1.000000000e+00, v2;
	_ =	sdelay $0x1  }
0x273: {  	s10 =	simm.s32 $0x80;
	s11 =	simm.s32 $0x10;
	[tilespmem:s9+$0x196E0] =	vst v2  }
.LBB2_25:
0x274: {  	p0 =	sne.s32 s10, $0x9C0;
	v3 =	vld [tilespmem:s11+$0x196E0];
	[tilespmem:s9+$0x18CE0] =	vst v2;
	s9 =	smov.u32 s11;
	_ =	sdelay $0x1  }
0x275: {  	v2 =	vld [tilespmem:s9+$0x18F60];
	_ =	sdelay $0x2  }
0x276: {  	v3 =	vmul.f32 v3, v1;
	_ =	sdelay $0x1  }
.Ltmp16:
0x277: {  	v2 =	vmul.f32 v2, v3;
	(pc) =	sbr.rel @p0 .LBB2_25-.Ltmp16, $3  }
0x278: {  	_ = 	snop  }
0x279: {  	v2 =	vadd.f32 $1.000000000e+00, v2;
	_ =	sdelay $0x1  }
0x27a: {  	s11 =	sshra.s32 s10, $0x2;
	s10 =	sadd.s32 $0x40, s10;
	[tilespmem:s9+$0x196E0] =	vst v2  }
0x27b: {  	v3 =	vld [tilespmem:s11+$0x196E0]  }
0x27c: {  	[tilespmem:s9+$0x18CE0] =	vst v2  }
0x27d: {  	v2 =	vld [tilespmem:s11+$0x18F60];
	_ =	sdelay $0x2  }
0x27e: {  	v1 =	vmul.f32 v3, v1;
	_ =	sdelay $0x1  }
0x27f: {  	v1 =	vmul.f32 v2, v1;
	_ =	sdelay $0x1  }
0x280: {  	v1 =	vadd.f32 $1.000000000e+00, v1;
	_ =	sdelay $0x1  }
0x281: {  	[tilespmem:s11+$0x196E0] =	vst v1  }
0x282: {  	s8 =	sadd.s32 s8, s4;
	s30 =	simm.s32 $0x196E0;
	s31 =	simm.s32 $0x1;
	[tilespmem:s11+$0x18CE0] =	vst v1  }
0x283: {  	[spmem:s8] =	stream.linear.scatter [tilespmem:s30], [sflag:$0x1], $0x280, $0x38;
	[tilespmem:$0x1C500] =	vst v63  }
0x284: {  	_ =	swait.ge [sflag:s31], $0x280  }
0x285: {  	[sflag:s31] =	ssyncset.done $0x0  }
0x286: {  	[sflag:s31] =	ssyncadd.s32 $0xFFFFFD80  }
0x287: {  	s10 =	simm.s32 $0x11260;
	[bflag:$0x0] =	sbarrier.arrive $0xFFFF  }
0x288: {  	[tilespmem:s10], [sflag:$0x1] =	stream.linear.gather [spmem:s4], $0x2800, $0x38;
	[tilespmem:$0x1C500] =	vst v63  }
0x289: {  	_ =	swait.ge [sflag:s31], $0x2800  }
0x28a: {  	[sflag:s31] =	ssyncset.done $0x0  }
0x28b: {  	[sflag:s31] =	ssyncadd.s32 $0xFFFFD800  }
0x28c: {  	s9 =	simm.s32 $0x13AA0;
	v1 =	vimm.f32 $0.0e+00;
	[bflag:$0x0] =	sbarrier.arrive $0xFFFF  }
0x28d: {  	[tilespmem:s9+$0xFFFFFFC0] =	vst v1  }
0x28e: {  	[tilespmem:s9+$0x30] =	vst v1  }
0x28f: {  	[tilespmem:s9+$0x20] =	vst v1  }
0x290: {  	[tilespmem:s9+$0x10] =	vst v1  }
0x291: {  	[tilespmem:s9+$0x0] =	vst v1  }
0x292: {  	[tilespmem:s9+$0xFFFFFFF0] =	vst v1  }
0x293: {  	s10 =	simm.s32 $0x0;
	[tilespmem:s9+$0xFFFFFFE0] =	vst v1  }
.LBB2_27:
0x294: {  	s10 =	sadd.s32 $0x8, s10;
	[tilespmem:s9+$0xFFFFFFD0] =	vst v1;
	s9 =	sadd.s32 $0x80, s9  }
0x295: {  	[tilespmem:s9+$0xFFFFFFC0] =	vst v1;
	p0 =	slt.u32 s10, $0x278  }
0x296: {  	[tilespmem:s9+$0x30] =	vst v1  }
.Ltmp17:
0x297: {  	[tilespmem:s9+$0x20] =	vst v1;
	(pc) =	sbr.rel @p0 .LBB2_27-.Ltmp17, $4  }
0x298: {  	[tilespmem:s9+$0x10] =	vst v1  }
0x299: {  	[tilespmem:s9+$0x0] =	vst v1  }
0x29a: {  	[tilespmem:s9+$0xFFFFFFF0] =	vst v1  }
0x29b: {  	[tilespmem:s9+$0xFFFFFFE0] =	vst v1  }
0x29c: {  	[tilespmem:s9+$0xFFFFFFD0] =	vst v1;
	s31 =	simm.s32 $0x20  }
0x29d: {  	v1 =	vld [tilespmem:s31+$0x10];
	_ =	sdelay $0x1  }
0x29e: {  	v3 =	vld [tilespmem:s31+$0xFFFFFFE0]  }
0x29f: {  	v4 =	vld [tilespmem:s31+$0xFFFFFFF0]  }
0x2a0: {  	s10 =	simm.s32 $0x60;
	v5 =	vld [tilespmem:s31+$0x0]  }
0x2a1: {  	v8 =	vld [tilespmem:s10+$0x10]  }
0x2a2: {  	v2 =	vld [tilespmem:s10+$0xFFFFFFF0]  }
0x2a3: {  	s9 =	simm.s32 $0x11260;
	v7 =	vld [tilespmem:s10+$0xFFFFFFE0]  }
0x2a4: {  	v9 =	vld.idx.msk [tilespmem:v1+s9+$0x0], $0xffff  }
0x2a5: {  	v1 =	vld [tilespmem:s10+$0x0]  }
0x2a6: {  	v6 =	vld.idx.msk [tilespmem:v3+s9+$0x0], $0xffff  }
0x2a7: {  	v3 =	vld.idx.msk [tilespmem:v4+s9+$0x0], $0xffff  }
0x2a8: {  	s10 =	simm.s32 $0x9C60;
	v4 =	vld.idx.msk [tilespmem:v5+s9+$0x0], $0xffff  }
0x2a9: {  	s11 =	simm.s32 $0x4;
	s12 =	simm.s32 $0xA0;
	v5 =	vld.idx.msk [tilespmem:v8+s9+$0x0], $0xffff;
	[tilespmem:s10+$0x10] =	vst v9  }
.LBB2_29:
0x2aa: {  	v8 =	vld [tilespmem:s12+$0x10];
	s11 =	sadd.s32 $0x4, s11  }
0x2ab: {  	v9 =	vld [tilespmem:s12+$0xFFFFFFF0];
	p0 =	slt.u32 s11, $0x4DC;
	[tilespmem:s10+$0xFFFFFFE0] =	vst v6  }
0x2ac: {  	v10 =	vld [tilespmem:s12+$0x0];
	[tilespmem:s10+$0xFFFFFFF0] =	vst v3  }
0x2ad: {  	v11 =	vld [tilespmem:s12+$0xFFFFFFE0];
	[tilespmem:s10+$0x0] =	vst v4  }
.Ltmp18:
0x2ae: {  	s10 =	sadd.s32 $0x40, s10;
	v6 =	vld.idx.msk [tilespmem:v7+s9+$0x0], $0xffff;
	(pc) =	sbr.rel @p0 .LBB2_29-.Ltmp18, $4  }
0x2af: {  	v3 =	vld.idx.msk [tilespmem:v2+s9+$0x0], $0xffff;
	[tilespmem:s10+$0x10] =	vst v5  }
0x2b0: {  	v4 =	vld.idx.msk [tilespmem:v1+s9+$0x0], $0xffff;
	v2 =	vmov v9  }
0x2b1: {  	v1 =	vmov v10  }
0x2b2: {  	s12 =	sadd.s32 $0x40, s12;
	v5 =	vld.idx.msk [tilespmem:v8+s9+$0x0], $0xffff;
	v7 =	vmov v11  }
0x2b3: {  	_ =	sdelay $0x3  }
0x2b4: {  	v7 =	vld.idx.msk [tilespmem:v7+s9+$0x0], $0xffff  }
0x2b5: {  	[tilespmem:s10+$0xFFFFFFE0] =	vst v6;
	v2 =	vld.idx.msk [tilespmem:v2+s9+$0x0], $0xffff  }
0x2b6: {  	v1 =	vld.idx.msk [tilespmem:v1+s9+$0x0], $0xffff;
	[tilespmem:s10+$0xFFFFFFF0] =	vst v3  }
0x2b7: {  	s31 =	sadd.s32 $0x40, s10;
	[tilespmem:s10+$0x0] =	vst v4  }
0x2b8: {  	[tilespmem:s31+$0x10] =	vst v5  }
0x2b9: {  	[tilespmem:s31+$0xFFFFFFE0] =	vst v7  }
0x2ba: {  	[tilespmem:s31+$0xFFFFFFF0] =	vst v2  }
0x2bb: {  	s9 =	simm.s32 $0x0;
	s11 =	simm.s32 $0x0;
	s10 =	simm.s32 $0x11260;
	[tilespmem:s31+$0x0] =	vst v1  }
.LBB2_31:
0x2bc: {  	s12 =	sshra.s32 s11, $0x2  }
0x2bd: {  	v1 =	vld [tilespmem:s12+$0x4E00];
	_ =	sdelay $0x7  }
0x2be: {  	p0 =	sne.s32 s11, $0x40;
	v1 =	vld.idx.msk [tilespmem:v1+s10+$0x0], $0xffff  }
.Ltmp19:
0x2bf: {  	_ = 	snop;
	(pc) =	sbr.rel @p0 .LBB2_31-.Ltmp19, $2  }
0x2c0: {  	_ =	sdelay $0x2  }
0x2c1: {  	s11 =	sadd.s32 $0x40, s11;
	[tilespmem:s12+$0xEA40] =	vst v1  }
.Ltmp20:
0x2c2: {  	(pc) =	sbr.rel .LBB2_33-.Ltmp20, $2  }
0x2c3: {  	_ =	sdelay $0x2  }
0x2c4: {  	s10 =	simm.s32 $0x13A60  }
.LBB2_37:
0x2c5: {  	s9 =	sadd.s32 $0x1, s9  }
0x2c6: {  	p0 =	sne.s32 s9, $0x271  }
.Ltmp21:
0x2c7: {  	_ = 	snop;
	(pc) =	sbr.rel @!p0 .LBB2_38-.Ltmp21, $1  }
0x2c8: {  	_ =	sdelay $0x3  }
.LBB2_33:
0x2c9: {  	s11 =	sshll.u32 s9, $0x5  }
0x2ca: {  	v1 =	vld [tilespmem:s11+$0x4E20];
	_ =	sdelay $0x6  }
0x2cb: {  	v2 =	vld [tilespmem:s11+$0x9C40]  }
0x2cc: {  	v3 =	vld.idx.msk [tilespmem:v1+s10+$0x0], $0xffff;
	_ =	sdelay $0x4  }
0x2cd: {  	v2 =	vmax.f32 v3, v2  }
0x2ce: {  	[tilespmem:v1+s10+$0x0] =	vst.idx.msk $0xffff, v2  }
0x2cf: {  	v3 =	vld.idx.msk [tilespmem:v1+s10+$0x0], $0xffff;
	_ =	sdelay $0x4  }
0x2d0: {  	vm0 =	vlt.f32 v3, v2  }
0x2d1: {  	v3 =	vmpcnt.ones.xlane vm0;
	_ =	sdelay $0x1  }
0x2d2: {  	(v2sf) =	vpush v3, $0x0;
	_ =	sdelay $0xe  }
0x2d3: {  	s12 =	spop (v2sf)  }
0x2d4: {  	p0 =	slt.s32 s12, $0x1  }
.Ltmp22:
0x2d5: {  	_ = 	snop;
	(pc) =	sbr.rel @p0 .LBB2_35-.Ltmp22, $1  }
0x2d6: {  	_ =	sdelay $0x3  }
.LBB2_34:
0x2d7: {  	[tilespmem:v1+s10+$0x0] =	vst.idx.msk vm0, v2  }
0x2d8: {  	v3 =	vld.idx.msk [tilespmem:v1+s10+$0x0], $0xffff;
	_ =	sdelay $0x4  }
0x2d9: {  	vm0 =	vlt.f32 v3, v2  }
0x2da: {  	v3 =	vmpcnt.ones.xlane vm0;
	_ =	sdelay $0x1  }
0x2db: {  	(v2sf) =	vpush v3, $0x0;
	_ =	sdelay $0xe  }
0x2dc: {  	s12 =	spop (v2sf)  }
0x2dd: {  	p0 =	sgt.s32 s12, $0x0  }
.Ltmp23:
0x2de: {  	_ = 	snop;
	(pc) =	sbr.rel @p0 .LBB2_34-.Ltmp23, $1  }
0x2df: {  	_ =	sdelay $0x3  }
.LBB2_35:
0x2e0: {  	v1 =	vld [tilespmem:s11+$0x4E30];
	_ =	sdelay $0x6  }
0x2e1: {  	v2 =	vld [tilespmem:s11+$0x9C50]  }
0x2e2: {  	v3 =	vld.idx.msk [tilespmem:v1+s10+$0x0], $0xffff;
	_ =	sdelay $0x4  }
0x2e3: {  	v2 =	vmax.f32 v3, v2  }
0x2e4: {  	[tilespmem:v1+s10+$0x0] =	vst.idx.msk $0xffff, v2  }
0x2e5: {  	v3 =	vld.idx.msk [tilespmem:v1+s10+$0x0], $0xffff;
	_ =	sdelay $0x4  }
0x2e6: {  	vm0 =	vlt.f32 v3, v2  }
0x2e7: {  	v3 =	vmpcnt.ones.xlane vm0;
	_ =	sdelay $0x1  }
0x2e8: {  	(v2sf) =	vpush v3, $0x0;
	_ =	sdelay $0xe  }
0x2e9: {  	s31 =	spop (v2sf)  }
0x2ea: {  	p0 =	slt.s32 s31, $0x1  }
.Ltmp24:
0x2eb: {  	_ = 	snop;
	(pc) =	sbr.rel @p0 .LBB2_37-.Ltmp24, $1  }
0x2ec: {  	_ =	sdelay $0x3  }
.LBB2_36:
0x2ed: {  	[tilespmem:v1+s10+$0x0] =	vst.idx.msk vm0, v2  }
0x2ee: {  	v3 =	vld.idx.msk [tilespmem:v1+s10+$0x0], $0xffff;
	_ =	sdelay $0x4  }
0x2ef: {  	vm0 =	vlt.f32 v3, v2  }
0x2f0: {  	v3 =	vmpcnt.ones.xlane vm0;
	_ =	sdelay $0x1  }
0x2f1: {  	(v2sf) =	vpush v3, $0x0;
	_ =	sdelay $0xe  }
0x2f2: {  	s11 =	spop (v2sf)  }
0x2f3: {  	p0 =	sgt.s32 s11, $0x0  }
.Ltmp25:
0x2f4: {  	_ = 	snop;
	(pc) =	sbr.rel @p0 .LBB2_36-.Ltmp25, $1  }
0x2f5: {  	_ =	sdelay $0x3  }
.Ltmp26:
0x2f6: {  	_ = 	snop;
	(pc) =	sbr.rel .LBB2_37-.Ltmp26, $1  }
0x2f7: {  	_ =	sdelay $0x3  }
.LBB2_38:
0x2f8: {  	s9 =	simm.s32 $0x13A60;
	s30 =	simm.s32 $0x1  }
0x2f9: {  	[spmem:s6] =	stream.linear.scatter [tilespmem:s9], [sflag:$0x1], $0x2800, $0x38;
	[tilespmem:$0x1C500] =	vst v63  }
0x2fa: {  	_ =	swait.ge [sflag:s30], $0x2800  }
0x2fb: {  	[sflag:s30] =	ssyncset.done $0x0  }
0x2fc: {  	s10 =	simm.s32 $0x280;
	[sflag:s30] =	ssyncadd.s32 $0xFFFFD800  }
0x2fd: {  	s11 =	simm.s32 $0x2800;
	s12 =	simm.s32 $0x16260;
	[bflag:$0x0] =	sbarrier.arrive $0xFFFF  }
0x2fe: {  	[tilespmem:s12], [sflag:$0x1] =	stream.strided.gather [spmem:s5], $0x2800, s11, s10, $0x38;
	[tilespmem:$0x1C500] =	vst v63  }
0x2ff: {  	_ =	swait.ge [sflag:s30], $0x2800  }
0x300: {  	[sflag:s30] =	ssyncset.done $0x0  }
0x301: {  	s31 =	simm.s32 $0x17660;
	[sflag:s30] =	ssyncadd.s32 $0xFFFFD800  }
0x302: {  	v1 =	vld [tilespmem:s31+$0xFFFFEC30]  }
0x303: {  	v2 =	vld [tilespmem:s31+$0xFFFFEEB0]  }
0x304: {  	v3 =	vld [tilespmem:s31+$0xFFFFF130]  }
0x305: {  	v4 =	vld [tilespmem:s31+$0xFFFFF3B0]  }
0x306: {  	v5 =	vld [tilespmem:s31+$0xFFFFF630]  }
0x307: {  	v6 =	vld [tilespmem:s31+$0xFFFFF8B0]  }
0x308: {  	v7 =	vld [tilespmem:s31+$0xFFFFFB30]  }
0x309: {  	v8 =	vld [tilespmem:s31+$0xFFFFFDB0]  }
0x30a: {  	v9 =	vld [tilespmem:s31+$0x30]  }
0x30b: {  	v10 =	vld [tilespmem:s31+$0x2B0]  }
0x30c: {  	v11 =	vld [tilespmem:s31+$0x530]  }
0x30d: {  	v12 =	vld [tilespmem:s31+$0x7B0]  }
0x30e: {  	v13 =	vld [tilespmem:s31+$0xA30]  }
0x30f: {  	v14 =	vld [tilespmem:s31+$0xCB0]  }
0x310: {  	v15 =	vld [tilespmem:s31+$0xF30]  }
0x311: {  	v16 =	vld [tilespmem:s31+$0x11B0]  }
0x312: {  	v17 =	vld [tilespmem:s31+$0xFFFFEE80]  }
0x313: {  	s9 =	simm.s32 $0x18D00;
	v18 =	vld [tilespmem:s31+$0xFFFFEC10]  }
0x314: {  	v19 =	vld [tilespmem:s9+$0x10]  }
0x315: {  	v20 =	vld [tilespmem:s31+$0xFFFFEE90]  }
0x316: {  	v21 =	vld [tilespmem:s31+$0xFFFFEC20]  }
0x317: {  	v22 =	vld [tilespmem:s31+$0xFFFFEEA0]  }
0x318: {  	v23 =	vld [tilespmem:s31+$0xFFFFEC00]  }
0x319: {  	v24 =	vld [tilespmem:s31+$0xFFFFF100]  }
0x31a: {  	v25 =	vld [tilespmem:s31+$0xFFFFF110]  }
0x31b: {  	v26 =	vld [tilespmem:s31+$0xFFFFF120]  }
0x31c: {  	v27 =	vld [tilespmem:s31+$0xFFFFF380]  }
0x31d: {  	v28 =	vld [tilespmem:s31+$0xFFFFF390]  }
0x31e: {  	v29 =	vld [tilespmem:s31+$0xFFFFF3A0]  }
0x31f: {  	v30 =	vld [tilespmem:s31+$0xFFFFF600]  }
0x320: {  	v31 =	vld [tilespmem:s31+$0xFFFFF610]  }
0x321: {  	v32 =	vld [tilespmem:s31+$0xFFFFF620]  }
0x322: {  	v33 =	vld [tilespmem:s31+$0xFFFFF880]  }
0x323: {  	v34 =	vld [tilespmem:s31+$0xFFFFF890]  }
0x324: {  	v35 =	vld [tilespmem:s31+$0xFFFFF8A0]  }
0x325: {  	v36 =	vld [tilespmem:s31+$0xFFFFFB00]  }
0x326: {  	v52 =	vld [tilespmem:s31+$0x2A0]  }
0x327: {  	v53 =	vld [tilespmem:s31+$0x500]  }
0x328: {  	v54 =	vld [tilespmem:s31+$0x510]  }
0x329: {  	v55 =	vld [tilespmem:s31+$0x520]  }
0x32a: {  	v38 =	vld [tilespmem:s31+$0x790]  }
0x32b: {  	v39 =	vld [tilespmem:s31+$0x7A0]  }
0x32c: {  	v56 =	vld [tilespmem:s31+$0xA00]  }
0x32d: {  	v58 =	vld [tilespmem:s31+$0xA10]  }
0x32e: {  	v59 =	vld [tilespmem:s31+$0xA20];
	v1 =	vmax.f32 v1, v2  }
0x32f: {  	v60 =	vld [tilespmem:s31+$0xC80];
	v1 =	vmax.f32 v1, v3  }
0x330: {  	v61 =	vld [tilespmem:s31+$0xC90];
	v1 =	vmax.f32 v1, v4  }
0x331: {  	v2 =	vld [tilespmem:s31+$0xFFFFFB10];
	v1 =	vmax.f32 v1, v5  }
0x332: {  	v3 =	vld [tilespmem:s31+$0xFFFFFB20];
	v1 =	vmax.f32 v1, v6  }
0x333: {  	v4 =	vld [tilespmem:s31+$0xFFFFFD80];
	v1 =	vmax.f32 v1, v7  }
0x334: {  	v17 =	vmax.f32 v23, v17;
	v18 =	vmax.f32 v18, v20;
	v5 =	vld [tilespmem:s31+$0xFFFFFD90];
	v1 =	vmax.f32 v1, v8  }
0x335: {  	v57 =	vmax.f32 v21, v22;
	v17 =	vmax.f32 v17, v24;
	v6 =	vld [tilespmem:s31+$0xFFFFFDA0];
	v1 =	vmax.f32 v1, v9  }
0x336: {  	v18 =	vmax.f32 v18, v25;
	v20 =	vmax.f32 v57, v26;
	v7 =	vld [tilespmem:s31+$0x0];
	v1 =	vmax.f32 v1, v10  }
0x337: {  	v17 =	vmax.f32 v17, v27;
	v18 =	vmax.f32 v18, v28;
	v8 =	vld [tilespmem:s31+$0x10];
	v1 =	vmax.f32 v1, v11  }
0x338: {  	v20 =	vmax.f32 v20, v29;
	v17 =	vmax.f32 v17, v30;
	v9 =	vld [tilespmem:s31+$0x20];
	v1 =	vmax.f32 v1, v12  }
0x339: {  	v18 =	vmax.f32 v18, v31;
	v20 =	vmax.f32 v20, v32;
	v10 =	vld [tilespmem:s31+$0x280];
	v1 =	vmax.f32 v1, v13  }
0x33a: {  	v17 =	vmax.f32 v17, v33;
	v18 =	vmax.f32 v18, v34;
	v11 =	vld [tilespmem:s31+$0x290];
	v1 =	vmax.f32 v1, v14  }
0x33b: {  	v62 =	vld [tilespmem:s31+$0xCA0];
	v20 =	vmax.f32 v20, v35;
	v17 =	vmax.f32 v17, v36;
	v1 =	vmax.f32 v1, v15  }
0x33c: {  	v2 =	vmax.f32 v18, v2;
	v3 =	vmax.f32 v20, v3;
	v16 =	vmax.f32 v1, v16;
	v1 =	vld [tilespmem:s31+$0x780]  }
0x33d: {  	v63 =	vld [tilespmem:s31+$0xF00];
	v4 =	vmax.f32 v17, v4;
	v2 =	vmax.f32 v2, v5;
	v3 =	vmax.f32 v3, v6  }
0x33e: {  	v5 =	vld [tilespmem:s31+$0xF10];
	v4 =	vmax.f32 v4, v7;
	v2 =	vmax.f32 v2, v8;
	v3 =	vmax.f32 v3, v9  }
0x33f: {  	v6 =	vld [tilespmem:s31+$0xF20];
	v4 =	vmax.f32 v4, v10;
	v3 =	vmax.f32 v3, v52;
	v2 =	vmax.f32 v2, v11  }
0x340: {  	v9 =	vld [tilespmem:s31+$0x1180];
	v4 =	vmax.f32 v4, v53;
	v3 =	vmax.f32 v3, v55;
	v37 =	vmul.f32 $5.000000000e-01, v16  }
0x341: {  	v2 =	vmax.f32 v2, v54;
	v3 =	vmax.f32 v3, v39;
	v4 =	vmax.f32 v4, v1;
	v1 =	vld [tilespmem:s31+$0x1190]  }
0x342: {  	v7 =	vmax.f32 v2, v38;
	v2 =	vld [tilespmem:s31+$0x11A0];
	v3 =	vmax.f32 v3, v59;
	v4 =	vmax.f32 v4, v56  }
0x343: {  	v19 =	vmax.f32 v19, v37;
	v7 =	vmax.f32 v7, v58;
	v8 =	vmax.f32 v4, v60;
	v4 =	vld [tilespmem:s9+$0xFFFFFFE0]  }
0x344: {  	s10 =	simm.s32 $0x19700;
	v10 =	vmax.f32 v3, v62;
	v3 =	vld [tilespmem:s9+$0xFFFFFFF0];
	[tilespmem:s9+$0x10] =	vst v19;
	v7 =	vmax.f32 v7, v61;
	v11 =	vmax.f32 v8, v63  }
0x345: {  	s11 =	simm.s32 $0x0;
	s12 =	simm.s32 $0x176A0;
	[tilespmem:s10+$0x10] =	vst v16;
	v8 =	vmax.f32 v7, v5;
	v7 =	vmax.f32 v10, v6;
	v5 =	vld [tilespmem:s9+$0x0];
	v6 =	vmax.f32 v11, v9  }
.LBB2_39:
0x346: {  	v9 =	vld [tilespmem:s12+$0xFFFFEC30];
	v10 =	vmul.f32 $5.000000000e-01, v6;
	v1 =	vmax.f32 v8, v1  }
0x347: {  	v8 =	vld [tilespmem:s12+$0xFFFFEEB0];
	v11 =	vmul.f32 $5.000000000e-01, v1;
	v2 =	vmax.f32 v7, v2  }
0x348: {  	s11 =	sadd.s32 $0x4, s11;
	v7 =	vld [tilespmem:s12+$0xFFFFF130];
	v4 =	vmax.f32 v4, v10;
	v10 =	vmul.f32 $5.000000000e-01, v2  }
0x349: {  	p0 =	slt.u32 s11, $0x24;
	v12 =	vld [tilespmem:s12+$0xFFFFF3B0];
	[tilespmem:s9+$0xFFFFFFE0] =	vst v4;
	v3 =	vmax.f32 v3, v11  }
0x34a: {  	v4 =	vld [tilespmem:s12+$0xFFFFF630];
	[tilespmem:s10+$0xFFFFFFE0] =	vst v6;
	v5 =	vmax.f32 v5, v10  }
0x34b: {  	v6 =	vld [tilespmem:s12+$0xFFFFF8B0];
	[tilespmem:s9+$0xFFFFFFF0] =	vst v3  }
0x34c: {  	v3 =	vmax.f32 v9, v8;
	v8 =	vld [tilespmem:s12+$0xFFFFFB30];
	[tilespmem:s10+$0xFFFFFFF0] =	vst v1  }
0x34d: {  	v1 =	vmax.f32 v3, v7;
	v3 =	vld [tilespmem:s12+$0xFFFFFDB0];
	[tilespmem:s9+$0x0] =	vst v5  }
0x34e: {  	v1 =	vmax.f32 v1, v12;
	v5 =	vld [tilespmem:s12+$0x30];
	[tilespmem:s10+$0x0] =	vst v2  }
0x34f: {  	v1 =	vmax.f32 v1, v4;
	v2 =	vld [tilespmem:s12+$0x2B0]  }
0x350: {  	v1 =	vmax.f32 v1, v6;
	v4 =	vld [tilespmem:s12+$0x530]  }
0x351: {  	v1 =	vmax.f32 v1, v8;
	v6 =	vld [tilespmem:s12+$0x7B0]  }
0x352: {  	v1 =	vmax.f32 v1, v3;
	v3 =	vld [tilespmem:s12+$0xA30]  }
0x353: {  	v1 =	vmax.f32 v1, v5;
	v5 =	vld [tilespmem:s12+$0xCB0]  }
0x354: {  	v1 =	vmax.f32 v1, v2;
	v2 =	vld [tilespmem:s12+$0xF30]  }
0x355: {  	v1 =	vmax.f32 v1, v4;
	v4 =	vld [tilespmem:s12+$0x11B0]  }
0x356: {  	v7 =	vld [tilespmem:s12+$0xFFFFEE80];
	v1 =	vmax.f32 v1, v6  }
0x357: {  	s9 =	sadd.s32 $0x40, s9;
	v6 =	vld [tilespmem:s12+$0xFFFFEC10];
	v1 =	vmax.f32 v1, v3  }
0x358: {  	v1 =	vmax.f32 v1, v5;
	v3 =	vld [tilespmem:s9+$0x10]  }
0x359: {  	v5 =	vld [tilespmem:s12+$0xFFFFEE90];
	v1 =	vmax.f32 v1, v2  }
0x35a: {  	v2 =	vld [tilespmem:s12+$0xFFFFEC20];
	v1 =	vmax.f32 v1, v4  }
0x35b: {  	v4 =	vld [tilespmem:s12+$0xFFFFEEA0];
	v8 =	vmul.f32 $5.000000000e-01, v1  }
0x35c: {  	v9 =	vld [tilespmem:s12+$0xFFFFEC00]  }
0x35d: {  	v10 =	vld [tilespmem:s12+$0xFFFFF100];
	v3 =	vmax.f32 v3, v8  }
0x35e: {  	s10 =	sadd.s32 $0x40, s10;
	v5 =	vmax.f32 v6, v5;
	v6 =	vld [tilespmem:s12+$0xFFFFF110];
	[tilespmem:s9+$0x10] =	vst v3  }
0x35f: {  	v3 =	vld [tilespmem:s12+$0xFFFFF120];
	[tilespmem:s10+$0x10] =	vst v1  }
0x360: {  	v1 =	vld [tilespmem:s12+$0xFFFFF380];
	v2 =	vmax.f32 v2, v4  }
0x361: {  	v4 =	vmax.f32 v9, v7;
	v7 =	vld [tilespmem:s12+$0xFFFFF390]  }
0x362: {  	v4 =	vmax.f32 v4, v10;
	v8 =	vld [tilespmem:s12+$0xFFFFF3A0]  }
0x363: {  	v9 =	vld [tilespmem:s12+$0xFFFFF600];
	v5 =	vmax.f32 v5, v6  }
0x364: {  	v6 =	vld [tilespmem:s12+$0xFFFFF610];
	v2 =	vmax.f32 v2, v3  }
0x365: {  	v1 =	vmax.f32 v4, v1;
	v3 =	vld [tilespmem:s12+$0xFFFFF620]  }
0x366: {  	v4 =	vld [tilespmem:s12+$0xFFFFF880];
	v5 =	vmax.f32 v5, v7  }
0x367: {  	v7 =	vld [tilespmem:s12+$0xFFFFF890];
	v2 =	vmax.f32 v2, v8  }
0x368: {  	v1 =	vmax.f32 v1, v9;
	v8 =	vld [tilespmem:s12+$0xFFFFF8A0]  }
0x369: {  	v9 =	vld [tilespmem:s12+$0xFFFFFB00];
	v5 =	vmax.f32 v5, v6  }
0x36a: {  	v6 =	vld [tilespmem:s12+$0xFFFFFB10];
	v2 =	vmax.f32 v2, v3  }
0x36b: {  	v1 =	vmax.f32 v1, v4;
	v3 =	vld [tilespmem:s12+$0xFFFFFB20]  }
0x36c: {  	v4 =	vld [tilespmem:s12+$0xFFFFFD80];
	v5 =	vmax.f32 v5, v7  }
0x36d: {  	v7 =	vld [tilespmem:s12+$0xFFFFFD90];
	v2 =	vmax.f32 v2, v8  }
0x36e: {  	v1 =	vmax.f32 v1, v9;
	v8 =	vld [tilespmem:s12+$0xFFFFFDA0]  }
0x36f: {  	v9 =	vld [tilespmem:s12+$0x0];
	v5 =	vmax.f32 v5, v6  }
0x370: {  	v6 =	vld [tilespmem:s12+$0x10];
	v2 =	vmax.f32 v2, v3  }
0x371: {  	v1 =	vmax.f32 v1, v4;
	v3 =	vld [tilespmem:s12+$0x20]  }
0x372: {  	v4 =	vld [tilespmem:s12+$0x280];
	v5 =	vmax.f32 v5, v7  }
0x373: {  	v7 =	vld [tilespmem:s12+$0x290];
	v2 =	vmax.f32 v2, v8  }
0x374: {  	v1 =	vmax.f32 v1, v9;
	v8 =	vld [tilespmem:s12+$0x2A0]  }
0x375: {  	v9 =	vld [tilespmem:s12+$0x500];
	v5 =	vmax.f32 v5, v6  }
0x376: {  	v6 =	vld [tilespmem:s12+$0x510];
	v2 =	vmax.f32 v2, v3  }
0x377: {  	v1 =	vmax.f32 v1, v4;
	v3 =	vld [tilespmem:s12+$0x520]  }
0x378: {  	v4 =	vld [tilespmem:s12+$0x780];
	v5 =	vmax.f32 v5, v7  }
0x379: {  	v7 =	vld [tilespmem:s12+$0x790];
	v2 =	vmax.f32 v2, v8  }
0x37a: {  	v1 =	vmax.f32 v1, v9;
	v8 =	vld [tilespmem:s12+$0x7A0]  }
0x37b: {  	v9 =	vld [tilespmem:s12+$0xA00];
	v5 =	vmax.f32 v5, v6  }
0x37c: {  	v6 =	vld [tilespmem:s12+$0xA10];
	v2 =	vmax.f32 v2, v3  }
0x37d: {  	v1 =	vmax.f32 v1, v4;
	v3 =	vld [tilespmem:s12+$0xA20]  }
0x37e: {  	v4 =	vld [tilespmem:s12+$0xC80];
	v5 =	vmax.f32 v5, v7  }
0x37f: {  	v7 =	vld [tilespmem:s12+$0xC90];
	v2 =	vmax.f32 v2, v8  }
0x380: {  	v1 =	vmax.f32 v1, v9;
	v8 =	vld [tilespmem:s12+$0xCA0]  }
0x381: {  	v9 =	vld [tilespmem:s12+$0xF00];
	v5 =	vmax.f32 v5, v6  }
0x382: {  	v6 =	vld [tilespmem:s12+$0xF10];
	v2 =	vmax.f32 v2, v3  }
0x383: {  	v3 =	vmax.f32 v1, v4;
	v10 =	vld [tilespmem:s12+$0xF20]  }
0x384: {  	v11 =	vld [tilespmem:s12+$0x1180];
	v5 =	vmax.f32 v5, v7  }
.Ltmp27:
0x385: {  	v1 =	vld [tilespmem:s12+$0x1190];
	v7 =	vmax.f32 v2, v8;
	(pc) =	sbr.rel @p0 .LBB2_39-.Ltmp27, $4  }
0x386: {  	v9 =	vmax.f32 v3, v9;
	v2 =	vld [tilespmem:s12+$0x11A0]  }
0x387: {  	v4 =	vld [tilespmem:s9+$0xFFFFFFE0];
	v8 =	vmax.f32 v5, v6  }
0x388: {  	v3 =	vld [tilespmem:s9+$0xFFFFFFF0];
	v7 =	vmax.f32 v7, v10  }
0x389: {  	s12 =	sadd.s32 $0x40, s12;
	v6 =	vmax.f32 v9, v11;
	v5 =	vld [tilespmem:s9+$0x0]  }
0x38a: {  	v9 =	vmul.f32 $5.000000000e-01, v6  }
0x38b: {  	v1 =	vmax.f32 v8, v1  }
0x38c: {  	v8 =	vmul.f32 $5.000000000e-01, v1;
	v4 =	vmax.f32 v4, v9  }
0x38d: {  	v2 =	vmax.f32 v7, v2;
	[tilespmem:s9+$0xFFFFFFE0] =	vst v4  }
0x38e: {  	v63 =	vmul.f32 $5.000000000e-01, v2;
	v3 =	vmax.f32 v3, v8;
	[tilespmem:s10+$0xFFFFFFE0] =	vst v6  }
0x38f: {  	[tilespmem:s9+$0xFFFFFFF0] =	vst v3  }
0x390: {  	v3 =	vmax.f32 v5, v63;
	[tilespmem:s10+$0xFFFFFFF0] =	vst v1  }
0x391: {  	[tilespmem:s9+$0x0] =	vst v3  }
0x392: {  	[tilespmem:s10+$0x0] =	vst v2  }
0x393: {  	s29 =	simm.s32 $0x196E0;
	s30 =	simm.s32 $0x1;
	[bflag:$0x0] =	sbarrier.arrive $0xFFFF  }
0x394: {  	[spmem:s8] =	stream.linear.scatter [tilespmem:s29], [sflag:$0x1], $0x280, $0x38;
	[tilespmem:$0x1C500] =	vst v63  }
0x395: {  	_ =	swait.ge [sflag:s30], $0x280  }
0x396: {  	[sflag:s30] =	ssyncset.done $0x0  }
0x397: {  	[sflag:s30] =	ssyncadd.s32 $0xFFFFFD80  }
0x398: {  	s31 =	simm.s32 $0x11260;
	[bflag:$0x0] =	sbarrier.arrive $0xFFFF  }
0x399: {  	[tilespmem:s31], [sflag:$0x1] =	stream.linear.gather [spmem:s4], $0x2800, $0x38;
	[tilespmem:$0x1C500] =	vst v63  }
0x39a: {  	_ =	swait.ge [sflag:s30], $0x2800  }
0x39b: {  	[sflag:s30] =	ssyncset.done $0x0  }
0x39c: {  	[sflag:s30] =	ssyncadd.s32 $0xFFFFD800  }
0x39d: {  	v1 =	vimm.f32 $0.0e+00;
	s4 =	simm.s32 $0x13AA0;
	[bflag:$0x0] =	sbarrier.arrive $0xFFFF  }
0x39e: {  	[tilespmem:s4+$0xFFFFFFC0] =	vst v1  }
0x39f: {  	[tilespmem:s4+$0x30] =	vst v1  }
0x3a0: {  	[tilespmem:s4+$0x20] =	vst v1  }
0x3a1: {  	[tilespmem:s4+$0x10] =	vst v1  }
0x3a2: {  	[tilespmem:s4+$0x0] =	vst v1  }
0x3a3: {  	[tilespmem:s4+$0xFFFFFFF0] =	vst v1  }
0x3a4: {  	s8 =	simm.s32 $0x0;
	[tilespmem:s4+$0xFFFFFFE0] =	vst v1  }
.LBB2_41:
0x3a5: {  	s8 =	sadd.s32 $0x8, s8;
	[tilespmem:s4+$0xFFFFFFD0] =	vst v1;
	s4 =	sadd.s32 $0x80, s4  }
0x3a6: {  	[tilespmem:s4+$0xFFFFFFC0] =	vst v1;
	p0 =	slt.u32 s8, $0x278  }
0x3a7: {  	[tilespmem:s4+$0x30] =	vst v1  }
.Ltmp28:
0x3a8: {  	[tilespmem:s4+$0x20] =	vst v1;
	(pc) =	sbr.rel @p0 .LBB2_41-.Ltmp28, $4  }
0x3a9: {  	[tilespmem:s4+$0x10] =	vst v1  }
0x3aa: {  	[tilespmem:s4+$0x0] =	vst v1  }
0x3ab: {  	[tilespmem:s4+$0xFFFFFFF0] =	vst v1  }
0x3ac: {  	[tilespmem:s4+$0xFFFFFFE0] =	vst v1  }
0x3ad: {  	[tilespmem:s4+$0xFFFFFFD0] =	vst v1;
	s31 =	simm.s32 $0x20  }
0x3ae: {  	v1 =	vld [tilespmem:s31+$0x10];
	_ =	sdelay $0x1  }
0x3af: {  	v3 =	vld [tilespmem:s31+$0xFFFFFFE0]  }
0x3b0: {  	v4 =	vld [tilespmem:s31+$0xFFFFFFF0]  }
0x3b1: {  	s8 =	simm.s32 $0x60;
	v5 =	vld [tilespmem:s31+$0x0]  }
0x3b2: {  	v8 =	vld [tilespmem:s8+$0x10]  }
0x3b3: {  	v2 =	vld [tilespmem:s8+$0xFFFFFFF0]  }
0x3b4: {  	s4 =	simm.s32 $0x11260;
	v7 =	vld [tilespmem:s8+$0xFFFFFFE0]  }
0x3b5: {  	v9 =	vld.idx.msk [tilespmem:v1+s4+$0x0], $0xffff  }
0x3b6: {  	v1 =	vld [tilespmem:s8+$0x0]  }
0x3b7: {  	v6 =	vld.idx.msk [tilespmem:v3+s4+$0x0], $0xffff  }
0x3b8: {  	v3 =	vld.idx.msk [tilespmem:v4+s4+$0x0], $0xffff  }
0x3b9: {  	s8 =	simm.s32 $0x9C60;
	v4 =	vld.idx.msk [tilespmem:v5+s4+$0x0], $0xffff  }
0x3ba: {  	s9 =	simm.s32 $0x4;
	s10 =	simm.s32 $0xA0;
	v5 =	vld.idx.msk [tilespmem:v8+s4+$0x0], $0xffff;
	[tilespmem:s8+$0x10] =	vst v9  }
.LBB2_43:
0x3bb: {  	v8 =	vld [tilespmem:s10+$0x10];
	s9 =	sadd.s32 $0x4, s9  }
0x3bc: {  	v9 =	vld [tilespmem:s10+$0xFFFFFFF0];
	p0 =	slt.u32 s9, $0x4DC;
	[tilespmem:s8+$0xFFFFFFE0] =	vst v6  }
0x3bd: {  	v10 =	vld [tilespmem:s10+$0x0];
	[tilespmem:s8+$0xFFFFFFF0] =	vst v3  }
0x3be: {  	v11 =	vld [tilespmem:s10+$0xFFFFFFE0];
	[tilespmem:s8+$0x0] =	vst v4  }
.Ltmp29:
0x3bf: {  	s8 =	sadd.s32 $0x40, s8;
	v6 =	vld.idx.msk [tilespmem:v7+s4+$0x0], $0xffff;
	(pc) =	sbr.rel @p0 .LBB2_43-.Ltmp29, $4  }
0x3c0: {  	v3 =	vld.idx.msk [tilespmem:v2+s4+$0x0], $0xffff;
	[tilespmem:s8+$0x10] =	vst v5  }
0x3c1: {  	v4 =	vld.idx.msk [tilespmem:v1+s4+$0x0], $0xffff;
	v2 =	vmov v9  }
0x3c2: {  	v1 =	vmov v10  }
0x3c3: {  	s10 =	sadd.s32 $0x40, s10;
	v5 =	vld.idx.msk [tilespmem:v8+s4+$0x0], $0xffff;
	v7 =	vmov v11  }
0x3c4: {  	_ =	sdelay $0x3  }
0x3c5: {  	v7 =	vld.idx.msk [tilespmem:v7+s4+$0x0], $0xffff  }
0x3c6: {  	[tilespmem:s8+$0xFFFFFFE0] =	vst v6;
	v2 =	vld.idx.msk [tilespmem:v2+s4+$0x0], $0xffff  }
0x3c7: {  	v1 =	vld.idx.msk [tilespmem:v1+s4+$0x0], $0xffff;
	[tilespmem:s8+$0xFFFFFFF0] =	vst v3  }
0x3c8: {  	s31 =	sadd.s32 $0x40, s8;
	[tilespmem:s8+$0x0] =	vst v4  }
0x3c9: {  	[tilespmem:s31+$0x10] =	vst v5  }
0x3ca: {  	[tilespmem:s31+$0xFFFFFFE0] =	vst v7  }
0x3cb: {  	[tilespmem:s31+$0xFFFFFFF0] =	vst v2  }
0x3cc: {  	s4 =	simm.s32 $0x0;
	s9 =	simm.s32 $0x0;
	s8 =	simm.s32 $0x11260;
	[tilespmem:s31+$0x0] =	vst v1  }
.LBB2_45:
0x3cd: {  	s10 =	sshra.s32 s9, $0x2  }
0x3ce: {  	v1 =	vld [tilespmem:s10+$0x4E00];
	_ =	sdelay $0x7  }
0x3cf: {  	p0 =	sne.s32 s9, $0x40;
	v1 =	vld.idx.msk [tilespmem:v1+s8+$0x0], $0xffff  }
.Ltmp30:
0x3d0: {  	_ = 	snop;
	(pc) =	sbr.rel @p0 .LBB2_45-.Ltmp30, $2  }
0x3d1: {  	_ =	sdelay $0x2  }
0x3d2: {  	s9 =	sadd.s32 $0x40, s9;
	[tilespmem:s10+$0xEA40] =	vst v1  }
.Ltmp31:
0x3d3: {  	(pc) =	sbr.rel .LBB2_47-.Ltmp31, $2  }
0x3d4: {  	_ =	sdelay $0x2  }
0x3d5: {  	s8 =	simm.s32 $0x13A60  }
.LBB2_51:
0x3d6: {  	s4 =	sadd.s32 $0x1, s4  }
0x3d7: {  	p0 =	sne.s32 s4, $0x271  }
.Ltmp32:
0x3d8: {  	_ = 	snop;
	(pc) =	sbr.rel @!p0 .LBB2_52-.Ltmp32, $1  }
0x3d9: {  	_ =	sdelay $0x3  }
.LBB2_47:
0x3da: {  	s9 =	sshll.u32 s4, $0x5  }
0x3db: {  	v1 =	vld [tilespmem:s9+$0x4E20];
	_ =	sdelay $0x6  }
0x3dc: {  	v2 =	vld [tilespmem:s9+$0x9C40]  }
0x3dd: {  	v3 =	vld.idx.msk [tilespmem:v1+s8+$0x0], $0xffff;
	_ =	sdelay $0x4  }
0x3de: {  	v2 =	vmax.f32 v3, v2  }
0x3df: {  	[tilespmem:v1+s8+$0x0] =	vst.idx.msk $0xffff, v2  }
0x3e0: {  	v3 =	vld.idx.msk [tilespmem:v1+s8+$0x0], $0xffff;
	_ =	sdelay $0x4  }
0x3e1: {  	vm0 =	vlt.f32 v3, v2  }
0x3e2: {  	v3 =	vmpcnt.ones.xlane vm0;
	_ =	sdelay $0x1  }
0x3e3: {  	(v2sf) =	vpush v3, $0x0;
	_ =	sdelay $0xe  }
0x3e4: {  	s10 =	spop (v2sf)  }
0x3e5: {  	p0 =	slt.s32 s10, $0x1  }
.Ltmp33:
0x3e6: {  	_ = 	snop;
	(pc) =	sbr.rel @p0 .LBB2_49-.Ltmp33, $1  }
0x3e7: {  	_ =	sdelay $0x3  }
.LBB2_48:
0x3e8: {  	[tilespmem:v1+s8+$0x0] =	vst.idx.msk vm0, v2  }
0x3e9: {  	v3 =	vld.idx.msk [tilespmem:v1+s8+$0x0], $0xffff;
	_ =	sdelay $0x4  }
0x3ea: {  	vm0 =	vlt.f32 v3, v2  }
0x3eb: {  	v3 =	vmpcnt.ones.xlane vm0;
	_ =	sdelay $0x1  }
0x3ec: {  	(v2sf) =	vpush v3, $0x0;
	_ =	sdelay $0xe  }
0x3ed: {  	s10 =	spop (v2sf)  }
0x3ee: {  	p0 =	sgt.s32 s10, $0x0  }
.Ltmp34:
0x3ef: {  	_ = 	snop;
	(pc) =	sbr.rel @p0 .LBB2_48-.Ltmp34, $1  }
0x3f0: {  	_ =	sdelay $0x3  }
.LBB2_49:
0x3f1: {  	v1 =	vld [tilespmem:s9+$0x4E30];
	_ =	sdelay $0x6  }
0x3f2: {  	v2 =	vld [tilespmem:s9+$0x9C50]  }
0x3f3: {  	v3 =	vld.idx.msk [tilespmem:v1+s8+$0x0], $0xffff;
	_ =	sdelay $0x4  }
0x3f4: {  	v2 =	vmax.f32 v3, v2  }
0x3f5: {  	[tilespmem:v1+s8+$0x0] =	vst.idx.msk $0xffff, v2  }
0x3f6: {  	v3 =	vld.idx.msk [tilespmem:v1+s8+$0x0], $0xffff;
	_ =	sdelay $0x4  }
0x3f7: {  	vm0 =	vlt.f32 v3, v2  }
0x3f8: {  	v3 =	vmpcnt.ones.xlane vm0;
	_ =	sdelay $0x1  }
0x3f9: {  	(v2sf) =	vpush v3, $0x0;
	_ =	sdelay $0xe  }
0x3fa: {  	s31 =	spop (v2sf)  }
0x3fb: {  	p0 =	slt.s32 s31, $0x1  }
.Ltmp35:
0x3fc: {  	_ = 	snop;
	(pc) =	sbr.rel @p0 .LBB2_51-.Ltmp35, $1  }
0x3fd: {  	_ =	sdelay $0x3  }
.LBB2_50:
0x3fe: {  	[tilespmem:v1+s8+$0x0] =	vst.idx.msk vm0, v2  }
0x3ff: {  	v3 =	vld.idx.msk [tilespmem:v1+s8+$0x0], $0xffff;
	_ =	sdelay $0x4  }
0x400: {  	vm0 =	vlt.f32 v3, v2  }
0x401: {  	v3 =	vmpcnt.ones.xlane vm0;
	_ =	sdelay $0x1  }
0x402: {  	(v2sf) =	vpush v3, $0x0;
	_ =	sdelay $0xe  }
0x403: {  	s9 =	spop (v2sf)  }
0x404: {  	p0 =	sgt.s32 s9, $0x0  }
.Ltmp36:
0x405: {  	_ = 	snop;
	(pc) =	sbr.rel @p0 .LBB2_50-.Ltmp36, $1  }
0x406: {  	_ =	sdelay $0x3  }
.Ltmp37:
0x407: {  	_ = 	snop;
	(pc) =	sbr.rel .LBB2_51-.Ltmp37, $1  }
0x408: {  	_ =	sdelay $0x3  }
.LBB2_52:
0x409: {  	s4 =	simm.s32 $0x13A60;
	s29 =	simm.s32 $0x1  }
0x40a: {  	[spmem:s6] =	stream.linear.scatter [tilespmem:s4], [sflag:$0x1], $0x2800, $0x38;
	[tilespmem:$0x1C500] =	vst v63  }
0x40b: {  	_ =	swait.ge [sflag:s29], $0x2800  }
0x40c: {  	[sflag:s29] =	ssyncset.done $0x0  }
0x40d: {  	s30 =	simm.s32 $0x280;
	[sflag:s29] =	ssyncadd.s32 $0xFFFFD800  }
0x40e: {  	s8 =	simm.s32 $0x2800;
	s9 =	simm.s32 $0x16260;
	[bflag:$0x0] =	sbarrier.arrive $0xFFFF  }
0x40f: {  	[tilespmem:s9], [sflag:$0x1] =	stream.strided.gather [spmem:s5], $0x2800, s8, s30, $0x38;
	[tilespmem:$0x1C500] =	vst v63  }
0x410: {  	_ =	swait.ge [sflag:s29], $0x2800  }
0x411: {  	[sflag:s29] =	ssyncset.done $0x0  }
0x412: {  	s31 =	simm.s32 $0x17660;
	[sflag:s29] =	ssyncadd.s32 $0xFFFFD800  }
0x413: {  	v1 =	vld [tilespmem:s31+$0xFFFFEC30]  }
0x414: {  	v2 =	vld [tilespmem:s31+$0xFFFFEEB0]  }
0x415: {  	v3 =	vld [tilespmem:s31+$0xFFFFF130]  }
0x416: {  	v4 =	vld [tilespmem:s31+$0xFFFFF3B0]  }
0x417: {  	v5 =	vld [tilespmem:s31+$0xFFFFF630]  }
0x418: {  	v6 =	vld [tilespmem:s31+$0xFFFFF8B0]  }
0x419: {  	v7 =	vld [tilespmem:s31+$0xFFFFFB30]  }
0x41a: {  	v8 =	vld [tilespmem:s31+$0xFFFFFDB0]  }
0x41b: {  	v9 =	vld [tilespmem:s31+$0x30]  }
0x41c: {  	v10 =	vld [tilespmem:s31+$0x2B0]  }
0x41d: {  	v11 =	vld [tilespmem:s31+$0x530]  }
0x41e: {  	v12 =	vld [tilespmem:s31+$0x7B0]  }
0x41f: {  	v13 =	vld [tilespmem:s31+$0xA30]  }
0x420: {  	v14 =	vld [tilespmem:s31+$0xCB0]  }
0x421: {  	v15 =	vld [tilespmem:s31+$0xF30]  }
0x422: {  	v16 =	vld [tilespmem:s31+$0x11B0]  }
0x423: {  	v17 =	vld [tilespmem:s31+$0xFFFFEE80]  }
0x424: {  	s4 =	simm.s32 $0x18D00;
	v18 =	vld [tilespmem:s31+$0xFFFFEC10]  }
0x425: {  	v19 =	vld [tilespmem:s4+$0x10]  }
0x426: {  	v20 =	vld [tilespmem:s31+$0xFFFFEE90]  }
0x427: {  	v21 =	vld [tilespmem:s31+$0xFFFFEC20]  }
0x428: {  	v22 =	vld [tilespmem:s31+$0xFFFFEEA0]  }
0x429: {  	v23 =	vld [tilespmem:s31+$0xFFFFEC00]  }
0x42a: {  	v24 =	vld [tilespmem:s31+$0xFFFFF100]  }
0x42b: {  	v25 =	vld [tilespmem:s31+$0xFFFFF110]  }
0x42c: {  	v26 =	vld [tilespmem:s31+$0xFFFFF120]  }
0x42d: {  	v27 =	vld [tilespmem:s31+$0xFFFFF380]  }
0x42e: {  	v28 =	vld [tilespmem:s31+$0xFFFFF390]  }
0x42f: {  	v29 =	vld [tilespmem:s31+$0xFFFFF3A0]  }
0x430: {  	v30 =	vld [tilespmem:s31+$0xFFFFF600]  }
0x431: {  	v31 =	vld [tilespmem:s31+$0xFFFFF610]  }
0x432: {  	v32 =	vld [tilespmem:s31+$0xFFFFF620]  }
0x433: {  	v33 =	vld [tilespmem:s31+$0xFFFFF880]  }
0x434: {  	v34 =	vld [tilespmem:s31+$0xFFFFF890]  }
0x435: {  	v35 =	vld [tilespmem:s31+$0xFFFFF8A0]  }
0x436: {  	v36 =	vld [tilespmem:s31+$0xFFFFFB00]  }
0x437: {  	v52 =	vld [tilespmem:s31+$0x2A0]  }
0x438: {  	v53 =	vld [tilespmem:s31+$0x500]  }
0x439: {  	v54 =	vld [tilespmem:s31+$0x510]  }
0x43a: {  	v55 =	vld [tilespmem:s31+$0x520]  }
0x43b: {  	v38 =	vld [tilespmem:s31+$0x790]  }
0x43c: {  	v39 =	vld [tilespmem:s31+$0x7A0]  }
0x43d: {  	v56 =	vld [tilespmem:s31+$0xA00]  }
0x43e: {  	v58 =	vld [tilespmem:s31+$0xA10]  }
0x43f: {  	v59 =	vld [tilespmem:s31+$0xA20];
	v1 =	vmax.f32 v1, v2  }
0x440: {  	v60 =	vld [tilespmem:s31+$0xC80];
	v1 =	vmax.f32 v1, v3  }
0x441: {  	v61 =	vld [tilespmem:s31+$0xC90];
	v1 =	vmax.f32 v1, v4  }
0x442: {  	v2 =	vld [tilespmem:s31+$0xFFFFFB10];
	v1 =	vmax.f32 v1, v5  }
0x443: {  	v3 =	vld [tilespmem:s31+$0xFFFFFB20];
	v1 =	vmax.f32 v1, v6  }
0x444: {  	v4 =	vld [tilespmem:s31+$0xFFFFFD80];
	v1 =	vmax.f32 v1, v7  }
0x445: {  	v17 =	vmax.f32 v23, v17;
	v18 =	vmax.f32 v18, v20;
	v5 =	vld [tilespmem:s31+$0xFFFFFD90];
	v1 =	vmax.f32 v1, v8  }
0x446: {  	v57 =	vmax.f32 v21, v22;
	v17 =	vmax.f32 v17, v24;
	v6 =	vld [tilespmem:s31+$0xFFFFFDA0];
	v1 =	vmax.f32 v1, v9  }
0x447: {  	v18 =	vmax.f32 v18, v25;
	v20 =	vmax.f32 v57, v26;
	v7 =	vld [tilespmem:s31+$0x0];
	v1 =	vmax.f32 v1, v10  }
0x448: {  	v17 =	vmax.f32 v17, v27;
	v18 =	vmax.f32 v18, v28;
	v8 =	vld [tilespmem:s31+$0x10];
	v1 =	vmax.f32 v1, v11  }
0x449: {  	v20 =	vmax.f32 v20, v29;
	v17 =	vmax.f32 v17, v30;
	v9 =	vld [tilespmem:s31+$0x20];
	v1 =	vmax.f32 v1, v12  }
0x44a: {  	v18 =	vmax.f32 v18, v31;
	v20 =	vmax.f32 v20, v32;
	v10 =	vld [tilespmem:s31+$0x280];
	v1 =	vmax.f32 v1, v13  }
0x44b: {  	v17 =	vmax.f32 v17, v33;
	v18 =	vmax.f32 v18, v34;
	v11 =	vld [tilespmem:s31+$0x290];
	v1 =	vmax.f32 v1, v14  }
0x44c: {  	v62 =	vld [tilespmem:s31+$0xCA0];
	v20 =	vmax.f32 v20, v35;
	v17 =	vmax.f32 v17, v36;
	v1 =	vmax.f32 v1, v15  }
0x44d: {  	v2 =	vmax.f32 v18, v2;
	v3 =	vmax.f32 v20, v3;
	v16 =	vmax.f32 v1, v16;
	v1 =	vld [tilespmem:s31+$0x780]  }
0x44e: {  	v63 =	vld [tilespmem:s31+$0xF00];
	v4 =	vmax.f32 v17, v4;
	v2 =	vmax.f32 v2, v5;
	v3 =	vmax.f32 v3, v6  }
0x44f: {  	v5 =	vld [tilespmem:s31+$0xF10];
	v4 =	vmax.f32 v4, v7;
	v2 =	vmax.f32 v2, v8;
	v3 =	vmax.f32 v3, v9  }
0x450: {  	v6 =	vld [tilespmem:s31+$0xF20];
	v4 =	vmax.f32 v4, v10;
	v3 =	vmax.f32 v3, v52;
	v2 =	vmax.f32 v2, v11  }
0x451: {  	v9 =	vld [tilespmem:s31+$0x1180];
	v4 =	vmax.f32 v4, v53;
	v3 =	vmax.f32 v3, v55;
	v37 =	vmul.f32 $2.500000000e-01, v16  }
0x452: {  	v2 =	vmax.f32 v2, v54;
	v3 =	vmax.f32 v3, v39;
	v4 =	vmax.f32 v4, v1;
	v1 =	vld [tilespmem:s31+$0x1190]  }
0x453: {  	v7 =	vmax.f32 v2, v38;
	v2 =	vld [tilespmem:s31+$0x11A0];
	v3 =	vmax.f32 v3, v59;
	v4 =	vmax.f32 v4, v56  }
0x454: {  	v19 =	vmax.f32 v19, v37;
	v7 =	vmax.f32 v7, v58;
	v8 =	vmax.f32 v4, v60;
	v4 =	vld [tilespmem:s4+$0xFFFFFFE0]  }
0x455: {  	s5 =	simm.s32 $0x19700;
	v10 =	vmax.f32 v3, v62;
	v3 =	vld [tilespmem:s4+$0xFFFFFFF0];
	[tilespmem:s4+$0x10] =	vst v19;
	v7 =	vmax.f32 v7, v61;
	v11 =	vmax.f32 v8, v63  }
0x456: {  	s6 =	simm.s32 $0x0;
	s8 =	simm.s32 $0x176A0;
	[tilespmem:s5+$0x10] =	vst v16;
	v8 =	vmax.f32 v7, v5;
	v7 =	vmax.f32 v10, v6;
	v5 =	vld [tilespmem:s4+$0x0];
	v6 =	vmax.f32 v11, v9  }
.LBB2_53:
0x457: {  	v9 =	vld [tilespmem:s8+$0xFFFFEC30];
	v10 =	vmul.f32 $2.500000000e-01, v6;
	v1 =	vmax.f32 v8, v1  }
0x458: {  	v8 =	vld [tilespmem:s8+$0xFFFFEEB0];
	v11 =	vmul.f32 $2.500000000e-01, v1;
	v2 =	vmax.f32 v7, v2  }
0x459: {  	s6 =	sadd.s32 $0x4, s6;
	v7 =	vld [tilespmem:s8+$0xFFFFF130];
	v4 =	vmax.f32 v4, v10;
	v10 =	vmul.f32 $2.500000000e-01, v2  }
0x45a: {  	p0 =	slt.u32 s6, $0x24;
	v12 =	vld [tilespmem:s8+$0xFFFFF3B0];
	[tilespmem:s4+$0xFFFFFFE0] =	vst v4;
	v3 =	vmax.f32 v3, v11  }
0x45b: {  	v4 =	vld [tilespmem:s8+$0xFFFFF630];
	[tilespmem:s5+$0xFFFFFFE0] =	vst v6;
	v5 =	vmax.f32 v5, v10  }
0x45c: {  	v6 =	vld [tilespmem:s8+$0xFFFFF8B0];
	[tilespmem:s4+$0xFFFFFFF0] =	vst v3  }
0x45d: {  	v3 =	vmax.f32 v9, v8;
	v8 =	vld [tilespmem:s8+$0xFFFFFB30];
	[tilespmem:s5+$0xFFFFFFF0] =	vst v1  }
0x45e: {  	v1 =	vmax.f32 v3, v7;
	v3 =	vld [tilespmem:s8+$0xFFFFFDB0];
	[tilespmem:s4+$0x0] =	vst v5  }
0x45f: {  	v1 =	vmax.f32 v1, v12;
	v5 =	vld [tilespmem:s8+$0x30];
	[tilespmem:s5+$0x0] =	vst v2  }
0x460: {  	v1 =	vmax.f32 v1, v4;
	v2 =	vld [tilespmem:s8+$0x2B0]  }
0x461: {  	v1 =	vmax.f32 v1, v6;
	v4 =	vld [tilespmem:s8+$0x530]  }
0x462: {  	v1 =	vmax.f32 v1, v8;
	v6 =	vld [tilespmem:s8+$0x7B0]  }
0x463: {  	v1 =	vmax.f32 v1, v3;
	v3 =	vld [tilespmem:s8+$0xA30]  }
0x464: {  	v1 =	vmax.f32 v1, v5;
	v5 =	vld [tilespmem:s8+$0xCB0]  }
0x465: {  	v1 =	vmax.f32 v1, v2;
	v2 =	vld [tilespmem:s8+$0xF30]  }
0x466: {  	v1 =	vmax.f32 v1, v4;
	v4 =	vld [tilespmem:s8+$0x11B0]  }
0x467: {  	v7 =	vld [tilespmem:s8+$0xFFFFEE80];
	v1 =	vmax.f32 v1, v6  }
0x468: {  	s4 =	sadd.s32 $0x40, s4;
	v6 =	vld [tilespmem:s8+$0xFFFFEC10];
	v1 =	vmax.f32 v1, v3  }
0x469: {  	v1 =	vmax.f32 v1, v5;
	v3 =	vld [tilespmem:s4+$0x10]  }
0x46a: {  	v5 =	vld [tilespmem:s8+$0xFFFFEE90];
	v1 =	vmax.f32 v1, v2  }
0x46b: {  	v2 =	vld [tilespmem:s8+$0xFFFFEC20];
	v1 =	vmax.f32 v1, v4  }
0x46c: {  	v4 =	vld [tilespmem:s8+$0xFFFFEEA0];
	v8 =	vmul.f32 $2.500000000e-01, v1  }
0x46d: {  	v9 =	vld [tilespmem:s8+$0xFFFFEC00]  }
0x46e: {  	v10 =	vld [tilespmem:s8+$0xFFFFF100];
	v3 =	vmax.f32 v3, v8  }
0x46f: {  	s5 =	sadd.s32 $0x40, s5;
	v5 =	vmax.f32 v6, v5;
	v6 =	vld [tilespmem:s8+$0xFFFFF110];
	[tilespmem:s4+$0x10] =	vst v3  }
0x470: {  	v3 =	vld [tilespmem:s8+$0xFFFFF120];
	[tilespmem:s5+$0x10] =	vst v1  }
0x471: {  	v1 =	vld [tilespmem:s8+$0xFFFFF380];
	v2 =	vmax.f32 v2, v4  }
0x472: {  	v4 =	vmax.f32 v9, v7;
	v7 =	vld [tilespmem:s8+$0xFFFFF390]  }
0x473: {  	v4 =	vmax.f32 v4, v10;
	v8 =	vld [tilespmem:s8+$0xFFFFF3A0]  }
0x474: {  	v9 =	vld [tilespmem:s8+$0xFFFFF600];
	v5 =	vmax.f32 v5, v6  }
0x475: {  	v6 =	vld [tilespmem:s8+$0xFFFFF610];
	v2 =	vmax.f32 v2, v3  }
0x476: {  	v1 =	vmax.f32 v4, v1;
	v3 =	vld [tilespmem:s8+$0xFFFFF620]  }
0x477: {  	v4 =	vld [tilespmem:s8+$0xFFFFF880];
	v5 =	vmax.f32 v5, v7  }
0x478: {  	v7 =	vld [tilespmem:s8+$0xFFFFF890];
	v2 =	vmax.f32 v2, v8  }
0x479: {  	v1 =	vmax.f32 v1, v9;
	v8 =	vld [tilespmem:s8+$0xFFFFF8A0]  }
0x47a: {  	v9 =	vld [tilespmem:s8+$0xFFFFFB00];
	v5 =	vmax.f32 v5, v6  }
0x47b: {  	v6 =	vld [tilespmem:s8+$0xFFFFFB10];
	v2 =	vmax.f32 v2, v3  }
0x47c: {  	v1 =	vmax.f32 v1, v4;
	v3 =	vld [tilespmem:s8+$0xFFFFFB20]  }
0x47d: {  	v4 =	vld [tilespmem:s8+$0xFFFFFD80];
	v5 =	vmax.f32 v5, v7  }
0x47e: {  	v7 =	vld [tilespmem:s8+$0xFFFFFD90];
	v2 =	vmax.f32 v2, v8  }
0x47f: {  	v1 =	vmax.f32 v1, v9;
	v8 =	vld [tilespmem:s8+$0xFFFFFDA0]  }
0x480: {  	v9 =	vld [tilespmem:s8+$0x0];
	v5 =	vmax.f32 v5, v6  }
0x481: {  	v6 =	vld [tilespmem:s8+$0x10];
	v2 =	vmax.f32 v2, v3  }
0x482: {  	v1 =	vmax.f32 v1, v4;
	v3 =	vld [tilespmem:s8+$0x20]  }
0x483: {  	v4 =	vld [tilespmem:s8+$0x280];
	v5 =	vmax.f32 v5, v7  }
0x484: {  	v7 =	vld [tilespmem:s8+$0x290];
	v2 =	vmax.f32 v2, v8  }
0x485: {  	v1 =	vmax.f32 v1, v9;
	v8 =	vld [tilespmem:s8+$0x2A0]  }
0x486: {  	v9 =	vld [tilespmem:s8+$0x500];
	v5 =	vmax.f32 v5, v6  }
0x487: {  	v6 =	vld [tilespmem:s8+$0x510];
	v2 =	vmax.f32 v2, v3  }
0x488: {  	v1 =	vmax.f32 v1, v4;
	v3 =	vld [tilespmem:s8+$0x520]  }
0x489: {  	v4 =	vld [tilespmem:s8+$0x780];
	v5 =	vmax.f32 v5, v7  }
0x48a: {  	v7 =	vld [tilespmem:s8+$0x790];
	v2 =	vmax.f32 v2, v8  }
0x48b: {  	v1 =	vmax.f32 v1, v9;
	v8 =	vld [tilespmem:s8+$0x7A0]  }
0x48c: {  	v9 =	vld [tilespmem:s8+$0xA00];
	v5 =	vmax.f32 v5, v6  }
0x48d: {  	v6 =	vld [tilespmem:s8+$0xA10];
	v2 =	vmax.f32 v2, v3  }
0x48e: {  	v1 =	vmax.f32 v1, v4;
	v3 =	vld [tilespmem:s8+$0xA20]  }
0x48f: {  	v4 =	vld [tilespmem:s8+$0xC80];
	v5 =	vmax.f32 v5, v7  }
0x490: {  	v7 =	vld [tilespmem:s8+$0xC90];
	v2 =	vmax.f32 v2, v8  }
0x491: {  	v1 =	vmax.f32 v1, v9;
	v8 =	vld [tilespmem:s8+$0xCA0]  }
0x492: {  	v9 =	vld [tilespmem:s8+$0xF00];
	v5 =	vmax.f32 v5, v6  }
0x493: {  	v6 =	vld [tilespmem:s8+$0xF10];
	v2 =	vmax.f32 v2, v3  }
0x494: {  	v3 =	vmax.f32 v1, v4;
	v10 =	vld [tilespmem:s8+$0xF20]  }
0x495: {  	v11 =	vld [tilespmem:s8+$0x1180];
	v5 =	vmax.f32 v5, v7  }
.Ltmp38:
0x496: {  	v1 =	vld [tilespmem:s8+$0x1190];
	v7 =	vmax.f32 v2, v8;
	(pc) =	sbr.rel @p0 .LBB2_53-.Ltmp38, $4  }
0x497: {  	v9 =	vmax.f32 v3, v9;
	v2 =	vld [tilespmem:s8+$0x11A0]  }
0x498: {  	v4 =	vld [tilespmem:s4+$0xFFFFFFE0];
	v8 =	vmax.f32 v5, v6  }
0x499: {  	v3 =	vld [tilespmem:s4+$0xFFFFFFF0];
	v7 =	vmax.f32 v7, v10  }
0x49a: {  	s8 =	sadd.s32 $0x40, s8;
	v6 =	vmax.f32 v9, v11;
	v5 =	vld [tilespmem:s4+$0x0]  }
0x49b: {  	v9 =	vmul.f32 $2.500000000e-01, v6  }
0x49c: {  	v1 =	vmax.f32 v8, v1  }
0x49d: {  	v8 =	vmul.f32 $2.500000000e-01, v1;
	v4 =	vmax.f32 v4, v9  }
0x49e: {  	v2 =	vmax.f32 v7, v2;
	[tilespmem:s4+$0xFFFFFFE0] =	vst v4  }
0x49f: {  	v4 =	vmul.f32 $2.500000000e-01, v2;
	v3 =	vmax.f32 v3, v8;
	[tilespmem:s5+$0xFFFFFFE0] =	vst v6  }
0x4a0: {  	[tilespmem:s4+$0xFFFFFFF0] =	vst v3  }
0x4a1: {  	v3 =	vmax.f32 v5, v4;
	[tilespmem:s5+$0xFFFFFFF0] =	vst v1  }
0x4a2: {  	[tilespmem:s4+$0x0] =	vst v3  }
0x4a3: {  	[tilespmem:s5+$0x0] =	vst v2  }
0x4a4: {  	s31 =	simm.s32 $0x0;
	[bflag:$0x0] =	sbarrier.arrive $0xFFFF  }
0x4a5: {  	v2 =	vld [tilespmem:s31+$0x18A60]  }
0x4a6: {  	v3 =	vld [tilespmem:s31+$0x18CE0];
	_ =	sdelay $0x2  }
0x4a7: {  	v1 =	vimm.f32 $0.0e+00;
	s4 =	simm.s32 $0x40  }
.LBB2_55:
0x4a8: {  	s5 =	sshra.s32 s4, $0x2;
	v4 =	vmov v2;
	p0 =	sne.s32 s4, $0x9C0  }
.Ltmp39:
0x4a9: {  	s4 =	sadd.s32 $0x40, s4;
	v2 =	vld [tilespmem:s5+$0x18A60];
	v5 =	vmul.f32 v3, v4;
	(pc) =	sbr.rel @p0 .LBB2_55-.Ltmp39, $3  }
0x4aa: {  	v3 =	vld [tilespmem:s5+$0x18CE0]  }
0x4ab: {  	v4 =	vmul.f32 v5, v4;
	_ =	sdelay $0x1  }
0x4ac: {  	v1 =	vadd.f32 v4, v1  }
0x4ad: {  	(v2sf) =	vpush v0, $0x0  }
0x4ae: {  	(v2sf) =	vpush v0, $0x1  }
0x4af: {  	(v2sf) =	vpush v0, $0x2  }
0x4b0: {  	(v2sf) =	vpush v0, $0x3  }
0x4b1: {  	(v2sf) =	vpush v0, $0x4  }
0x4b2: {  	(v2sf) =	vpush v0, $0x5  }
0x4b3: {  	(v2sf) =	vpush v0, $0x6  }
0x4b4: {  	(v2sf) =	vpush v0, $0x7  }
0x4b5: {  	(v2sf) =	vpush v0, $0x8  }
0x4b6: {  	(v2sf) =	vpush v0, $0x9  }
0x4b7: {  	v3 =	vmul.f32 v3, v2;
	(v2sf) =	vpush v0, $0xA  }
0x4b8: {  	(v2sf) =	vpush v0, $0xB  }
0x4b9: {  	v2 =	vmul.f32 v3, v2;
	(v2sf) =	vpush v0, $0xC  }
0x4ba: {  	(v2sf) =	vpush v0, $0xD  }
0x4bb: {  	v1 =	vadd.f32 v2, v1;
	(v2sf) =	vpush v0, $0xE  }
0x4bc: {  	s4 =	spop (v2sf);
	(v2sf) =	vpush v0, $0xF  }
0x4bd: {  	s5 =	spop (v2sf);
	(v2sf) =	vpush v1, $0x0  }
0x4be: {  	s6 =	spop (v2sf);
	(v2sf) =	vpush v1, $0x1  }
0x4bf: {  	s8 =	spop (v2sf)  }
0x4c0: {  	(v2sf) =	vpush v1, $0x2;
	s9 =	spop (v2sf)  }
0x4c1: {  	s10 =	spop (v2sf)  }
0x4c2: {  	(v2sf) =	vpush v1, $0x3;
	s11 =	spop (v2sf)  }
0x4c3: {  	s12 =	spop (v2sf)  }
0x4c4: {  	(v2sf) =	vpush v1, $0x4;
	s13 =	spop (v2sf)  }
0x4c5: {  	s14 =	spop (v2sf)  }
0x4c6: {  	(v2sf) =	vpush v1, $0x5;
	s15 =	spop (v2sf)  }
0x4c7: {  	s16 =	spop (v2sf)  }
0x4c8: {  	(v2sf) =	vpush v1, $0x6;
	s17 =	spop (v2sf)  }
0x4c9: {  	s18 =	spop (v2sf)  }
0x4ca: {  	(v2sf) =	vpush v1, $0x7;
	s19 =	spop (v2sf)  }
0x4cb: {  	s20 =	spop (v2sf)  }
0x4cc: {  	(v2sf) =	vpush v1, $0x8;
	s21 =	spop (v2sf)  }
0x4cd: {  	s4 =	sadd.f32 s5, s4;
	s30 =	spop (v2sf)  }
0x4ce: {  	(v2sf) =	vpush v1, $0x9;
	s5 =	sadd.f32 s30, s21  }
0x4cf: {  	s4 =	sadd.f32 s4, s6;
	s31 =	spop (v2sf)  }
0x4d0: {  	(v2sf) =	vpush v1, $0xA;
	s5 =	sadd.f32 s5, s31  }
0x4d1: {  	s4 =	sadd.f32 s4, s8;
	s8 =	spop (v2sf)  }
0x4d2: {  	(v2sf) =	vpush v1, $0xB;
	s5 =	sadd.f32 s5, s8  }
0x4d3: {  	s4 =	sadd.f32 s4, s9;
	s9 =	spop (v2sf)  }
0x4d4: {  	(v2sf) =	vpush v1, $0xC;
	s5 =	sadd.f32 s5, s9  }
0x4d5: {  	s4 =	sadd.f32 s4, s10;
	s10 =	spop (v2sf)  }
0x4d6: {  	(v2sf) =	vpush v1, $0xD;
	s5 =	sadd.f32 s5, s10  }
0x4d7: {  	s4 =	sadd.f32 s4, s11;
	s11 =	spop (v2sf)  }
0x4d8: {  	(v2sf) =	vpush v1, $0xE;
	s5 =	sadd.f32 s5, s11  }
0x4d9: {  	s4 =	sadd.f32 s4, s12;
	s12 =	spop (v2sf)  }
0x4da: {  	(v2sf) =	vpush v1, $0xF;
	s5 =	sadd.f32 s5, s12  }
0x4db: {  	s4 =	sadd.f32 s4, s13;
	s21 =	spop (v2sf)  }
0x4dc: {  	s5 =	sadd.f32 s5, s21  }
0x4dd: {  	s4 =	sadd.f32 s4, s14;
	s22 =	spop (v2sf)  }
0x4de: {  	s5 =	sadd.f32 s5, s22  }
0x4df: {  	s4 =	sadd.f32 s4, s15;
	s23 =	spop (v2sf)  }
0x4e0: {  	s5 =	sadd.f32 s5, s23  }
0x4e1: {  	s4 =	sadd.f32 s4, s16;
	s24 =	spop (v2sf)  }
0x4e2: {  	s5 =	sadd.f32 s5, s24  }
0x4e3: {  	s4 =	sadd.f32 s4, s17;
	s25 =	spop (v2sf)  }
0x4e4: {  	s5 =	sadd.f32 s5, s25  }
0x4e5: {  	s4 =	sadd.f32 s4, s18;
	s26 =	spop (v2sf)  }
0x4e6: {  	s5 =	sadd.f32 s5, s26  }
0x4e7: {  	s4 =	sadd.f32 s4, s19;
	s28 =	spop (v2sf)  }
0x4e8: {  	s5 =	sadd.f32 s5, s28  }
0x4e9: {  	s4 =	sadd.f32 s4, s20;
	s29 =	spop (v2sf)  }
0x4ea: {  	s5 =	sadd.f32 s5, s29;
	_ =	sdelay $0x1  }
0x4eb: {  	s4 =	sadd.f32 s5, s4;
	_ =	sdelay $0x1  }
0x4ec: {  	v63 =	vmov s4  }
0x4ed: {  	s30 =	simm.s32 $0x19960;
	s31 =	simm.s32 $0x1;
	[tilespmem:$0x19960] =	vst v63  }
0x4ee: {  	[spmem:s7] =	stream.linear.scatter [tilespmem:s30], [sflag:$0x1], $0x10, $0x38;
	[tilespmem:$0x1C500] =	vst v63  }
0x4ef: {  	_ =	swait.ge [sflag:s31], $0x10  }
0x4f0: {  	[sflag:s31] =	ssyncset.done $0x0  }
0x4f1: {  	[sflag:s31] =	ssyncadd.s32 $0xFFFFFFF0  }
0x4f2: {  	p0 =	sne.s32 s3, $0x0;
	[bflag:$0x0] =	sbarrier.arrive $0xFFFF  }
0x4f3: {  	_ =	sfence.sel @p0 $0x180000  }
0x4f4: {  	[bflag:$0x0] =	sbarrier.arrive @p0 $0xFFFF  }
0x4f5: {  	_ =	strace @p0 $0x90000047  }
0x4f6: {  	s3 =	simm.s32 @!p0 $0x19970;
	[bflag:$0x2] =	sbarrier.arrive @p0 $0xFFFF  }
0x4f7: {  	[tilespmem:s3], [sflag:$0x1] =	stream.linear.gather @!p0 [spmem:s2], $0x100, $0x38;
	[tilespmem:$0x1C500] =	vst v63  }
0x4f8: {  	s2 =	simm.s32 @!p0 $0x1  }
0x4f9: {  	_ =	swait.ge @!p0 [sflag:s2], $0x100  }
0x4fa: {  	[sflag:s2] =	ssyncset.done @!p0 $0x0  }
0x4fb: {  	[sflag:s2] =	ssyncadd.s32 @!p0 $0xFFFFFF00  }
0x4fc: {  	v0 =	vld @!p0 [tilespmem:$0x19970]  }
0x4fd: {  	v1 =	vld @!p0 [tilespmem:$0x19980];
	_ =	sdelay $0x1  }
0x4fe: {  	v2 =	vld @!p0 [tilespmem:$0x19990];
	_ =	sdelay $0x1  }
0x4ff: {  	v3 =	vld @!p0 [tilespmem:$0x199A0]  }
0x500: {  	v0 =	vadd.f32 @!p0 v1, v0  }
0x501: {  	v1 =	vld @!p0 [tilespmem:$0x199B0]  }
0x502: {  	v0 =	vadd.f32 @!p0 v2, v0  }
0x503: {  	v2 =	vld @!p0 [tilespmem:$0x199C0]  }
0x504: {  	v0 =	vadd.f32 @!p0 v3, v0  }
0x505: {  	v3 =	vld @!p0 [tilespmem:$0x199D0]  }
0x506: {  	v0 =	vadd.f32 @!p0 v1, v0  }
0x507: {  	v1 =	vld @!p0 [tilespmem:$0x199E0]  }
0x508: {  	v0 =	vadd.f32 @!p0 v2, v0  }
0x509: {  	v2 =	vld @!p0 [tilespmem:$0x199F0]  }
0x50a: {  	v0 =	vadd.f32 @!p0 v3, v0  }
0x50b: {  	v3 =	vld @!p0 [tilespmem:$0x19A00]  }
0x50c: {  	v0 =	vadd.f32 @!p0 v1, v0  }
0x50d: {  	v1 =	vld @!p0 [tilespmem:$0x19A10]  }
0x50e: {  	v0 =	vadd.f32 @!p0 v2, v0  }
0x50f: {  	v2 =	vld @!p0 [tilespmem:$0x19A20]  }
0x510: {  	v0 =	vadd.f32 @!p0 v3, v0  }
0x511: {  	v3 =	vld @!p0 [tilespmem:$0x19A30]  }
0x512: {  	v0 =	vadd.f32 @!p0 v1, v0  }
0x513: {  	v1 =	vld @!p0 [tilespmem:$0x19A40]  }
0x514: {  	v0 =	vadd.f32 @!p0 v2, v0  }
0x515: {  	v2 =	vld @!p0 [tilespmem:$0x19A50]  }
0x516: {  	v0 =	vadd.f32 @!p0 v3, v0  }
0x517: {  	v3 =	vld @!p0 [tilespmem:$0x19A60]  }
0x518: {  	v0 =	vadd.f32 @!p0 v1, v0;
	_ =	sdelay $0x1  }
0x519: {  	v0 =	vadd.f32 @!p0 v2, v0;
	_ =	sdelay $0x1  }
0x51a: {  	v0 =	vadd.f32 @!p0 v3, v0;
	_ =	sdelay $0x1  }
0x51b: {  	v0 =	vmul.f32 @!p0 $9.999999740e-05, v0;
	_ =	sdelay $0x1  }
0x51c: {  	s4 =	simm.s32 @!p0 $0x19960;
	s3 =	simm.s32 @!p0 $0x0;
	[tilespmem:$0x19960] =	vst @!p0 v0  }
0x51d: {  	[hbm4b:s1+s3] =	stream.linear.scatter @!p0 [tilespmem:s4], [sflag:$0x1], $0x10, $0x38;
	[tilespmem:$0x1C500] =	vst v63  }
0x51e: {  	_ =	swait.ge @!p0 [sflag:s2], $0x10  }
0x51f: {  	[sflag:s2] =	ssyncset.done @!p0 $0x0  }
0x520: {  	[sflag:s2] =	ssyncadd.s32 @!p0 $0xFFFFFFF0  }
0x521: {  	_ =	sfence.sel @!p0 $0x180000  }
0x522: {  	[bflag:$0x0] =	sbarrier.arrive @!p0 $0xFFFF  }
0x523: {  	_ =	strace @!p0 $0x90000047  }
0x524: {  	s0 =	sadd.s32 @!p0 $0x100000, s0;
	[bflag:$0x2] =	sbarrier.arrive @!p0 $0xFFFF  }
0x525: {  	[sflag:s0] =	ssyncadd.tile.s32 @!p0 $0x1;
	_ =	shalt  }
.Lfunc_end2:
_tile_overlayer_lowered:
.L_overlay_start_2:
0x526: {  	(tag) =	ssettag $0x2  }
0x527: {  	s0 =	rddreg [dreg:$0x0];
	s2 =	stileid.u32  }
0x528: {  	s1 =	rddreg [dreg:$0x1];
	p0 =	sne.s32 s2, $0x0  }
0x529: {  	s3 =	rddreg [dreg:$0x2];
	[bflag:$0x3] =	sbarrier.arrive $0xFFFF;
	s2 =	simm.s32 @!p0 $0x1C01  }
0x52a: {  	[timem:s3], [sflag:s2] =	dma.local @!p0 [hbm:s0], s1  }
0x52b: {  	s0 =	simm.s32 @!p0 $0x1  }
0x52c: {  	_ =	swait.ge @!p0 [sflag:s0], s1  }
0x52d: {  	s1 =	ssub.s32 @!p0 $0x0, s1;
	[sflag:s0] =	ssyncset.done @!p0 $0x0  }
0x52e: {  	[sflag:s0] =	ssyncadd.s32 @!p0 s1  }
0x52f: {  	[bflag:$0x3] =	sbarrier.arrive $0xFFFF  }
0x530: {  	_ =	shalt  }

</sc_bundles>
